<compile_context>
chip_gen: v7x
topology: tpu7x:2x2x1
jax: 0.10.2.dev20260603
libtpu: 0.0.44.dev20260713+nightly
codegen_flags: <defaults>
</compile_context>

<pallas_src>
import functools

import jax
import jax.numpy as jnp
from jax import lax
from jax.experimental import pallas as pl
from jax.experimental.pallas import tpu as pltpu
from jax.experimental.pallas import tpu_sc as plsc

N_NODES = 10000
N_EDGES = 320000
D = 128

NC = 2
NS = 16
NW = NC * NS

N_PAD = 10240
RPS = N_PAD // NS
TRASH = N_NODES + 64
E_PAD = 327680
EPW = E_PAD // NW
EB = 80
NBLK = EPW // EB
H = D // 2
EPT = E_PAD // NS
NBLKT = EPT // EB

_mesh = plsc.VectorSubcoreMesh(core_axis_name="c", subcore_axis_name="s")


@functools.partial(
    pl.kernel,
    out_type=jax.ShapeDtypeStruct((NC, N_PAD, D), jnp.float32),
    mesh=_mesh,
    scratch_types=[
        pltpu.VMEM((EB,), jnp.int32),
        pltpu.VMEM((EB,), jnp.int32),
        pltpu.VMEM((EB,), jnp.int32),
        pltpu.VMEM((EB,), jnp.int32),
        pltpu.VMEM((EB, D), jnp.float32),
        pltpu.VMEM((EB, D), jnp.float32),
        pltpu.VMEM_SHARED((N_PAD, D), jnp.float32),
        pltpu.SemaphoreType.DMA,
    ],
)
def _sc_degrees(src_hbm, dst_hbm, zerosD_hbm, onesA_hbm, onesB_hbm, deg_hbm,
                src_v0, dst_v0, src_v1, dst_v1, onesA_v, onesB_v, acc, sem):
    c = lax.axis_index("c")
    s = lax.axis_index("s")
    wid = c * NS + s
    ebase = wid * EPW

    pltpu.sync_copy(onesA_hbm, onesA_v)
    pltpu.sync_copy(onesB_hbm, onesB_v)
    pltpu.sync_copy(zerosD_hbm.at[pl.ds(s * RPS, RPS)],
                    acc.at[pl.ds(s * RPS, RPS)])
    plsc.subcore_barrier()

    def idx(i, sv, dv):
        pltpu.sync_copy(src_hbm.at[pl.ds(ebase + i * EB, EB)], sv)
        pltpu.sync_copy(dst_hbm.at[pl.ds(ebase + i * EB, EB)], dv)

    def scat(sv, dv):
        d = pltpu.async_copy(onesA_v, acc.at[sv], sem, add=True)
        pltpu.sync_copy(onesB_v, acc.at[dv], add=True)
        d.wait()

    idx(0, src_v0, dst_v0)

    def pair(k, carry):
        b0 = 2 * k
        idx(b0 + 1, src_v1, dst_v1)
        scat(src_v0, dst_v0)
        idx(b0 + 2, src_v0, dst_v0)
        scat(src_v1, dst_v1)
        return carry
    lax.fori_loop(0, NBLK // 2 - 1, pair, 0)

    idx(NBLK - 1, src_v1, dst_v1)
    scat(src_v0, dst_v0)
    scat(src_v1, dst_v1)

    plsc.subcore_barrier()
    pltpu.sync_copy(acc.at[pl.ds(s * RPS, RPS)],
                    deg_hbm.at[c, pl.ds(s * RPS, RPS)])


@functools.partial(
    pl.kernel,
    out_type=jax.ShapeDtypeStruct((NC, N_PAD, D), jnp.float32),
    mesh=_mesh,
    scratch_types=[
        pltpu.VMEM((EB,), jnp.int32),
        pltpu.VMEM((EB,), jnp.int32),
        pltpu.VMEM((EB,), jnp.int32),
        pltpu.VMEM((EB,), jnp.int32),
        pltpu.VMEM((EB, D), jnp.float32),
        pltpu.VMEM((EB, D), jnp.float32),
        pltpu.VMEM_SHARED((N_PAD, D), jnp.float32),
        pltpu.SemaphoreType.DMA,
        pltpu.SemaphoreType.DMA,
    ],
)
def _sc_aggregate(h_hbm, src_hbm, dst_hbm, zerosD_hbm, out_hbm,
                  src_v0, dst_v0, src_v1, dst_v1, rows0, rows1, acc,
                  gsem0, gsem1):
    c = lax.axis_index("c")
    s = lax.axis_index("s")
    wid = c * NS + s
    ebase = wid * EPW

    pltpu.sync_copy(zerosD_hbm.at[pl.ds(s * RPS, RPS)],
                    acc.at[pl.ds(s * RPS, RPS)])
    plsc.subcore_barrier()

    def idx(i, sv, dv):
        pltpu.sync_copy(src_hbm.at[pl.ds(ebase + i * EB, EB)], sv)
        pltpu.sync_copy(dst_hbm.at[pl.ds(ebase + i * EB, EB)], dv)

    def gather(sv, buf, sem):
        return pltpu.async_copy(h_hbm.at[sv], buf, sem)

    def drain(sv, buf, sem):
        pltpu.make_async_copy(h_hbm.at[sv], buf, sem).wait()

    def scatter(dv, buf):
        pltpu.sync_copy(buf, acc.at[dv], add=True)

    idx(0, src_v0, dst_v0)
    gather(src_v0, rows0, gsem0)

    def pair(k, carry):
        b0 = 2 * k
        idx(b0 + 1, src_v1, dst_v1)
        drain(src_v0, rows0, gsem0)
        gather(src_v1, rows1, gsem1)
        scatter(dst_v0, rows0)
        idx(b0 + 2, src_v0, dst_v0)
        drain(src_v1, rows1, gsem1)
        gather(src_v0, rows0, gsem0)
        scatter(dst_v1, rows1)
        return carry
    lax.fori_loop(0, NBLK // 2 - 1, pair, 0)

    idx(NBLK - 1, src_v1, dst_v1)
    drain(src_v0, rows0, gsem0)
    gather(src_v1, rows1, gsem1)
    scatter(dst_v0, rows0)
    drain(src_v1, rows1, gsem1)
    scatter(dst_v1, rows1)

    plsc.subcore_barrier()
    pltpu.sync_copy(acc.at[pl.ds(s * RPS, RPS)],
                    out_hbm.at[c, pl.ds(s * RPS, RPS)])


RB = 1280
NRB = N_PAD // RB


def _dinv(deg):
    return jnp.where(deg > 0, lax.rsqrt(jnp.maximum(deg, 1.0)), 0.0)


def _mm(a, w):
    return jnp.dot(a, w, preferred_element_type=jnp.float32,
                   precision=lax.Precision.HIGHEST)


def _tc_pre_body(x, degp, wres, bres, w1,
                 h1_out, res_out, dinv_i_out, dinv_o_out):
    deg = degp[0] + degp[1]
    dinv_o = _dinv(jnp.broadcast_to(deg[:, 0:1], (RB, 16)))
    dinv_i = _dinv(jnp.broadcast_to(deg[:, 64:65], (RB, 16)))
    dinv_o_out[...] = dinv_o
    dinv_i_out[...] = dinv_i
    res_out[...] = _mm(x[...], wres[...]) + bres[...]
    h1_out[...] = _mm(x[...], w1[...]) * dinv_o[:, 0:1]


def _tc_pre(x, deg_p, W_res, b_res, W1):
    return pl.pallas_call(
        _tc_pre_body,
        grid=(NRB,),
        in_specs=[
            pl.BlockSpec((RB, D), lambda r: (r, 0)),
            pl.BlockSpec((NC, RB, D), lambda r: (0, r, 0)),
            pl.BlockSpec((D, D), lambda r: (0, 0)),
            pl.BlockSpec((1, D), lambda r: (0, 0)),
            pl.BlockSpec((D, D), lambda r: (0, 0)),
        ],
        out_specs=[
            pl.BlockSpec((RB, D), lambda r: (r, 0)),
            pl.BlockSpec((RB, D), lambda r: (r, 0)),
            pl.BlockSpec((RB, 16), lambda r: (r, 0)),
            pl.BlockSpec((RB, 16), lambda r: (r, 0)),
        ],
        out_shape=[
            jax.ShapeDtypeStruct((N_PAD, D), jnp.float32),
            jax.ShapeDtypeStruct((N_PAD, D), jnp.float32),
            jax.ShapeDtypeStruct((N_PAD, 16), jnp.float32),
            jax.ShapeDtypeStruct((N_PAD, 16), jnp.float32),
        ],
    )(x, deg_p, W_res, b_res, W1)


def _tc_mid_body(aggp, dinv_i, dinv_o, b_prev, w, h_out):
    agg = aggp[0] + aggp[1]
    z = jnp.maximum(agg * dinv_i[:, 0:1] + b_prev[...], 0.0)
    h_out[...] = _mm(z, w[...]) * dinv_o[:, 0:1]


def _tc_mid(agg_p, dinv_i, dinv_o, b_prev, W_next):
    return pl.pallas_call(
        _tc_mid_body,
        grid=(NRB,),
        in_specs=[
            pl.BlockSpec((NC, RB, D), lambda r: (0, r, 0)),
            pl.BlockSpec((RB, 16), lambda r: (r, 0)),
            pl.BlockSpec((RB, 16), lambda r: (r, 0)),
            pl.BlockSpec((1, D), lambda r: (0, 0)),
            pl.BlockSpec((D, D), lambda r: (0, 0)),
        ],
        out_specs=pl.BlockSpec((RB, D), lambda r: (r, 0)),
        out_shape=jax.ShapeDtypeStruct((N_PAD, D), jnp.float32),
    )(agg_p, dinv_i, dinv_o, b_prev, W_next)


def _tc_post_body(aggp, dinv_i, b4, res, wop, bop, out):
    agg = aggp[0] + aggp[1]
    z = agg * dinv_i[:, 0:1] + b4[...]
    y = jnp.maximum(z + res[...], 0.0)
    out[...] = _mm(y, wop[...]) + bop[...]


def _tc_post(agg_p, dinv_i, b4, res, W_op_pad, b_op_pad):
    return pl.pallas_call(
        _tc_post_body,
        grid=(NRB,),
        in_specs=[
            pl.BlockSpec((NC, RB, D), lambda r: (0, r, 0)),
            pl.BlockSpec((RB, 16), lambda r: (r, 0)),
            pl.BlockSpec((1, D), lambda r: (0, 0)),
            pl.BlockSpec((RB, D), lambda r: (r, 0)),
            pl.BlockSpec((D, D), lambda r: (0, 0)),
            pl.BlockSpec((1, D), lambda r: (0, 0)),
        ],
        out_specs=pl.BlockSpec((RB, D), lambda r: (r, 0)),
        out_shape=jax.ShapeDtypeStruct((N_PAD, D), jnp.float32),
    )(agg_p, dinv_i, b4, res, W_op_pad, b_op_pad)


@jax.jit
def kernel(inputs, edge_index, W_res, b_res, W1, b1, W2, b2, W3, b3, W4, b4,
           W_op, b_op):
    n_classes = W_op.shape[1]
    x = jnp.pad(inputs, ((0, N_PAD - N_NODES), (0, 0)))
    W_op_pad = jnp.pad(W_op, ((0, 0), (0, D - n_classes)))
    b_op_pad = jnp.pad(b_op, ((0, D - n_classes),)).reshape(1, D)
    zerosD = jnp.zeros((N_PAD, D), jnp.float32)
    col = jnp.arange(D)
    onesA = jnp.broadcast_to((col < 64).astype(jnp.float32), (EB, D))
    onesB = jnp.broadcast_to((col >= 64).astype(jnp.float32), (EB, D))
    pad_idx = (N_NODES
               + jnp.arange(E_PAD - N_EDGES, dtype=jnp.int32)
               % (N_PAD - N_NODES))
    src = jnp.concatenate([edge_index[0], pad_idx])
    dst = jnp.concatenate([edge_index[1], pad_idx])

    deg_p = _sc_degrees(src, dst, zerosD, onesA, onesB)
    h1, res, dinv_i, dinv_o = _tc_pre(x, deg_p, W_res, b_res.reshape(1, D), W1)

    agg1 = _sc_aggregate(h1, src, dst, zerosD)
    h2 = _tc_mid(agg1, dinv_i, dinv_o, b1.reshape(1, D), W2)
    agg2 = _sc_aggregate(h2, src, dst, zerosD)
    h3 = _tc_mid(agg2, dinv_i, dinv_o, b2.reshape(1, D), W3)
    agg3 = _sc_aggregate(h3, src, dst, zerosD)
    h4 = _tc_mid(agg3, dinv_i, dinv_o, b3.reshape(1, D), W4)
    agg4 = _sc_aggregate(h4, src, dst, zerosD)

    out = _tc_post(agg4, dinv_i, b4.reshape(1, D), res, W_op_pad, b_op_pad)
    return out[:N_NODES, :n_classes]

# --- scband reference (transcript-rebuilt; emitter-appended) ---
"""Pipeline reference for scband-gcn-4-layer-fc-45311904973175 (READ-ONLY COPY).

The authoritative reference and input builder live on the scoring server;
editing this copy changes nothing except your own understanding.
"""

import jax, jax.numpy as jnp
import numpy as np

N_NODES = 10000
N_EDGES = 320000
D_IN = 128
H1 = 128
H2 = 128
H3 = 128
H4 = 128
N_CLASSES = 40


def _make_linear(key, fan_in, fan_out):
    kw, kb = jax.random.split(key)
    scale = 1.0 / np.sqrt(fan_in)
    W = jax.random.uniform(kw, (fan_in, fan_out), dtype=jnp.float32, minval=-scale, maxval=scale)
    b = jax.random.uniform(kb, (fan_out,), dtype=jnp.float32, minval=-scale, maxval=scale)
    return W, b


def setup_inputs(seed: int = 0) -> dict:
    key = jax.random.key(seed)
    ks = jax.random.split(key, 8)
    x = jax.random.normal(ks[0], (N_NODES, D_IN), dtype=jnp.float32)
    edge_index = jax.random.randint(ks[1], (2, N_EDGES), 0, N_NODES, dtype=jnp.int32)
    W_res, b_res = _make_linear(ks[2], D_IN, H4)
    W1, b1 = _make_linear(ks[3], D_IN, H1)
    W2, b2 = _make_linear(ks[4], H1, H2)
    W3, b3 = _make_linear(ks[5], H2, H3)
    W4, b4 = _make_linear(ks[6], H3, H4)
    W_op, b_op = _make_linear(ks[7], H4, N_CLASSES)
    return {
        "inputs": x,
        "edge_index": edge_index,
        "W_res": W_res, "b_res": b_res,
        "W1": W1, "b1": b1,
        "W2": W2, "b2": b2,
        "W3": W3, "b3": b3,
        "W4": W4, "b4": b4,
        "W_op": W_op, "b_op": b_op,
    }


def _graph_conv(x, W, b, src, dst, dinv_out, dinv_in):
    # DGL GraphConv with norm='both': D^{-1/2} A D^{-1/2} X W + b
    h = x @ W
    h = h * dinv_out[:, None]
    msg = jnp.take(h, src, axis=0)
    agg = jax.ops.segment_sum(msg, dst, num_segments=N_NODES)
    agg = agg * dinv_in[:, None]
    return agg + b


def reference(inputs, edge_index, W_res, b_res, W1, b1, W2, b2, W3, b3, W4, b4, W_op, b_op):
    src = edge_index[0]
    dst = edge_index[1]
    ones = jnp.ones((src.shape[0],), dtype=inputs.dtype)
    deg_out = jax.ops.segment_sum(ones, src, num_segments=N_NODES)
    deg_in = jax.ops.segment_sum(ones, dst, num_segments=N_NODES)
    dinv_out = jnp.where(deg_out > 0, jax.lax.rsqrt(jnp.maximum(deg_out, 1.0)), 0.0)
    dinv_in = jnp.where(deg_in > 0, jax.lax.rsqrt(jnp.maximum(deg_in, 1.0)), 0.0)

    res_op = inputs @ W_res + b_res
    out = jax.nn.relu(_graph_conv(inputs, W1, b1, src, dst, dinv_out, dinv_in))
    out = jax.nn.relu(_graph_conv(out, W2, b2, src, dst, dinv_out, dinv_in))
    out = jax.nn.relu(_graph_conv(out, W3, b3, src, dst, dinv_out, dinv_in))
    out = _graph_conv(out, W4, b4, src, dst, dinv_out, dinv_in)
    out = jax.nn.relu(out + res_op)
    out = out @ W_op + b_op
    return out

if __name__ == "__main__":
    import jax
    _d = setup_inputs()
    print(jax.jit(kernel)(*tuple(_d.values())))

</pallas_src>

<mosaic_0001>
#map = affine_map<(d0, d1) -> (0, 0)>
#map1 = affine_map<(d0, d1) -> (0)>
#map2 = affine_map<(d0, d1) -> (0, 0, 0)>
module attributes {stable_mosaic.version = 14 : i64} {
  func.func @_sc_aggregate(%arg0: i32, %arg1: i32, %arg2: memref<10240x128xf32, #tpu.memory_space<hbm>>, %arg3: memref<327680xi32, #tpu.memory_space<hbm>>, %arg4: memref<327680xi32, #tpu.memory_space<hbm>>, %arg5: memref<10240x128xf32, #tpu.memory_space<hbm>>, %arg6: memref<2x10240x128xf32, #tpu.memory_space<hbm>>, %arg7: memref<80xi32, #tpu.memory_space<vmem>>, %arg8: memref<80xi32, #tpu.memory_space<vmem>>, %arg9: memref<80xi32, #tpu.memory_space<vmem>>, %arg10: memref<80xi32, #tpu.memory_space<vmem>>, %arg11: memref<80x128xf32, #tpu.memory_space<vmem>>, %arg12: memref<80x128xf32, #tpu.memory_space<vmem>>, %arg13: memref<10240x128xf32, #tpu.memory_space<vmem_shared>>, %arg14: memref<!tpu.dma_semaphore, #tpu.memory_space<semaphore_mem>>, %arg15: memref<!tpu.dma_semaphore, #tpu.memory_space<semaphore_mem>>) attributes {dimension_semantics = [#tpu.dimension_semantics<core_parallel>, #tpu.dimension_semantics<subcore_parallel>], iteration_bounds = array<i64: 2, 16>, scalar_prefetch = 0 : i64, scratch_operands = 9 : i64, tpu.core_type = #tpu.core_type<sc_vector_subcore>, window_params = [{transform_indices = #map}, {transform_indices = #map1}, {transform_indices = #map1}, {transform_indices = #map}, {transform_indices = #map2}]} {
    %mul3A = arith.constant 16 : i32
    %mul3A_0 = arith.muli %arg0, %mul3A : i32
    %add3A = arith.addi %mul3A_0, %arg1 : i32
    %mul3A_1 = arith.constant 10240 : i32
    %mul3A_2 = arith.muli %add3A, %mul3A_1 : i32
    %mul3A_3 = arith.constant 640 : i32
    %mul3A_4 = arith.muli %arg1, %mul3A_3 : i32
    %mul3A_5 = arith.constant 640 : i32
    %mul3A_6 = arith.muli %arg1, %mul3A_5 : i32
    "tpu.region"() ({
      %run_scoped3A = tpu.sem_alloc : memref<!tpu.dma_semaphore, #tpu.memory_space<semaphore_mem>>
      %dma_start3A_35 = arith.constant 0 : i32
      %dma_start3A_36 = tpu.memref_slice %arg13[%mul3A_6, %dma_start3A_35] : memref<10240x128xf32, #tpu.memory_space<vmem_shared>> -> memref<640x128xf32, #tpu.memory_space<vmem_shared>>
      %dma_start3A_37 = arith.constant 0 : i32
      %dma_start3A_38 = tpu.memref_slice %arg5[%mul3A_4, %dma_start3A_37] : memref<10240x128xf32, #tpu.memory_space<hbm>> -> memref<640x128xf32, #tpu.memory_space<hbm>>
      tpu.enqueue_dma source(%dma_start3A_38 : memref<640x128xf32, #tpu.memory_space<hbm>>) target(%dma_start3A_36 : memref<640x128xf32, #tpu.memory_space<vmem_shared>>) target_semaphore(%run_scoped3A : memref<!tpu.dma_semaphore, #tpu.memory_space<semaphore_mem>>)
      %dma_wait3A_39 = arith.constant 0 : i32
      %dma_wait3A_40 = tpu.memref_slice %arg13[%mul3A_6, %dma_wait3A_39] : memref<10240x128xf32, #tpu.memory_space<vmem_shared>> -> memref<640x128xf32, #tpu.memory_space<vmem_shared>>
      %dma_wait3A_41 = arith.constant 0 : i32
      %dma_wait3A_42 = tpu.memref_slice %arg5[%mul3A_4, %dma_wait3A_41] : memref<10240x128xf32, #tpu.memory_space<hbm>> -> memref<640x128xf32, #tpu.memory_space<hbm>>
      tpu.wait_dma2 semaphore(%run_scoped3A : memref<!tpu.dma_semaphore, #tpu.memory_space<semaphore_mem>>) src(%dma_wait3A_42 : memref<640x128xf32, #tpu.memory_space<hbm>>) dst(%dma_wait3A_40 : memref<640x128xf32, #tpu.memory_space<vmem_shared>>)
      tpu.yield
    }) : () -> ()
    %barrier3A = arith.constant 0 : index
    tpu.barrier barrier_id(%barrier3A)
    %add3A_7 = arith.constant 0 : i32
    %add3A_8 = arith.addi %mul3A_2, %add3A_7 : i32
    "tpu.region"() ({
      %run_scoped3A = tpu.sem_alloc : memref<!tpu.dma_semaphore, #tpu.memory_space<semaphore_mem>>
      %dma_start3A_35 = tpu.memref_slice %arg3[%add3A_8] : memref<327680xi32, #tpu.memory_space<hbm>> -> memref<80xi32, #tpu.memory_space<hbm>>
      %dma_start3A_36 = tpu.memref_slice %arg3[%add3A_8] : memref<327680xi32, #tpu.memory_space<hbm>> -> memref<80xi32, #tpu.memory_space<hbm>>
      tpu.enqueue_dma source(%dma_start3A_36 : memref<80xi32, #tpu.memory_space<hbm>>) target(%arg7 : memref<80xi32, #tpu.memory_space<vmem>>) target_semaphore(%run_scoped3A : memref<!tpu.dma_semaphore, #tpu.memory_space<semaphore_mem>>)
      %dma_wait3A_37 = tpu.memref_slice %arg3[%add3A_8] : memref<327680xi32, #tpu.memory_space<hbm>> -> memref<80xi32, #tpu.memory_space<hbm>>
      %dma_wait3A_38 = tpu.memref_slice %arg3[%add3A_8] : memref<327680xi32, #tpu.memory_space<hbm>> -> memref<80xi32, #tpu.memory_space<hbm>>
      tpu.wait_dma2 semaphore(%run_scoped3A : memref<!tpu.dma_semaphore, #tpu.memory_space<semaphore_mem>>) src(%dma_wait3A_38 : memref<80xi32, #tpu.memory_space<hbm>>) dst(%arg7 : memref<80xi32, #tpu.memory_space<vmem>>)
      tpu.yield
    }) : () -> ()
    %add3A_9 = arith.constant 0 : i32
    %add3A_10 = arith.addi %mul3A_2, %add3A_9 : i32
    "tpu.region"() ({
      %run_scoped3A = tpu.sem_alloc : memref<!tpu.dma_semaphore, #tpu.memory_space<semaphore_mem>>
      %dma_start3A_35 = tpu.memref_slice %arg4[%add3A_10] : memref<327680xi32, #tpu.memory_space<hbm>> -> memref<80xi32, #tpu.memory_space<hbm>>
      %dma_start3A_36 = tpu.memref_slice %arg4[%add3A_10] : memref<327680xi32, #tpu.memory_space<hbm>> -> memref<80xi32, #tpu.memory_space<hbm>>
      tpu.enqueue_dma source(%dma_start3A_36 : memref<80xi32, #tpu.memory_space<hbm>>) target(%arg8 : memref<80xi32, #tpu.memory_space<vmem>>) target_semaphore(%run_scoped3A : memref<!tpu.dma_semaphore, #tpu.memory_space<semaphore_mem>>)
      %dma_wait3A_37 = tpu.memref_slice %arg4[%add3A_10] : memref<327680xi32, #tpu.memory_space<hbm>> -> memref<80xi32, #tpu.memory_space<hbm>>
      %dma_wait3A_38 = tpu.memref_slice %arg4[%add3A_10] : memref<327680xi32, #tpu.memory_space<hbm>> -> memref<80xi32, #tpu.memory_space<hbm>>
      tpu.wait_dma2 semaphore(%run_scoped3A : memref<!tpu.dma_semaphore, #tpu.memory_space<semaphore_mem>>) src(%dma_wait3A_38 : memref<80xi32, #tpu.memory_space<hbm>>) dst(%arg8 : memref<80xi32, #tpu.memory_space<vmem>>)
      tpu.yield
    }) : () -> ()
    %dma_start3A = arith.constant 0 : i32
    %dma_start3A_11 = arith.constant 0 : i32
    %dma_start3A_12 = tpu.memref_slice %arg2[%dma_start3A, %dma_start3A_11] : memref<10240x128xf32, #tpu.memory_space<hbm>> -> memref<10240x128xf32, #tpu.memory_space<hbm>>
    tpu.enqueue_indirect_dma source(%dma_start3A_12 : memref<10240x128xf32, #tpu.memory_space<hbm>>) target(%arg11 : memref<80x128xf32, #tpu.memory_space<vmem>>) offsets(%arg7 : memref<80xi32, #tpu.memory_space<vmem>>) semaphore(%arg14 : memref<!tpu.dma_semaphore, #tpu.memory_space<semaphore_mem>>)
    %scan3A = arith.constant 0 : i32
    %scan3A_13 = arith.constant 0 : i32
    %scan3A_14 = arith.constant 63 : i32
    %scan3A_15 = arith.addi %scan3A_13, %scan3A_14 : i32
    %scan3A_16 = arith.constant 1 : i32
    scf.for %scan3A_35 = %scan3A_13 to %scan3A_15 step %scan3A_16  : i32 {
      %mul3A_36 = arith.constant 2 : i32
      %mul3A_37 = arith.muli %mul3A_36, %scan3A_35 : i32
      %add3A_38 = arith.constant 1 : i32
      %add3A_39 = arith.addi %mul3A_37, %add3A_38 : i32
      %mul3A_40 = arith.constant 80 : i32
      %mul3A_41 = arith.muli %add3A_39, %mul3A_40 : i32
      %add3A_42 = arith.addi %mul3A_2, %mul3A_41 : i32
      "tpu.region"() ({
        %run_scoped3A = tpu.sem_alloc : memref<!tpu.dma_semaphore, #tpu.memory_space<semaphore_mem>>
        %dma_start3A_66 = tpu.memref_slice %arg3[%add3A_42] : memref<327680xi32, #tpu.memory_space<hbm>> -> memref<80xi32, #tpu.memory_space<hbm>>
        %dma_start3A_67 = tpu.memref_slice %arg3[%add3A_42] : memref<327680xi32, #tpu.memory_space<hbm>> -> memref<80xi32, #tpu.memory_space<hbm>>
        tpu.enqueue_dma source(%dma_start3A_67 : memref<80xi32, #tpu.memory_space<hbm>>) target(%arg9 : memref<80xi32, #tpu.memory_space<vmem>>) target_semaphore(%run_scoped3A : memref<!tpu.dma_semaphore, #tpu.memory_space<semaphore_mem>>)
        %dma_wait3A_68 = tpu.memref_slice %arg3[%add3A_42] : memref<327680xi32, #tpu.memory_space<hbm>> -> memref<80xi32, #tpu.memory_space<hbm>>
        %dma_wait3A_69 = tpu.memref_slice %arg3[%add3A_42] : memref<327680xi32, #tpu.memory_space<hbm>> -> memref<80xi32, #tpu.memory_space<hbm>>
        tpu.wait_dma2 semaphore(%run_scoped3A : memref<!tpu.dma_semaphore, #tpu.memory_space<semaphore_mem>>) src(%dma_wait3A_69 : memref<80xi32, #tpu.memory_space<hbm>>) dst(%arg9 : memref<80xi32, #tpu.memory_space<vmem>>)
        tpu.yield
      }) : () -> ()
      %mul3A_43 = arith.constant 80 : i32
      %mul3A_44 = arith.muli %add3A_39, %mul3A_43 : i32
      %add3A_45 = arith.addi %mul3A_2, %mul3A_44 : i32
      "tpu.region"() ({
        %run_scoped3A = tpu.sem_alloc : memref<!tpu.dma_semaphore, #tpu.memory_space<semaphore_mem>>
        %dma_start3A_66 = tpu.memref_slice %arg4[%add3A_45] : memref<327680xi32, #tpu.memory_space<hbm>> -> memref<80xi32, #tpu.memory_space<hbm>>
        %dma_start3A_67 = tpu.memref_slice %arg4[%add3A_45] : memref<327680xi32, #tpu.memory_space<hbm>> -> memref<80xi32, #tpu.memory_space<hbm>>
        tpu.enqueue_dma source(%dma_start3A_67 : memref<80xi32, #tpu.memory_space<hbm>>) target(%arg10 : memref<80xi32, #tpu.memory_space<vmem>>) target_semaphore(%run_scoped3A : memref<!tpu.dma_semaphore, #tpu.memory_space<semaphore_mem>>)
        %dma_wait3A_68 = tpu.memref_slice %arg4[%add3A_45] : memref<327680xi32, #tpu.memory_space<hbm>> -> memref<80xi32, #tpu.memory_space<hbm>>
        %dma_wait3A_69 = tpu.memref_slice %arg4[%add3A_45] : memref<327680xi32, #tpu.memory_space<hbm>> -> memref<80xi32, #tpu.memory_space<hbm>>
        tpu.wait_dma2 semaphore(%run_scoped3A : memref<!tpu.dma_semaphore, #tpu.memory_space<semaphore_mem>>) src(%dma_wait3A_69 : memref<80xi32, #tpu.memory_space<hbm>>) dst(%arg10 : memref<80xi32, #tpu.memory_space<vmem>>)
        tpu.yield
      }) : () -> ()
      %dma_wait3A_46 = arith.constant 0 : i32
      %dma_wait3A_47 = arith.constant 0 : i32
      %dma_wait3A_48 = tpu.memref_slice %arg2[%dma_wait3A_46, %dma_wait3A_47] : memref<10240x128xf32, #tpu.memory_space<hbm>> -> memref<10240x128xf32, #tpu.memory_space<hbm>>
      tpu.wait_indirect_dma semaphore(%arg14 : memref<!tpu.dma_semaphore, #tpu.memory_space<semaphore_mem>>) src(%dma_wait3A_48 : memref<10240x128xf32, #tpu.memory_space<hbm>>) dst(%arg11 : memref<80x128xf32, #tpu.memory_space<vmem>>)
      %dma_start3A_49 = arith.constant 0 : i32
      %dma_start3A_50 = arith.constant 0 : i32
      %dma_start3A_51 = tpu.memref_slice %arg2[%dma_start3A_49, %dma_start3A_50] : memref<10240x128xf32, #tpu.memory_space<hbm>> -> memref<10240x128xf32, #tpu.memory_space<hbm>>
      tpu.enqueue_indirect_dma source(%dma_start3A_51 : memref<10240x128xf32, #tpu.memory_space<hbm>>) target(%arg12 : memref<80x128xf32, #tpu.memory_space<vmem>>) offsets(%arg9 : memref<80xi32, #tpu.memory_space<vmem>>) semaphore(%arg15 : memref<!tpu.dma_semaphore, #tpu.memory_space<semaphore_mem>>)
      "tpu.region"() ({
        %run_scoped3A = tpu.sem_alloc : memref<!tpu.dma_semaphore, #tpu.memory_space<semaphore_mem>>
        %dma_start3A_66 = arith.constant 0 : i32
        %dma_start3A_67 = arith.constant 0 : i32
        %dma_start3A_68 = tpu.memref_slice %arg13[%dma_start3A_66, %dma_start3A_67] : memref<10240x128xf32, #tpu.memory_space<vmem_shared>> -> memref<10240x128xf32, #tpu.memory_space<vmem_shared>>
        tpu.enqueue_indirect_dma source(%arg11 : memref<80x128xf32, #tpu.memory_space<vmem>>) target(%dma_start3A_68 : memref<10240x128xf32, #tpu.memory_space<vmem_shared>>) offsets(%arg8 : memref<80xi32, #tpu.memory_space<vmem>>) semaphore(%run_scoped3A : memref<!tpu.dma_semaphore, #tpu.memory_space<semaphore_mem>>) {add = true}
        %dma_wait3A_69 = arith.constant 0 : i32
        %dma_wait3A_70 = arith.constant 0 : i32
        %dma_wait3A_71 = tpu.memref_slice %arg13[%dma_wait3A_69, %dma_wait3A_70] : memref<10240x128xf32, #tpu.memory_space<vmem_shared>> -> memref<10240x128xf32, #tpu.memory_space<vmem_shared>>
        tpu.wait_indirect_dma semaphore(%run_scoped3A : memref<!tpu.dma_semaphore, #tpu.memory_space<semaphore_mem>>) src(%arg11 : memref<80x128xf32, #tpu.memory_space<vmem>>) dst(%dma_wait3A_71 : memref<10240x128xf32, #tpu.memory_space<vmem_shared>>)
        tpu.yield
      }) : () -> ()
      %add3A_52 = arith.constant 2 : i32
      %add3A_53 = arith.addi %mul3A_37, %add3A_52 : i32
      %mul3A_54 = arith.constant 80 : i32
      %mul3A_55 = arith.muli %add3A_53, %mul3A_54 : i32
      %add3A_56 = arith.addi %mul3A_2, %mul3A_55 : i32
      "tpu.region"() ({
        %run_scoped3A = tpu.sem_alloc : memref<!tpu.dma_semaphore, #tpu.memory_space<semaphore_mem>>
        %dma_start3A_66 = tpu.memref_slice %arg3[%add3A_56] : memref<327680xi32, #tpu.memory_space<hbm>> -> memref<80xi32, #tpu.memory_space<hbm>>
        %dma_start3A_67 = tpu.memref_slice %arg3[%add3A_56] : memref<327680xi32, #tpu.memory_space<hbm>> -> memref<80xi32, #tpu.memory_space<hbm>>
        tpu.enqueue_dma source(%dma_start3A_67 : memref<80xi32, #tpu.memory_space<hbm>>) target(%arg7 : memref<80xi32, #tpu.memory_space<vmem>>) target_semaphore(%run_scoped3A : memref<!tpu.dma_semaphore, #tpu.memory_space<semaphore_mem>>)
        %dma_wait3A_68 = tpu.memref_slice %arg3[%add3A_56] : memref<327680xi32, #tpu.memory_space<hbm>> -> memref<80xi32, #tpu.memory_space<hbm>>
        %dma_wait3A_69 = tpu.memref_slice %arg3[%add3A_56] : memref<327680xi32, #tpu.memory_space<hbm>> -> memref<80xi32, #tpu.memory_space<hbm>>
        tpu.wait_dma2 semaphore(%run_scoped3A : memref<!tpu.dma_semaphore, #tpu.memory_space<semaphore_mem>>) src(%dma_wait3A_69 : memref<80xi32, #tpu.memory_space<hbm>>) dst(%arg7 : memref<80xi32, #tpu.memory_space<vmem>>)
        tpu.yield
      }) : () -> ()
      %mul3A_57 = arith.constant 80 : i32
      %mul3A_58 = arith.muli %add3A_53, %mul3A_57 : i32
      %add3A_59 = arith.addi %mul3A_2, %mul3A_58 : i32
      "tpu.region"() ({
        %run_scoped3A = tpu.sem_alloc : memref<!tpu.dma_semaphore, #tpu.memory_space<semaphore_mem>>
        %dma_start3A_66 = tpu.memref_slice %arg4[%add3A_59] : memref<327680xi32, #tpu.memory_space<hbm>> -> memref<80xi32, #tpu.memory_space<hbm>>
        %dma_start3A_67 = tpu.memref_slice %arg4[%add3A_59] : memref<327680xi32, #tpu.memory_space<hbm>> -> memref<80xi32, #tpu.memory_space<hbm>>
        tpu.enqueue_dma source(%dma_start3A_67 : memref<80xi32, #tpu.memory_space<hbm>>) target(%arg8 : memref<80xi32, #tpu.memory_space<vmem>>) target_semaphore(%run_scoped3A : memref<!tpu.dma_semaphore, #tpu.memory_space<semaphore_mem>>)
        %dma_wait3A_68 = tpu.memref_slice %arg4[%add3A_59] : memref<327680xi32, #tpu.memory_space<hbm>> -> memref<80xi32, #tpu.memory_space<hbm>>
        %dma_wait3A_69 = tpu.memref_slice %arg4[%add3A_59] : memref<327680xi32, #tpu.memory_space<hbm>> -> memref<80xi32, #tpu.memory_space<hbm>>
        tpu.wait_dma2 semaphore(%run_scoped3A : memref<!tpu.dma_semaphore, #tpu.memory_space<semaphore_mem>>) src(%dma_wait3A_69 : memref<80xi32, #tpu.memory_space<hbm>>) dst(%arg8 : memref<80xi32, #tpu.memory_space<vmem>>)
        tpu.yield
      }) : () -> ()
      %dma_wait3A_60 = arith.constant 0 : i32
      %dma_wait3A_61 = arith.constant 0 : i32
      %dma_wait3A_62 = tpu.memref_slice %arg2[%dma_wait3A_60, %dma_wait3A_61] : memref<10240x128xf32, #tpu.memory_space<hbm>> -> memref<10240x128xf32, #tpu.memory_space<hbm>>
      tpu.wait_indirect_dma semaphore(%arg15 : memref<!tpu.dma_semaphore, #tpu.memory_space<semaphore_mem>>) src(%dma_wait3A_62 : memref<10240x128xf32, #tpu.memory_space<hbm>>) dst(%arg12 : memref<80x128xf32, #tpu.memory_space<vmem>>)
      %dma_start3A_63 = arith.constant 0 : i32
      %dma_start3A_64 = arith.constant 0 : i32
      %dma_start3A_65 = tpu.memref_slice %arg2[%dma_start3A_63, %dma_start3A_64] : memref<10240x128xf32, #tpu.memory_space<hbm>> -> memref<10240x128xf32, #tpu.memory_space<hbm>>
      tpu.enqueue_indirect_dma source(%dma_start3A_65 : memref<10240x128xf32, #tpu.memory_space<hbm>>) target(%arg11 : memref<80x128xf32, #tpu.memory_space<vmem>>) offsets(%arg7 : memref<80xi32, #tpu.memory_space<vmem>>) semaphore(%arg14 : memref<!tpu.dma_semaphore, #tpu.memory_space<semaphore_mem>>)
      "tpu.region"() ({
        %run_scoped3A = tpu.sem_alloc : memref<!tpu.dma_semaphore, #tpu.memory_space<semaphore_mem>>
        %dma_start3A_66 = arith.constant 0 : i32
        %dma_start3A_67 = arith.constant 0 : i32
        %dma_start3A_68 = tpu.memref_slice %arg13[%dma_start3A_66, %dma_start3A_67] : memref<10240x128xf32, #tpu.memory_space<vmem_shared>> -> memref<10240x128xf32, #tpu.memory_space<vmem_shared>>
        tpu.enqueue_indirect_dma source(%arg12 : memref<80x128xf32, #tpu.memory_space<vmem>>) target(%dma_start3A_68 : memref<10240x128xf32, #tpu.memory_space<vmem_shared>>) offsets(%arg10 : memref<80xi32, #tpu.memory_space<vmem>>) semaphore(%run_scoped3A : memref<!tpu.dma_semaphore, #tpu.memory_space<semaphore_mem>>) {add = true}
        %dma_wait3A_69 = arith.constant 0 : i32
        %dma_wait3A_70 = arith.constant 0 : i32
        %dma_wait3A_71 = tpu.memref_slice %arg13[%dma_wait3A_69, %dma_wait3A_70] : memref<10240x128xf32, #tpu.memory_space<vmem_shared>> -> memref<10240x128xf32, #tpu.memory_space<vmem_shared>>
        tpu.wait_indirect_dma semaphore(%run_scoped3A : memref<!tpu.dma_semaphore, #tpu.memory_space<semaphore_mem>>) src(%arg12 : memref<80x128xf32, #tpu.memory_space<vmem>>) dst(%dma_wait3A_71 : memref<10240x128xf32, #tpu.memory_space<vmem_shared>>)
        tpu.yield
      }) : () -> ()
    }
    %scan3A_17 = arith.constant 63 : i32
    %add3A_18 = arith.constant 10160 : i32
    %add3A_19 = arith.addi %mul3A_2, %add3A_18 : i32
    "tpu.region"() ({
      %run_scoped3A = tpu.sem_alloc : memref<!tpu.dma_semaphore, #tpu.memory_space<semaphore_mem>>
      %dma_start3A_35 = tpu.memref_slice %arg3[%add3A_19] : memref<327680xi32, #tpu.memory_space<hbm>> -> memref<80xi32, #tpu.memory_space<hbm>>
      %dma_start3A_36 = tpu.memref_slice %arg3[%add3A_19] : memref<327680xi32, #tpu.memory_space<hbm>> -> memref<80xi32, #tpu.memory_space<hbm>>
      tpu.enqueue_dma source(%dma_start3A_36 : memref<80xi32, #tpu.memory_space<hbm>>) target(%arg9 : memref<80xi32, #tpu.memory_space<vmem>>) target_semaphore(%run_scoped3A : memref<!tpu.dma_semaphore, #tpu.memory_space<semaphore_mem>>)
      %dma_wait3A_37 = tpu.memref_slice %arg3[%add3A_19] : memref<327680xi32, #tpu.memory_space<hbm>> -> memref<80xi32, #tpu.memory_space<hbm>>
      %dma_wait3A_38 = tpu.memref_slice %arg3[%add3A_19] : memref<327680xi32, #tpu.memory_space<hbm>> -> memref<80xi32, #tpu.memory_space<hbm>>
      tpu.wait_dma2 semaphore(%run_scoped3A : memref<!tpu.dma_semaphore, #tpu.memory_space<semaphore_mem>>) src(%dma_wait3A_38 : memref<80xi32, #tpu.memory_space<hbm>>) dst(%arg9 : memref<80xi32, #tpu.memory_space<vmem>>)
      tpu.yield
    }) : () -> ()
    %add3A_20 = arith.constant 10160 : i32
    %add3A_21 = arith.addi %mul3A_2, %add3A_20 : i32
    "tpu.region"() ({
      %run_scoped3A = tpu.sem_alloc : memref<!tpu.dma_semaphore, #tpu.memory_space<semaphore_mem>>
      %dma_start3A_35 = tpu.memref_slice %arg4[%add3A_21] : memref<327680xi32, #tpu.memory_space<hbm>> -> memref<80xi32, #tpu.memory_space<hbm>>
      %dma_start3A_36 = tpu.memref_slice %arg4[%add3A_21] : memref<327680xi32, #tpu.memory_space<hbm>> -> memref<80xi32, #tpu.memory_space<hbm>>
      tpu.enqueue_dma source(%dma_start3A_36 : memref<80xi32, #tpu.memory_space<hbm>>) target(%arg10 : memref<80xi32, #tpu.memory_space<vmem>>) target_semaphore(%run_scoped3A : memref<!tpu.dma_semaphore, #tpu.memory_space<semaphore_mem>>)
      %dma_wait3A_37 = tpu.memref_slice %arg4[%add3A_21] : memref<327680xi32, #tpu.memory_space<hbm>> -> memref<80xi32, #tpu.memory_space<hbm>>
      %dma_wait3A_38 = tpu.memref_slice %arg4[%add3A_21] : memref<327680xi32, #tpu.memory_space<hbm>> -> memref<80xi32, #tpu.memory_space<hbm>>
      tpu.wait_dma2 semaphore(%run_scoped3A : memref<!tpu.dma_semaphore, #tpu.memory_space<semaphore_mem>>) src(%dma_wait3A_38 : memref<80xi32, #tpu.memory_space<hbm>>) dst(%arg10 : memref<80xi32, #tpu.memory_space<vmem>>)
      tpu.yield
    }) : () -> ()
    %dma_wait3A = arith.constant 0 : i32
    %dma_wait3A_22 = arith.constant 0 : i32
    %dma_wait3A_23 = tpu.memref_slice %arg2[%dma_wait3A, %dma_wait3A_22] : memref<10240x128xf32, #tpu.memory_space<hbm>> -> memref<10240x128xf32, #tpu.memory_space<hbm>>
    tpu.wait_indirect_dma semaphore(%arg14 : memref<!tpu.dma_semaphore, #tpu.memory_space<semaphore_mem>>) src(%dma_wait3A_23 : memref<10240x128xf32, #tpu.memory_space<hbm>>) dst(%arg11 : memref<80x128xf32, #tpu.memory_space<vmem>>)
    %dma_start3A_24 = arith.constant 0 : i32
    %dma_start3A_25 = arith.constant 0 : i32
    %dma_start3A_26 = tpu.memref_slice %arg2[%dma_start3A_24, %dma_start3A_25] : memref<10240x128xf32, #tpu.memory_space<hbm>> -> memref<10240x128xf32, #tpu.memory_space<hbm>>
    tpu.enqueue_indirect_dma source(%dma_start3A_26 : memref<10240x128xf32, #tpu.memory_space<hbm>>) target(%arg12 : memref<80x128xf32, #tpu.memory_space<vmem>>) offsets(%arg9 : memref<80xi32, #tpu.memory_space<vmem>>) semaphore(%arg15 : memref<!tpu.dma_semaphore, #tpu.memory_space<semaphore_mem>>)
    "tpu.region"() ({
      %run_scoped3A = tpu.sem_alloc : memref<!tpu.dma_semaphore, #tpu.memory_space<semaphore_mem>>
      %dma_start3A_35 = arith.constant 0 : i32
      %dma_start3A_36 = arith.constant 0 : i32
      %dma_start3A_37 = tpu.memref_slice %arg13[%dma_start3A_35, %dma_start3A_36] : memref<10240x128xf32, #tpu.memory_space<vmem_shared>> -> memref<10240x128xf32, #tpu.memory_space<vmem_shared>>
      tpu.enqueue_indirect_dma source(%arg11 : memref<80x128xf32, #tpu.memory_space<vmem>>) target(%dma_start3A_37 : memref<10240x128xf32, #tpu.memory_space<vmem_shared>>) offsets(%arg8 : memref<80xi32, #tpu.memory_space<vmem>>) semaphore(%run_scoped3A : memref<!tpu.dma_semaphore, #tpu.memory_space<semaphore_mem>>) {add = true}
      %dma_wait3A_38 = arith.constant 0 : i32
      %dma_wait3A_39 = arith.constant 0 : i32
      %dma_wait3A_40 = tpu.memref_slice %arg13[%dma_wait3A_38, %dma_wait3A_39] : memref<10240x128xf32, #tpu.memory_space<vmem_shared>> -> memref<10240x128xf32, #tpu.memory_space<vmem_shared>>
      tpu.wait_indirect_dma semaphore(%run_scoped3A : memref<!tpu.dma_semaphore, #tpu.memory_space<semaphore_mem>>) src(%arg11 : memref<80x128xf32, #tpu.memory_space<vmem>>) dst(%dma_wait3A_40 : memref<10240x128xf32, #tpu.memory_space<vmem_shared>>)
      tpu.yield
    }) : () -> ()
    %dma_wait3A_27 = arith.constant 0 : i32
    %dma_wait3A_28 = arith.constant 0 : i32
    %dma_wait3A_29 = tpu.memref_slice %arg2[%dma_wait3A_27, %dma_wait3A_28] : memref<10240x128xf32, #tpu.memory_space<hbm>> -> memref<10240x128xf32, #tpu.memory_space<hbm>>
    tpu.wait_indirect_dma semaphore(%arg15 : memref<!tpu.dma_semaphore, #tpu.memory_space<semaphore_mem>>) src(%dma_wait3A_29 : memref<10240x128xf32, #tpu.memory_space<hbm>>) dst(%arg12 : memref<80x128xf32, #tpu.memory_space<vmem>>)
    "tpu.region"() ({
      %run_scoped3A = tpu.sem_alloc : memref<!tpu.dma_semaphore, #tpu.memory_space<semaphore_mem>>
      %dma_start3A_35 = arith.constant 0 : i32
      %dma_start3A_36 = arith.constant 0 : i32
      %dma_start3A_37 = tpu.memref_slice %arg13[%dma_start3A_35, %dma_start3A_36] : memref<10240x128xf32, #tpu.memory_space<vmem_shared>> -> memref<10240x128xf32, #tpu.memory_space<vmem_shared>>
      tpu.enqueue_indirect_dma source(%arg12 : memref<80x128xf32, #tpu.memory_space<vmem>>) target(%dma_start3A_37 : memref<10240x128xf32, #tpu.memory_space<vmem_shared>>) offsets(%arg10 : memref<80xi32, #tpu.memory_space<vmem>>) semaphore(%run_scoped3A : memref<!tpu.dma_semaphore, #tpu.memory_space<semaphore_mem>>) {add = true}
      %dma_wait3A_38 = arith.constant 0 : i32
      %dma_wait3A_39 = arith.constant 0 : i32
      %dma_wait3A_40 = tpu.memref_slice %arg13[%dma_wait3A_38, %dma_wait3A_39] : memref<10240x128xf32, #tpu.memory_space<vmem_shared>> -> memref<10240x128xf32, #tpu.memory_space<vmem_shared>>
      tpu.wait_indirect_dma semaphore(%run_scoped3A : memref<!tpu.dma_semaphore, #tpu.memory_space<semaphore_mem>>) src(%arg12 : memref<80x128xf32, #tpu.memory_space<vmem>>) dst(%dma_wait3A_40 : memref<10240x128xf32, #tpu.memory_space<vmem_shared>>)
      tpu.yield
    }) : () -> ()
    %barrier3A_30 = arith.constant 0 : index
    tpu.barrier barrier_id(%barrier3A_30)
    %mul3A_31 = arith.constant 640 : i32
    %mul3A_32 = arith.muli %arg1, %mul3A_31 : i32
    %mul3A_33 = arith.constant 640 : i32
    %mul3A_34 = arith.muli %arg1, %mul3A_33 : i32
    "tpu.region"() ({
      %run_scoped3A = tpu.sem_alloc : memref<!tpu.dma_semaphore, #tpu.memory_space<semaphore_mem>>
      %dma_start3A_35 = arith.constant 0 : i32
      %dma_start3A_36 = tpu.memref_slice %arg6[%arg0, %mul3A_34, %dma_start3A_35] : memref<2x10240x128xf32, #tpu.memory_space<hbm>> -> memref<1x640x128xf32, #tpu.memory_space<hbm>>
      %dma_start3A_37 = tpu.memref_squeeze %dma_start3A_36 : memref<1x640x128xf32, #tpu.memory_space<hbm>> -> memref<640x128xf32, #tpu.memory_space<hbm>>
      %dma_start3A_38 = arith.constant 0 : i32
      %dma_start3A_39 = tpu.memref_slice %arg13[%mul3A_32, %dma_start3A_38] : memref<10240x128xf32, #tpu.memory_space<vmem_shared>> -> memref<640x128xf32, #tpu.memory_space<vmem_shared>>
      tpu.enqueue_dma source(%dma_start3A_39 : memref<640x128xf32, #tpu.memory_space<vmem_shared>>) target(%dma_start3A_37 : memref<640x128xf32, #tpu.memory_space<hbm>>) target_semaphore(%run_scoped3A : memref<!tpu.dma_semaphore, #tpu.memory_space<semaphore_mem>>)
      %dma_wait3A_40 = arith.constant 0 : i32
      %dma_wait3A_41 = tpu.memref_slice %arg6[%arg0, %mul3A_34, %dma_wait3A_40] : memref<2x10240x128xf32, #tpu.memory_space<hbm>> -> memref<1x640x128xf32, #tpu.memory_space<hbm>>
      %dma_wait3A_42 = tpu.memref_squeeze %dma_wait3A_41 : memref<1x640x128xf32, #tpu.memory_space<hbm>> -> memref<640x128xf32, #tpu.memory_space<hbm>>
      %dma_wait3A_43 = arith.constant 0 : i32
      %dma_wait3A_44 = tpu.memref_slice %arg13[%mul3A_32, %dma_wait3A_43] : memref<10240x128xf32, #tpu.memory_space<vmem_shared>> -> memref<640x128xf32, #tpu.memory_space<vmem_shared>>
      tpu.wait_dma2 semaphore(%run_scoped3A : memref<!tpu.dma_semaphore, #tpu.memory_space<semaphore_mem>>) src(%dma_wait3A_44 : memref<640x128xf32, #tpu.memory_space<vmem_shared>>) dst(%dma_wait3A_42 : memref<640x128xf32, #tpu.memory_space<hbm>>)
      tpu.yield
    }) : () -> ()
    return
  }
}

#map = affine_map<(d0, d1) -> (0, 0)>
#map1 = affine_map<(d0, d1) -> (0)>
#map2 = affine_map<(d0, d1) -> (0, 0, 0)>
module attributes {stable_mosaic.version = 14 : i64} {
  func.func @_sc_aggregate(%arg0: i32, %arg1: i32, %arg2: memref<10240x128xf32, #tpu.memory_space<hbm>>, %arg3: memref<327680xi32, #tpu.memory_space<hbm>>, %arg4: memref<327680xi32, #tpu.memory_space<hbm>>, %arg5: memref<10240x128xf32, #tpu.memory_space<hbm>>, %arg6: memref<2x10240x128xf32, #tpu.memory_space<hbm>>, %arg7: memref<80xi32, #tpu.memory_space<vmem>>, %arg8: memref<80xi32, #tpu.memory_space<vmem>>, %arg9: memref<80xi32, #tpu.memory_space<vmem>>, %arg10: memref<80xi32, #tpu.memory_space<vmem>>, %arg11: memref<80x128xf32, #tpu.memory_space<vmem>>, %arg12: memref<80x128xf32, #tpu.memory_space<vmem>>, %arg13: memref<10240x128xf32, #tpu.memory_space<vmem_shared>>, %arg14: memref<!tpu.dma_semaphore, #tpu.memory_space<semaphore_mem>>, %arg15: memref<!tpu.dma_semaphore, #tpu.memory_space<semaphore_mem>>) attributes {dimension_semantics = [#tpu.dimension_semantics<core_parallel>, #tpu.dimension_semantics<subcore_parallel>], iteration_bounds = array<i64: 2, 16>, scalar_prefetch = 0 : i64, scratch_operands = 9 : i64, tpu.core_type = #tpu.core_type<sc_vector_subcore>, window_params = [{transform_indices = #map}, {transform_indices = #map1}, {transform_indices = #map1}, {transform_indices = #map}, {transform_indices = #map2}]} {
    %mul3A = arith.constant 16 : i32
    %mul3A_0 = arith.muli %arg0, %mul3A : i32
    %add3A = arith.addi %mul3A_0, %arg1 : i32
    %mul3A_1 = arith.constant 10240 : i32
    %mul3A_2 = arith.muli %add3A, %mul3A_1 : i32
    %mul3A_3 = arith.constant 640 : i32
    %mul3A_4 = arith.muli %arg1, %mul3A_3 : i32
    %mul3A_5 = arith.constant 640 : i32
    %mul3A_6 = arith.muli %arg1, %mul3A_5 : i32
    "tpu.region"() ({
      %run_scoped3A = tpu.sem_alloc : memref<!tpu.dma_semaphore, #tpu.memory_space<semaphore_mem>>
      %dma_start3A_35 = arith.constant 0 : i32
      %dma_start3A_36 = tpu.memref_slice %arg13[%mul3A_6, %dma_start3A_35] : memref<10240x128xf32, #tpu.memory_space<vmem_shared>> -> memref<640x128xf32, #tpu.memory_space<vmem_shared>>
      %dma_start3A_37 = arith.constant 0 : i32
      %dma_start3A_38 = tpu.memref_slice %arg5[%mul3A_4, %dma_start3A_37] : memref<10240x128xf32, #tpu.memory_space<hbm>> -> memref<640x128xf32, #tpu.memory_space<hbm>>
      tpu.enqueue_dma source(%dma_start3A_38 : memref<640x128xf32, #tpu.memory_space<hbm>>) target(%dma_start3A_36 : memref<640x128xf32, #tpu.memory_space<vmem_shared>>) target_semaphore(%run_scoped3A : memref<!tpu.dma_semaphore, #tpu.memory_space<semaphore_mem>>)
      %dma_wait3A_39 = arith.constant 0 : i32
      %dma_wait3A_40 = tpu.memref_slice %arg13[%mul3A_6, %dma_wait3A_39] : memref<10240x128xf32, #tpu.memory_space<vmem_shared>> -> memref<640x128xf32, #tpu.memory_space<vmem_shared>>
      %dma_wait3A_41 = arith.constant 0 : i32
      %dma_wait3A_42 = tpu.memref_slice %arg5[%mul3A_4, %dma_wait3A_41] : memref<10240x128xf32, #tpu.memory_space<hbm>> -> memref<640x128xf32, #tpu.memory_space<hbm>>
      tpu.wait_dma2 semaphore(%run_scoped3A : memref<!tpu.dma_semaphore, #tpu.memory_space<semaphore_mem>>) src(%dma_wait3A_42 : memref<640x128xf32, #tpu.memory_space<hbm>>) dst(%dma_wait3A_40 : memref<640x128xf32, #tpu.memory_space<vmem_shared>>)
      tpu.yield
    }) : () -> ()
    %barrier3A = arith.constant 0 : index
    tpu.barrier barrier_id(%barrier3A)
    %add3A_7 = arith.constant 0 : i32
    %add3A_8 = arith.addi %mul3A_2, %add3A_7 : i32
    "tpu.region"() ({
      %run_scoped3A = tpu.sem_alloc : memref<!tpu.dma_semaphore, #tpu.memory_space<semaphore_mem>>
      %dma_start3A_35 = tpu.memref_slice %arg3[%add3A_8] : memref<327680xi32, #tpu.memory_space<hbm>> -> memref<80xi32, #tpu.memory_space<hbm>>
      %dma_start3A_36 = tpu.memref_slice %arg3[%add3A_8] : memref<327680xi32, #tpu.memory_space<hbm>> -> memref<80xi32, #tpu.memory_space<hbm>>
      tpu.enqueue_dma source(%dma_start3A_36 : memref<80xi32, #tpu.memory_space<hbm>>) target(%arg7 : memref<80xi32, #tpu.memory_space<vmem>>) target_semaphore(%run_scoped3A : memref<!tpu.dma_semaphore, #tpu.memory_space<semaphore_mem>>)
      %dma_wait3A_37 = tpu.memref_slice %arg3[%add3A_8] : memref<327680xi32, #tpu.memory_space<hbm>> -> memref<80xi32, #tpu.memory_space<hbm>>
      %dma_wait3A_38 = tpu.memref_slice %arg3[%add3A_8] : memref<327680xi32, #tpu.memory_space<hbm>> -> memref<80xi32, #tpu.memory_space<hbm>>
      tpu.wait_dma2 semaphore(%run_scoped3A : memref<!tpu.dma_semaphore, #tpu.memory_space<semaphore_mem>>) src(%dma_wait3A_38 : memref<80xi32, #tpu.memory_space<hbm>>) dst(%arg7 : memref<80xi32, #tpu.memory_space<vmem>>)
      tpu.yield
    }) : () -> ()
    %add3A_9 = arith.constant 0 : i32
    %add3A_10 = arith.addi %mul3A_2, %add3A_9 : i32
    "tpu.region"() ({
      %run_scoped3A = tpu.sem_alloc : memref<!tpu.dma_semaphore, #tpu.memory_space<semaphore_mem>>
      %dma_start3A_35 = tpu.memref_slice %arg4[%add3A_10] : memref<327680xi32, #tpu.memory_space<hbm>> -> memref<80xi32, #tpu.memory_space<hbm>>
      %dma_start3A_36 = tpu.memref_slice %arg4[%add3A_10] : memref<327680xi32, #tpu.memory_space<hbm>> -> memref<80xi32, #tpu.memory_space<hbm>>
      tpu.enqueue_dma source(%dma_start3A_36 : memref<80xi32, #tpu.memory_space<hbm>>) target(%arg8 : memref<80xi32, #tpu.memory_space<vmem>>) target_semaphore(%run_scoped3A : memref<!tpu.dma_semaphore, #tpu.memory_space<semaphore_mem>>)
      %dma_wait3A_37 = tpu.memref_slice %arg4[%add3A_10] : memref<327680xi32, #tpu.memory_space<hbm>> -> memref<80xi32, #tpu.memory_space<hbm>>
      %dma_wait3A_38 = tpu.memref_slice %arg4[%add3A_10] : memref<327680xi32, #tpu.memory_space<hbm>> -> memref<80xi32, #tpu.memory_space<hbm>>
      tpu.wait_dma2 semaphore(%run_scoped3A : memref<!tpu.dma_semaphore, #tpu.memory_space<semaphore_mem>>) src(%dma_wait3A_38 : memref<80xi32, #tpu.memory_space<hbm>>) dst(%arg8 : memref<80xi32, #tpu.memory_space<vmem>>)
      tpu.yield
    }) : () -> ()
    %dma_start3A = arith.constant 0 : i32
    %dma_start3A_11 = arith.constant 0 : i32
    %dma_start3A_12 = tpu.memref_slice %arg2[%dma_start3A, %dma_start3A_11] : memref<10240x128xf32, #tpu.memory_space<hbm>> -> memref<10240x128xf32, #tpu.memory_space<hbm>>
    tpu.enqueue_indirect_dma source(%dma_start3A_12 : memref<10240x128xf32, #tpu.memory_space<hbm>>) target(%arg11 : memref<80x128xf32, #tpu.memory_space<vmem>>) offsets(%arg7 : memref<80xi32, #tpu.memory_space<vmem>>) semaphore(%arg14 : memref<!tpu.dma_semaphore, #tpu.memory_space<semaphore_mem>>)
    %scan3A = arith.constant 0 : i32
    %scan3A_13 = arith.constant 0 : i32
    %scan3A_14 = arith.constant 63 : i32
    %scan3A_15 = arith.addi %scan3A_13, %scan3A_14 : i32
    %scan3A_16 = arith.constant 1 : i32
    scf.for %scan3A_35 = %scan3A_13 to %scan3A_15 step %scan3A_16  : i32 {
      %mul3A_36 = arith.constant 2 : i32
      %mul3A_37 = arith.muli %mul3A_36, %scan3A_35 : i32
      %add3A_38 = arith.constant 1 : i32
      %add3A_39 = arith.addi %mul3A_37, %add3A_38 : i32
      %mul3A_40 = arith.constant 80 : i32
      %mul3A_41 = arith.muli %add3A_39, %mul3A_40 : i32
      %add3A_42 = arith.addi %mul3A_2, %mul3A_41 : i32
      "tpu.region"() ({
        %run_scoped3A = tpu.sem_alloc : memref<!tpu.dma_semaphore, #tpu.memory_space<semaphore_mem>>
        %dma_start3A_66 = tpu.memref_slice %arg3[%add3A_42] : memref<327680xi32, #tpu.memory_space<hbm>> -> memref<80xi32, #tpu.memory_space<hbm>>
        %dma_start3A_67 = tpu.memref_slice %arg3[%add3A_42] : memref<327680xi32, #tpu.memory_space<hbm>> -> memref<80xi32, #tpu.memory_space<hbm>>
        tpu.enqueue_dma source(%dma_start3A_67 : memref<80xi32, #tpu.memory_space<hbm>>) target(%arg9 : memref<80xi32, #tpu.memory_space<vmem>>) target_semaphore(%run_scoped3A : memref<!tpu.dma_semaphore, #tpu.memory_space<semaphore_mem>>)
        %dma_wait3A_68 = tpu.memref_slice %arg3[%add3A_42] : memref<327680xi32, #tpu.memory_space<hbm>> -> memref<80xi32, #tpu.memory_space<hbm>>
        %dma_wait3A_69 = tpu.memref_slice %arg3[%add3A_42] : memref<327680xi32, #tpu.memory_space<hbm>> -> memref<80xi32, #tpu.memory_space<hbm>>
        tpu.wait_dma2 semaphore(%run_scoped3A : memref<!tpu.dma_semaphore, #tpu.memory_space<semaphore_mem>>) src(%dma_wait3A_69 : memref<80xi32, #tpu.memory_space<hbm>>) dst(%arg9 : memref<80xi32, #tpu.memory_space<vmem>>)
        tpu.yield
      }) : () -> ()
      %mul3A_43 = arith.constant 80 : i32
      %mul3A_44 = arith.muli %add3A_39, %mul3A_43 : i32
      %add3A_45 = arith.addi %mul3A_2, %mul3A_44 : i32
      "tpu.region"() ({
        %run_scoped3A = tpu.sem_alloc : memref<!tpu.dma_semaphore, #tpu.memory_space<semaphore_mem>>
        %dma_start3A_66 = tpu.memref_slice %arg4[%add3A_45] : memref<327680xi32, #tpu.memory_space<hbm>> -> memref<80xi32, #tpu.memory_space<hbm>>
        %dma_start3A_67 = tpu.memref_slice %arg4[%add3A_45] : memref<327680xi32, #tpu.memory_space<hbm>> -> memref<80xi32, #tpu.memory_space<hbm>>
        tpu.enqueue_dma source(%dma_start3A_67 : memref<80xi32, #tpu.memory_space<hbm>>) target(%arg10 : memref<80xi32, #tpu.memory_space<vmem>>) target_semaphore(%run_scoped3A : memref<!tpu.dma_semaphore, #tpu.memory_space<semaphore_mem>>)
        %dma_wait3A_68 = tpu.memref_slice %arg4[%add3A_45] : memref<327680xi32, #tpu.memory_space<hbm>> -> memref<80xi32, #tpu.memory_space<hbm>>
        %dma_wait3A_69 = tpu.memref_slice %arg4[%add3A_45] : memref<327680xi32, #tpu.memory_space<hbm>> -> memref<80xi32, #tpu.memory_space<hbm>>
        tpu.wait_dma2 semaphore(%run_scoped3A : memref<!tpu.dma_semaphore, #tpu.memory_space<semaphore_mem>>) src(%dma_wait3A_69 : memref<80xi32, #tpu.memory_space<hbm>>) dst(%arg10 : memref<80xi32, #tpu.memory_space<vmem>>)
        tpu.yield
      }) : () -> ()
      %dma_wait3A_46 = arith.constant 0 : i32
      %dma_wait3A_47 = arith.constant 0 : i32
      %dma_wait3A_48 = tpu.memref_slice %arg2[%dma_wait3A_46, %dma_wait3A_47] : memref<10240x128xf32, #tpu.memory_space<hbm>> -> memref<10240x128xf32, #tpu.memory_space<hbm>>
      tpu.wait_indirect_dma semaphore(%arg14 : memref<!tpu.dma_semaphore, #tpu.memory_space<semaphore_mem>>) src(%dma_wait3A_48 : memref<10240x128xf32, #tpu.memory_space<hbm>>) dst(%arg11 : memref<80x128xf32, #tpu.memory_space<vmem>>)
      %dma_start3A_49 = arith.constant 0 : i32
      %dma_start3A_50 = arith.constant 0 : i32
      %dma_start3A_51 = tpu.memref_slice %arg2[%dma_start3A_49, %dma_start3A_50] : memref<10240x128xf32, #tpu.memory_space<hbm>> -> memref<10240x128xf32, #tpu.memory_space<hbm>>
      tpu.enqueue_indirect_dma source(%dma_start3A_51 : memref<10240x128xf32, #tpu.memory_space<hbm>>) target(%arg12 : memref<80x128xf32, #tpu.memory_space<vmem>>) offsets(%arg9 : memref<80xi32, #tpu.memory_space<vmem>>) semaphore(%arg15 : memref<!tpu.dma_semaphore, #tpu.memory_space<semaphore_mem>>)
      "tpu.region"() ({
        %run_scoped3A = tpu.sem_alloc : memref<!tpu.dma_semaphore, #tpu.memory_space<semaphore_mem>>
        %dma_start3A_66 = arith.constant 0 : i32
        %dma_start3A_67 = arith.constant 0 : i32
        %dma_start3A_68 = tpu.memref_slice %arg13[%dma_start3A_66, %dma_start3A_67] : memref<10240x128xf32, #tpu.memory_space<vmem_shared>> -> memref<10240x128xf32, #tpu.memory_space<vmem_shared>>
        tpu.enqueue_indirect_dma source(%arg11 : memref<80x128xf32, #tpu.memory_space<vmem>>) target(%dma_start3A_68 : memref<10240x128xf32, #tpu.memory_space<vmem_shared>>) offsets(%arg8 : memref<80xi32, #tpu.memory_space<vmem>>) semaphore(%run_scoped3A : memref<!tpu.dma_semaphore, #tpu.memory_space<semaphore_mem>>) {add = true}
        %dma_wait3A_69 = arith.constant 0 : i32
        %dma_wait3A_70 = arith.constant 0 : i32
        %dma_wait3A_71 = tpu.memref_slice %arg13[%dma_wait3A_69, %dma_wait3A_70] : memref<10240x128xf32, #tpu.memory_space<vmem_shared>> -> memref<10240x128xf32, #tpu.memory_space<vmem_shared>>
        tpu.wait_indirect_dma semaphore(%run_scoped3A : memref<!tpu.dma_semaphore, #tpu.memory_space<semaphore_mem>>) src(%arg11 : memref<80x128xf32, #tpu.memory_space<vmem>>) dst(%dma_wait3A_71 : memref<10240x128xf32, #tpu.memory_space<vmem_shared>>)
        tpu.yield
      }) : () -> ()
      %add3A_52 = arith.constant 2 : i32
      %add3A_53 = arith.addi %mul3A_37, %add3A_52 : i32
      %mul3A_54 = arith.constant 80 : i32
      %mul3A_55 = arith.muli %add3A_53, %mul3A_54 : i32
      %add3A_56 = arith.addi %mul3A_2, %mul3A_55 : i32
      "tpu.region"() ({
        %run_scoped3A = tpu.sem_alloc : memref<!tpu.dma_semaphore, #tpu.memory_space<semaphore_mem>>
        %dma_start3A_66 = tpu.memref_slice %arg3[%add3A_56] : memref<327680xi32, #tpu.memory_space<hbm>> -> memref<80xi32, #tpu.memory_space<hbm>>
        %dma_start3A_67 = tpu.memref_slice %arg3[%add3A_56] : memref<327680xi32, #tpu.memory_space<hbm>> -> memref<80xi32, #tpu.memory_space<hbm>>
        tpu.enqueue_dma source(%dma_start3A_67 : memref<80xi32, #tpu.memory_space<hbm>>) target(%arg7 : memref<80xi32, #tpu.memory_space<vmem>>) target_semaphore(%run_scoped3A : memref<!tpu.dma_semaphore, #tpu.memory_space<semaphore_mem>>)
        %dma_wait3A_68 = tpu.memref_slice %arg3[%add3A_56] : memref<327680xi32, #tpu.memory_space<hbm>> -> memref<80xi32, #tpu.memory_space<hbm>>
        %dma_wait3A_69 = tpu.memref_slice %arg3[%add3A_56] : memref<327680xi32, #tpu.memory_space<hbm>> -> memref<80xi32, #tpu.memory_space<hbm>>
        tpu.wait_dma2 semaphore(%run_scoped3A : memref<!tpu.dma_semaphore, #tpu.memory_space<semaphore_mem>>) src(%dma_wait3A_69 : memref<80xi32, #tpu.memory_space<hbm>>) dst(%arg7 : memref<80xi32, #tpu.memory_space<vmem>>)
        tpu.yield
      }) : () -> ()
      %mul3A_57 = arith.constant 80 : i32
      %mul3A_58 = arith.muli %add3A_53, %mul3A_57 : i32
      %add3A_59 = arith.addi %mul3A_2, %mul3A_58 : i32
      "tpu.region"() ({
        %run_scoped3A = tpu.sem_alloc : memref<!tpu.dma_semaphore, #tpu.memory_space<semaphore_mem>>
        %dma_start3A_66 = tpu.memref_slice %arg4[%add3A_59] : memref<327680xi32, #tpu.memory_space<hbm>> -> memref<80xi32, #tpu.memory_space<hbm>>
        %dma_start3A_67 = tpu.memref_slice %arg4[%add3A_59] : memref<327680xi32, #tpu.memory_space<hbm>> -> memref<80xi32, #tpu.memory_space<hbm>>
        tpu.enqueue_dma source(%dma_start3A_67 : memref<80xi32, #tpu.memory_space<hbm>>) target(%arg8 : memref<80xi32, #tpu.memory_space<vmem>>) target_semaphore(%run_scoped3A : memref<!tpu.dma_semaphore, #tpu.memory_space<semaphore_mem>>)
        %dma_wait3A_68 = tpu.memref_slice %arg4[%add3A_59] : memref<327680xi32, #tpu.memory_space<hbm>> -> memref<80xi32, #tpu.memory_space<hbm>>
        %dma_wait3A_69 = tpu.memref_slice %arg4[%add3A_59] : memref<327680xi32, #tpu.memory_space<hbm>> -> memref<80xi32, #tpu.memory_space<hbm>>
        tpu.wait_dma2 semaphore(%run_scoped3A : memref<!tpu.dma_semaphore, #tpu.memory_space<semaphore_mem>>) src(%dma_wait3A_69 : memref<80xi32, #tpu.memory_space<hbm>>) dst(%arg8 : memref<80xi32, #tpu.memory_space<vmem>>)
        tpu.yield
      }) : () -> ()
      %dma_wait3A_60 = arith.constant 0 : i32
      %dma_wait3A_61 = arith.constant 0 : i32
      %dma_wait3A_62 = tpu.memref_slice %arg2[%dma_wait3A_60, %dma_wait3A_61] : memref<10240x128xf32, #tpu.memory_space<hbm>> -> memref<10240x128xf32, #tpu.memory_space<hbm>>
      tpu.wait_indirect_dma semaphore(%arg15 : memref<!tpu.dma_semaphore, #tpu.memory_space<semaphore_mem>>) src(%dma_wait3A_62 : memref<10240x128xf32, #tpu.memory_space<hbm>>) dst(%arg12 : memref<80x128xf32, #tpu.memory_space<vmem>>)
      %dma_start3A_63 = arith.constant 0 : i32
      %dma_start3A_64 = arith.constant 0 : i32
      %dma_start3A_65 = tpu.memref_slice %arg2[%dma_start3A_63, %dma_start3A_64] : memref<10240x128xf32, #tpu.memory_space<hbm>> -> memref<10240x128xf32, #tpu.memory_space<hbm>>
      tpu.enqueue_indirect_dma source(%dma_start3A_65 : memref<10240x128xf32, #tpu.memory_space<hbm>>) target(%arg11 : memref<80x128xf32, #tpu.memory_space<vmem>>) offsets(%arg7 : memref<80xi32, #tpu.memory_space<vmem>>) semaphore(%arg14 : memref<!tpu.dma_semaphore, #tpu.memory_space<semaphore_mem>>)
      "tpu.region"() ({
        %run_scoped3A = tpu.sem_alloc : memref<!tpu.dma_semaphore, #tpu.memory_space<semaphore_mem>>
        %dma_start3A_66 = arith.constant 0 : i32
        %dma_start3A_67 = arith.constant 0 : i32
        %dma_start3A_68 = tpu.memref_slice %arg13[%dma_start3A_66, %dma_start3A_67] : memref<10240x128xf32, #tpu.memory_space<vmem_shared>> -> memref<10240x128xf32, #tpu.memory_space<vmem_shared>>
        tpu.enqueue_indirect_dma source(%arg12 : memref<80x128xf32, #tpu.memory_space<vmem>>) target(%dma_start3A_68 : memref<10240x128xf32, #tpu.memory_space<vmem_shared>>) offsets(%arg10 : memref<80xi32, #tpu.memory_space<vmem>>) semaphore(%run_scoped3A : memref<!tpu.dma_semaphore, #tpu.memory_space<semaphore_mem>>) {add = true}
        %dma_wait3A_69 = arith.constant 0 : i32
        %dma_wait3A_70 = arith.constant 0 : i32
        %dma_wait3A_71 = tpu.memref_slice %arg13[%dma_wait3A_69, %dma_wait3A_70] : memref<10240x128xf32, #tpu.memory_space<vmem_shared>> -> memref<10240x128xf32, #tpu.memory_space<vmem_shared>>
        tpu.wait_indirect_dma semaphore(%run_scoped3A : memref<!tpu.dma_semaphore, #tpu.memory_space<semaphore_mem>>) src(%arg12 : memref<80x128xf32, #tpu.memory_space<vmem>>) dst(%dma_wait3A_71 : memref<10240x128xf32, #tpu.memory_space<vmem_shared>>)
        tpu.yield
      }) : () -> ()
    }
    %scan3A_17 = arith.constant 63 : i32
    %add3A_18 = arith.constant 10160 : i32
    %add3A_19 = arith.addi %mul3A_2, %add3A_18 : i32
    "tpu.region"() ({
      %run_scoped3A = tpu.sem_alloc : memref<!tpu.dma_semaphore, #tpu.memory_space<semaphore_mem>>
      %dma_start3A_35 = tpu.memref_slice %arg3[%add3A_19] : memref<327680xi32, #tpu.memory_space<hbm>> -> memref<80xi32, #tpu.memory_space<hbm>>
      %dma_start3A_36 = tpu.memref_slice %arg3[%add3A_19] : memref<327680xi32, #tpu.memory_space<hbm>> -> memref<80xi32, #tpu.memory_space<hbm>>
      tpu.enqueue_dma source(%dma_start3A_36 : memref<80xi32, #tpu.memory_space<hbm>>) target(%arg9 : memref<80xi32, #tpu.memory_space<vmem>>) target_semaphore(%run_scoped3A : memref<!tpu.dma_semaphore, #tpu.memory_space<semaphore_mem>>)
      %dma_wait3A_37 = tpu.memref_slice %arg3[%add3A_19] : memref<327680xi32, #tpu.memory_space<hbm>> -> memref<80xi32, #tpu.memory_space<hbm>>
      %dma_wait3A_38 = tpu.memref_slice %arg3[%add3A_19] : memref<327680xi32, #tpu.memory_space<hbm>> -> memref<80xi32, #tpu.memory_space<hbm>>
      tpu.wait_dma2 semaphore(%run_scoped3A : memref<!tpu.dma_semaphore, #tpu.memory_space<semaphore_mem>>) src(%dma_wait3A_38 : memref<80xi32, #tpu.memory_space<hbm>>) dst(%arg9 : memref<80xi32, #tpu.memory_space<vmem>>)
      tpu.yield
    }) : () -> ()
    %add3A_20 = arith.constant 10160 : i32
    %add3A_21 = arith.addi %mul3A_2, %add3A_20 : i32
    "tpu.region"() ({
      %run_scoped3A = tpu.sem_alloc : memref<!tpu.dma_semaphore, #tpu.memory_space<semaphore_mem>>
      %dma_start3A_35 = tpu.memref_slice %arg4[%add3A_21] : memref<327680xi32, #tpu.memory_space<hbm>> -> memref<80xi32, #tpu.memory_space<hbm>>
      %dma_start3A_36 = tpu.memref_slice %arg4[%add3A_21] : memref<327680xi32, #tpu.memory_space<hbm>> -> memref<80xi32, #tpu.memory_space<hbm>>
      tpu.enqueue_dma source(%dma_start3A_36 : memref<80xi32, #tpu.memory_space<hbm>>) target(%arg10 : memref<80xi32, #tpu.memory_space<vmem>>) target_semaphore(%run_scoped3A : memref<!tpu.dma_semaphore, #tpu.memory_space<semaphore_mem>>)
      %dma_wait3A_37 = tpu.memref_slice %arg4[%add3A_21] : memref<327680xi32, #tpu.memory_space<hbm>> -> memref<80xi32, #tpu.memory_space<hbm>>
      %dma_wait3A_38 = tpu.memref_slice %arg4[%add3A_21] : memref<327680xi32, #tpu.memory_space<hbm>> -> memref<80xi32, #tpu.memory_space<hbm>>
      tpu.wait_dma2 semaphore(%run_scoped3A : memref<!tpu.dma_semaphore, #tpu.memory_space<semaphore_mem>>) src(%dma_wait3A_38 : memref<80xi32, #tpu.memory_space<hbm>>) dst(%arg10 : memref<80xi32, #tpu.memory_space<vmem>>)
      tpu.yield
    }) : () -> ()
    %dma_wait3A = arith.constant 0 : i32
    %dma_wait3A_22 = arith.constant 0 : i32
    %dma_wait3A_23 = tpu.memref_slice %arg2[%dma_wait3A, %dma_wait3A_22] : memref<10240x128xf32, #tpu.memory_space<hbm>> -> memref<10240x128xf32, #tpu.memory_space<hbm>>
    tpu.wait_indirect_dma semaphore(%arg14 : memref<!tpu.dma_semaphore, #tpu.memory_space<semaphore_mem>>) src(%dma_wait3A_23 : memref<10240x128xf32, #tpu.memory_space<hbm>>) dst(%arg11 : memref<80x128xf32, #tpu.memory_space<vmem>>)
    %dma_start3A_24 = arith.constant 0 : i32
    %dma_start3A_25 = arith.constant 0 : i32
    %dma_start3A_26 = tpu.memref_slice %arg2[%dma_start3A_24, %dma_start3A_25] : memref<10240x128xf32, #tpu.memory_space<hbm>> -> memref<10240x128xf32, #tpu.memory_space<hbm>>
    tpu.enqueue_indirect_dma source(%dma_start3A_26 : memref<10240x128xf32, #tpu.memory_space<hbm>>) target(%arg12 : memref<80x128xf32, #tpu.memory_space<vmem>>) offsets(%arg9 : memref<80xi32, #tpu.memory_space<vmem>>) semaphore(%arg15 : memref<!tpu.dma_semaphore, #tpu.memory_space<semaphore_mem>>)
    "tpu.region"() ({
      %run_scoped3A = tpu.sem_alloc : memref<!tpu.dma_semaphore, #tpu.memory_space<semaphore_mem>>
      %dma_start3A_35 = arith.constant 0 : i32
      %dma_start3A_36 = arith.constant 0 : i32
      %dma_start3A_37 = tpu.memref_slice %arg13[%dma_start3A_35, %dma_start3A_36] : memref<10240x128xf32, #tpu.memory_space<vmem_shared>> -> memref<10240x128xf32, #tpu.memory_space<vmem_shared>>
      tpu.enqueue_indirect_dma source(%arg11 : memref<80x128xf32, #tpu.memory_space<vmem>>) target(%dma_start3A_37 : memref<10240x128xf32, #tpu.memory_space<vmem_shared>>) offsets(%arg8 : memref<80xi32, #tpu.memory_space<vmem>>) semaphore(%run_scoped3A : memref<!tpu.dma_semaphore, #tpu.memory_space<semaphore_mem>>) {add = true}
      %dma_wait3A_38 = arith.constant 0 : i32
      %dma_wait3A_39 = arith.constant 0 : i32
      %dma_wait3A_40 = tpu.memref_slice %arg13[%dma_wait3A_38, %dma_wait3A_39] : memref<10240x128xf32, #tpu.memory_space<vmem_shared>> -> memref<10240x128xf32, #tpu.memory_space<vmem_shared>>
      tpu.wait_indirect_dma semaphore(%run_scoped3A : memref<!tpu.dma_semaphore, #tpu.memory_space<semaphore_mem>>) src(%arg11 : memref<80x128xf32, #tpu.memory_space<vmem>>) dst(%dma_wait3A_40 : memref<10240x128xf32, #tpu.memory_space<vmem_shared>>)
      tpu.yield
    }) : () -> ()
    %dma_wait3A_27 = arith.constant 0 : i32
    %dma_wait3A_28 = arith.constant 0 : i32
    %dma_wait3A_29 = tpu.memref_slice %arg2[%dma_wait3A_27, %dma_wait3A_28] : memref<10240x128xf32, #tpu.memory_space<hbm>> -> memref<10240x128xf32, #tpu.memory_space<hbm>>
    tpu.wait_indirect_dma semaphore(%arg15 : memref<!tpu.dma_semaphore, #tpu.memory_space<semaphore_mem>>) src(%dma_wait3A_29 : memref<10240x128xf32, #tpu.memory_space<hbm>>) dst(%arg12 : memref<80x128xf32, #tpu.memory_space<vmem>>)
    "tpu.region"() ({
      %run_scoped3A = tpu.sem_alloc : memref<!tpu.dma_semaphore, #tpu.memory_space<semaphore_mem>>
      %dma_start3A_35 = arith.constant 0 : i32
      %dma_start3A_36 = arith.constant 0 : i32
      %dma_start3A_37 = tpu.memref_slice %arg13[%dma_start3A_35, %dma_start3A_36] : memref<10240x128xf32, #tpu.memory_space<vmem_shared>> -> memref<10240x128xf32, #tpu.memory_space<vmem_shared>>
      tpu.enqueue_indirect_dma source(%arg12 : memref<80x128xf32, #tpu.memory_space<vmem>>) target(%dma_start3A_37 : memref<10240x128xf32, #tpu.memory_space<vmem_shared>>) offsets(%arg10 : memref<80xi32, #tpu.memory_space<vmem>>) semaphore(%run_scoped3A : memref<!tpu.dma_semaphore, #tpu.memory_space<semaphore_mem>>) {add = true}
      %dma_wait3A_38 = arith.constant 0 : i32
      %dma_wait3A_39 = arith.constant 0 : i32
      %dma_wait3A_40 = tpu.memref_slice %arg13[%dma_wait3A_38, %dma_wait3A_39] : memref<10240x128xf32, #tpu.memory_space<vmem_shared>> -> memref<10240x128xf32, #tpu.memory_space<vmem_shared>>
      tpu.wait_indirect_dma semaphore(%run_scoped3A : memref<!tpu.dma_semaphore, #tpu.memory_space<semaphore_mem>>) src(%arg12 : memref<80x128xf32, #tpu.memory_space<vmem>>) dst(%dma_wait3A_40 : memref<10240x128xf32, #tpu.memory_space<vmem_shared>>)
      tpu.yield
    }) : () -> ()
    %barrier3A_30 = arith.constant 0 : index
    tpu.barrier barrier_id(%barrier3A_30)
    %mul3A_31 = arith.constant 640 : i32
    %mul3A_32 = arith.muli %arg1, %mul3A_31 : i32
    %mul3A_33 = arith.constant 640 : i32
    %mul3A_34 = arith.muli %arg1, %mul3A_33 : i32
    "tpu.region"() ({
      %run_scoped3A = tpu.sem_alloc : memref<!tpu.dma_semaphore, #tpu.memory_space<semaphore_mem>>
      %dma_start3A_35 = arith.constant 0 : i32
      %dma_start3A_36 = tpu.memref_slice %arg6[%arg0, %mul3A_34, %dma_start3A_35] : memref<2x10240x128xf32, #tpu.memory_space<hbm>> -> memref<1x640x128xf32, #tpu.memory_space<hbm>>
      %dma_start3A_37 = tpu.memref_squeeze %dma_start3A_36 : memref<1x640x128xf32, #tpu.memory_space<hbm>> -> memref<640x128xf32, #tpu.memory_space<hbm>>
      %dma_start3A_38 = arith.constant 0 : i32
      %dma_start3A_39 = tpu.memref_slice %arg13[%mul3A_32, %dma_start3A_38] : memref<10240x128xf32, #tpu.memory_space<vmem_shared>> -> memref<640x128xf32, #tpu.memory_space<vmem_shared>>
      tpu.enqueue_dma source(%dma_start3A_39 : memref<640x128xf32, #tpu.memory_space<vmem_shared>>) target(%dma_start3A_37 : memref<640x128xf32, #tpu.memory_space<hbm>>) target_semaphore(%run_scoped3A : memref<!tpu.dma_semaphore, #tpu.memory_space<semaphore_mem>>)
      %dma_wait3A_40 = arith.constant 0 : i32
      %dma_wait3A_41 = tpu.memref_slice %arg6[%arg0, %mul3A_34, %dma_wait3A_40] : memref<2x10240x128xf32, #tpu.memory_space<hbm>> -> memref<1x640x128xf32, #tpu.memory_space<hbm>>
      %dma_wait3A_42 = tpu.memref_squeeze %dma_wait3A_41 : memref<1x640x128xf32, #tpu.memory_space<hbm>> -> memref<640x128xf32, #tpu.memory_space<hbm>>
      %dma_wait3A_43 = arith.constant 0 : i32
      %dma_wait3A_44 = tpu.memref_slice %arg13[%mul3A_32, %dma_wait3A_43] : memref<10240x128xf32, #tpu.memory_space<vmem_shared>> -> memref<640x128xf32, #tpu.memory_space<vmem_shared>>
      tpu.wait_dma2 semaphore(%run_scoped3A : memref<!tpu.dma_semaphore, #tpu.memory_space<semaphore_mem>>) src(%dma_wait3A_44 : memref<640x128xf32, #tpu.memory_space<vmem_shared>>) dst(%dma_wait3A_42 : memref<640x128xf32, #tpu.memory_space<hbm>>)
      tpu.yield
    }) : () -> ()
    return
  }
}

#map = affine_map<(d0, d1) -> (0, 0)>
#map1 = affine_map<(d0, d1) -> (0)>
#map2 = affine_map<(d0, d1) -> (0, 0, 0)>
module attributes {stable_mosaic.version = 14 : i64} {
  func.func @_sc_aggregate(%arg0: i32, %arg1: i32, %arg2: memref<10240x128xf32, #tpu.memory_space<hbm>>, %arg3: memref<327680xi32, #tpu.memory_space<hbm>>, %arg4: memref<327680xi32, #tpu.memory_space<hbm>>, %arg5: memref<10240x128xf32, #tpu.memory_space<hbm>>, %arg6: memref<2x10240x128xf32, #tpu.memory_space<hbm>>, %arg7: memref<80xi32, #tpu.memory_space<vmem>>, %arg8: memref<80xi32, #tpu.memory_space<vmem>>, %arg9: memref<80xi32, #tpu.memory_space<vmem>>, %arg10: memref<80xi32, #tpu.memory_space<vmem>>, %arg11: memref<80x128xf32, #tpu.memory_space<vmem>>, %arg12: memref<80x128xf32, #tpu.memory_space<vmem>>, %arg13: memref<10240x128xf32, #tpu.memory_space<vmem_shared>>, %arg14: memref<!tpu.dma_semaphore, #tpu.memory_space<semaphore_mem>>, %arg15: memref<!tpu.dma_semaphore, #tpu.memory_space<semaphore_mem>>) attributes {dimension_semantics = [#tpu.dimension_semantics<core_parallel>, #tpu.dimension_semantics<subcore_parallel>], iteration_bounds = array<i64: 2, 16>, scalar_prefetch = 0 : i64, scratch_operands = 9 : i64, tpu.core_type = #tpu.core_type<sc_vector_subcore>, window_params = [{transform_indices = #map}, {transform_indices = #map1}, {transform_indices = #map1}, {transform_indices = #map}, {transform_indices = #map2}]} {
    %mul3A = arith.constant 16 : i32
    %mul3A_0 = arith.muli %arg0, %mul3A : i32
    %add3A = arith.addi %mul3A_0, %arg1 : i32
    %mul3A_1 = arith.constant 10240 : i32
    %mul3A_2 = arith.muli %add3A, %mul3A_1 : i32
    %mul3A_3 = arith.constant 640 : i32
    %mul3A_4 = arith.muli %arg1, %mul3A_3 : i32
    %mul3A_5 = arith.constant 640 : i32
    %mul3A_6 = arith.muli %arg1, %mul3A_5 : i32
    "tpu.region"() ({
      %run_scoped3A = tpu.sem_alloc : memref<!tpu.dma_semaphore, #tpu.memory_space<semaphore_mem>>
      %dma_start3A_35 = arith.constant 0 : i32
      %dma_start3A_36 = tpu.memref_slice %arg13[%mul3A_6, %dma_start3A_35] : memref<10240x128xf32, #tpu.memory_space<vmem_shared>> -> memref<640x128xf32, #tpu.memory_space<vmem_shared>>
      %dma_start3A_37 = arith.constant 0 : i32
      %dma_start3A_38 = tpu.memref_slice %arg5[%mul3A_4, %dma_start3A_37] : memref<10240x128xf32, #tpu.memory_space<hbm>> -> memref<640x128xf32, #tpu.memory_space<hbm>>
      tpu.enqueue_dma source(%dma_start3A_38 : memref<640x128xf32, #tpu.memory_space<hbm>>) target(%dma_start3A_36 : memref<640x128xf32, #tpu.memory_space<vmem_shared>>) target_semaphore(%run_scoped3A : memref<!tpu.dma_semaphore, #tpu.memory_space<semaphore_mem>>)
      %dma_wait3A_39 = arith.constant 0 : i32
      %dma_wait3A_40 = tpu.memref_slice %arg13[%mul3A_6, %dma_wait3A_39] : memref<10240x128xf32, #tpu.memory_space<vmem_shared>> -> memref<640x128xf32, #tpu.memory_space<vmem_shared>>
      %dma_wait3A_41 = arith.constant 0 : i32
      %dma_wait3A_42 = tpu.memref_slice %arg5[%mul3A_4, %dma_wait3A_41] : memref<10240x128xf32, #tpu.memory_space<hbm>> -> memref<640x128xf32, #tpu.memory_space<hbm>>
      tpu.wait_dma2 semaphore(%run_scoped3A : memref<!tpu.dma_semaphore, #tpu.memory_space<semaphore_mem>>) src(%dma_wait3A_42 : memref<640x128xf32, #tpu.memory_space<hbm>>) dst(%dma_wait3A_40 : memref<640x128xf32, #tpu.memory_space<vmem_shared>>)
      tpu.yield
    }) : () -> ()
    %barrier3A = arith.constant 0 : index
    tpu.barrier barrier_id(%barrier3A)
    %add3A_7 = arith.constant 0 : i32
    %add3A_8 = arith.addi %mul3A_2, %add3A_7 : i32
    "tpu.region"() ({
      %run_scoped3A = tpu.sem_alloc : memref<!tpu.dma_semaphore, #tpu.memory_space<semaphore_mem>>
      %dma_start3A_35 = tpu.memref_slice %arg3[%add3A_8] : memref<327680xi32, #tpu.memory_space<hbm>> -> memref<80xi32, #tpu.memory_space<hbm>>
      %dma_start3A_36 = tpu.memref_slice %arg3[%add3A_8] : memref<327680xi32, #tpu.memory_space<hbm>> -> memref<80xi32, #tpu.memory_space<hbm>>
      tpu.enqueue_dma source(%dma_start3A_36 : memref<80xi32, #tpu.memory_space<hbm>>) target(%arg7 : memref<80xi32, #tpu.memory_space<vmem>>) target_semaphore(%run_scoped3A : memref<!tpu.dma_semaphore, #tpu.memory_space<semaphore_mem>>)
      %dma_wait3A_37 = tpu.memref_slice %arg3[%add3A_8] : memref<327680xi32, #tpu.memory_space<hbm>> -> memref<80xi32, #tpu.memory_space<hbm>>
      %dma_wait3A_38 = tpu.memref_slice %arg3[%add3A_8] : memref<327680xi32, #tpu.memory_space<hbm>> -> memref<80xi32, #tpu.memory_space<hbm>>
      tpu.wait_dma2 semaphore(%run_scoped3A : memref<!tpu.dma_semaphore, #tpu.memory_space<semaphore_mem>>) src(%dma_wait3A_38 : memref<80xi32, #tpu.memory_space<hbm>>) dst(%arg7 : memref<80xi32, #tpu.memory_space<vmem>>)
      tpu.yield
    }) : () -> ()
    %add3A_9 = arith.constant 0 : i32
    %add3A_10 = arith.addi %mul3A_2, %add3A_9 : i32
    "tpu.region"() ({
      %run_scoped3A = tpu.sem_alloc : memref<!tpu.dma_semaphore, #tpu.memory_space<semaphore_mem>>
      %dma_start3A_35 = tpu.memref_slice %arg4[%add3A_10] : memref<327680xi32, #tpu.memory_space<hbm>> -> memref<80xi32, #tpu.memory_space<hbm>>
      %dma_start3A_36 = tpu.memref_slice %arg4[%add3A_10] : memref<327680xi32, #tpu.memory_space<hbm>> -> memref<80xi32, #tpu.memory_space<hbm>>
      tpu.enqueue_dma source(%dma_start3A_36 : memref<80xi32, #tpu.memory_space<hbm>>) target(%arg8 : memref<80xi32, #tpu.memory_space<vmem>>) target_semaphore(%run_scoped3A : memref<!tpu.dma_semaphore, #tpu.memory_space<semaphore_mem>>)
      %dma_wait3A_37 = tpu.memref_slice %arg4[%add3A_10] : memref<327680xi32, #tpu.memory_space<hbm>> -> memref<80xi32, #tpu.memory_space<hbm>>
      %dma_wait3A_38 = tpu.memref_slice %arg4[%add3A_10] : memref<327680xi32, #tpu.memory_space<hbm>> -> memref<80xi32, #tpu.memory_space<hbm>>
      tpu.wait_dma2 semaphore(%run_scoped3A : memref<!tpu.dma_semaphore, #tpu.memory_space<semaphore_mem>>) src(%dma_wait3A_38 : memref<80xi32, #tpu.memory_space<hbm>>) dst(%arg8 : memref<80xi32, #tpu.memory_space<vmem>>)
      tpu.yield
    }) : () -> ()
    %dma_start3A = arith.constant 0 : i32
    %dma_start3A_11 = arith.constant 0 : i32
    %dma_start3A_12 = tpu.memref_slice %arg2[%dma_start3A, %dma_start3A_11] : memref<10240x128xf32, #tpu.memory_space<hbm>> -> memref<10240x128xf32, #tpu.memory_space<hbm>>
    tpu.enqueue_indirect_dma source(%dma_start3A_12 : memref<10240x128xf32, #tpu.memory_space<hbm>>) target(%arg11 : memref<80x128xf32, #tpu.memory_space<vmem>>) offsets(%arg7 : memref<80xi32, #tpu.memory_space<vmem>>) semaphore(%arg14 : memref<!tpu.dma_semaphore, #tpu.memory_space<semaphore_mem>>)
    %scan3A = arith.constant 0 : i32
    %scan3A_13 = arith.constant 0 : i32
    %scan3A_14 = arith.constant 63 : i32
    %scan3A_15 = arith.addi %scan3A_13, %scan3A_14 : i32
    %scan3A_16 = arith.constant 1 : i32
    scf.for %scan3A_35 = %scan3A_13 to %scan3A_15 step %scan3A_16  : i32 {
      %mul3A_36 = arith.constant 2 : i32
      %mul3A_37 = arith.muli %mul3A_36, %scan3A_35 : i32
      %add3A_38 = arith.constant 1 : i32
      %add3A_39 = arith.addi %mul3A_37, %add3A_38 : i32
      %mul3A_40 = arith.constant 80 : i32
      %mul3A_41 = arith.muli %add3A_39, %mul3A_40 : i32
      %add3A_42 = arith.addi %mul3A_2, %mul3A_41 : i32
      "tpu.region"() ({
        %run_scoped3A = tpu.sem_alloc : memref<!tpu.dma_semaphore, #tpu.memory_space<semaphore_mem>>
        %dma_start3A_66 = tpu.memref_slice %arg3[%add3A_42] : memref<327680xi32, #tpu.memory_space<hbm>> -> memref<80xi32, #tpu.memory_space<hbm>>
        %dma_start3A_67 = tpu.memref_slice %arg3[%add3A_42] : memref<327680xi32, #tpu.memory_space<hbm>> -> memref<80xi32, #tpu.memory_space<hbm>>
        tpu.enqueue_dma source(%dma_start3A_67 : memref<80xi32, #tpu.memory_space<hbm>>) target(%arg9 : memref<80xi32, #tpu.memory_space<vmem>>) target_semaphore(%run_scoped3A : memref<!tpu.dma_semaphore, #tpu.memory_space<semaphore_mem>>)
        %dma_wait3A_68 = tpu.memref_slice %arg3[%add3A_42] : memref<327680xi32, #tpu.memory_space<hbm>> -> memref<80xi32, #tpu.memory_space<hbm>>
        %dma_wait3A_69 = tpu.memref_slice %arg3[%add3A_42] : memref<327680xi32, #tpu.memory_space<hbm>> -> memref<80xi32, #tpu.memory_space<hbm>>
        tpu.wait_dma2 semaphore(%run_scoped3A : memref<!tpu.dma_semaphore, #tpu.memory_space<semaphore_mem>>) src(%dma_wait3A_69 : memref<80xi32, #tpu.memory_space<hbm>>) dst(%arg9 : memref<80xi32, #tpu.memory_space<vmem>>)
        tpu.yield
      }) : () -> ()
      %mul3A_43 = arith.constant 80 : i32
      %mul3A_44 = arith.muli %add3A_39, %mul3A_43 : i32
      %add3A_45 = arith.addi %mul3A_2, %mul3A_44 : i32
      "tpu.region"() ({
        %run_scoped3A = tpu.sem_alloc : memref<!tpu.dma_semaphore, #tpu.memory_space<semaphore_mem>>
        %dma_start3A_66 = tpu.memref_slice %arg4[%add3A_45] : memref<327680xi32, #tpu.memory_space<hbm>> -> memref<80xi32, #tpu.memory_space<hbm>>
        %dma_start3A_67 = tpu.memref_slice %arg4[%add3A_45] : memref<327680xi32, #tpu.memory_space<hbm>> -> memref<80xi32, #tpu.memory_space<hbm>>
        tpu.enqueue_dma source(%dma_start3A_67 : memref<80xi32, #tpu.memory_space<hbm>>) target(%arg10 : memref<80xi32, #tpu.memory_space<vmem>>) target_semaphore(%run_scoped3A : memref<!tpu.dma_semaphore, #tpu.memory_space<semaphore_mem>>)
        %dma_wait3A_68 = tpu.memref_slice %arg4[%add3A_45] : memref<327680xi32, #tpu.memory_space<hbm>> -> memref<80xi32, #tpu.memory_space<hbm>>
        %dma_wait3A_69 = tpu.memref_slice %arg4[%add3A_45] : memref<327680xi32, #tpu.memory_space<hbm>> -> memref<80xi32, #tpu.memory_space<hbm>>
        tpu.wait_dma2 semaphore(%run_scoped3A : memref<!tpu.dma_semaphore, #tpu.memory_space<semaphore_mem>>) src(%dma_wait3A_69 : memref<80xi32, #tpu.memory_space<hbm>>) dst(%arg10 : memref<80xi32, #tpu.memory_space<vmem>>)
        tpu.yield
      }) : () -> ()
      %dma_wait3A_46 = arith.constant 0 : i32
      %dma_wait3A_47 = arith.constant 0 : i32
      %dma_wait3A_48 = tpu.memref_slice %arg2[%dma_wait3A_46, %dma_wait3A_47] : memref<10240x128xf32, #tpu.memory_space<hbm>> -> memref<10240x128xf32, #tpu.memory_space<hbm>>
      tpu.wait_indirect_dma semaphore(%arg14 : memref<!tpu.dma_semaphore, #tpu.memory_space<semaphore_mem>>) src(%dma_wait3A_48 : memref<10240x128xf32, #tpu.memory_space<hbm>>) dst(%arg11 : memref<80x128xf32, #tpu.memory_space<vmem>>)
      %dma_start3A_49 = arith.constant 0 : i32
      %dma_start3A_50 = arith.constant 0 : i32
      %dma_start3A_51 = tpu.memref_slice %arg2[%dma_start3A_49, %dma_start3A_50] : memref<10240x128xf32, #tpu.memory_space<hbm>> -> memref<10240x128xf32, #tpu.memory_space<hbm>>
      tpu.enqueue_indirect_dma source(%dma_start3A_51 : memref<10240x128xf32, #tpu.memory_space<hbm>>) target(%arg12 : memref<80x128xf32, #tpu.memory_space<vmem>>) offsets(%arg9 : memref<80xi32, #tpu.memory_space<vmem>>) semaphore(%arg15 : memref<!tpu.dma_semaphore, #tpu.memory_space<semaphore_mem>>)
      "tpu.region"() ({
        %run_scoped3A = tpu.sem_alloc : memref<!tpu.dma_semaphore, #tpu.memory_space<semaphore_mem>>
        %dma_start3A_66 = arith.constant 0 : i32
        %dma_start3A_67 = arith.constant 0 : i32
        %dma_start3A_68 = tpu.memref_slice %arg13[%dma_start3A_66, %dma_start3A_67] : memref<10240x128xf32, #tpu.memory_space<vmem_shared>> -> memref<10240x128xf32, #tpu.memory_space<vmem_shared>>
        tpu.enqueue_indirect_dma source(%arg11 : memref<80x128xf32, #tpu.memory_space<vmem>>) target(%dma_start3A_68 : memref<10240x128xf32, #tpu.memory_space<vmem_shared>>) offsets(%arg8 : memref<80xi32, #tpu.memory_space<vmem>>) semaphore(%run_scoped3A : memref<!tpu.dma_semaphore, #tpu.memory_space<semaphore_mem>>) {add = true}
        %dma_wait3A_69 = arith.constant 0 : i32
        %dma_wait3A_70 = arith.constant 0 : i32
        %dma_wait3A_71 = tpu.memref_slice %arg13[%dma_wait3A_69, %dma_wait3A_70] : memref<10240x128xf32, #tpu.memory_space<vmem_shared>> -> memref<10240x128xf32, #tpu.memory_space<vmem_shared>>
        tpu.wait_indirect_dma semaphore(%run_scoped3A : memref<!tpu.dma_semaphore, #tpu.memory_space<semaphore_mem>>) src(%arg11 : memref<80x128xf32, #tpu.memory_space<vmem>>) dst(%dma_wait3A_71 : memref<10240x128xf32, #tpu.memory_space<vmem_shared>>)
        tpu.yield
      }) : () -> ()
      %add3A_52 = arith.constant 2 : i32
      %add3A_53 = arith.addi %mul3A_37, %add3A_52 : i32
      %mul3A_54 = arith.constant 80 : i32
      %mul3A_55 = arith.muli %add3A_53, %mul3A_54 : i32
      %add3A_56 = arith.addi %mul3A_2, %mul3A_55 : i32
      "tpu.region"() ({
        %run_scoped3A = tpu.sem_alloc : memref<!tpu.dma_semaphore, #tpu.memory_space<semaphore_mem>>
        %dma_start3A_66 = tpu.memref_slice %arg3[%add3A_56] : memref<327680xi32, #tpu.memory_space<hbm>> -> memref<80xi32, #tpu.memory_space<hbm>>
        %dma_start3A_67 = tpu.memref_slice %arg3[%add3A_56] : memref<327680xi32, #tpu.memory_space<hbm>> -> memref<80xi32, #tpu.memory_space<hbm>>
        tpu.enqueue_dma source(%dma_start3A_67 : memref<80xi32, #tpu.memory_space<hbm>>) target(%arg7 : memref<80xi32, #tpu.memory_space<vmem>>) target_semaphore(%run_scoped3A : memref<!tpu.dma_semaphore, #tpu.memory_space<semaphore_mem>>)
        %dma_wait3A_68 = tpu.memref_slice %arg3[%add3A_56] : memref<327680xi32, #tpu.memory_space<hbm>> -> memref<80xi32, #tpu.memory_space<hbm>>
        %dma_wait3A_69 = tpu.memref_slice %arg3[%add3A_56] : memref<327680xi32, #tpu.memory_space<hbm>> -> memref<80xi32, #tpu.memory_space<hbm>>
        tpu.wait_dma2 semaphore(%run_scoped3A : memref<!tpu.dma_semaphore, #tpu.memory_space<semaphore_mem>>) src(%dma_wait3A_69 : memref<80xi32, #tpu.memory_space<hbm>>) dst(%arg7 : memref<80xi32, #tpu.memory_space<vmem>>)
        tpu.yield
      }) : () -> ()
      %mul3A_57 = arith.constant 80 : i32
      %mul3A_58 = arith.muli %add3A_53, %mul3A_57 : i32
      %add3A_59 = arith.addi %mul3A_2, %mul3A_58 : i32
      "tpu.region"() ({
        %run_scoped3A = tpu.sem_alloc : memref<!tpu.dma_semaphore, #tpu.memory_space<semaphore_mem>>
        %dma_start3A_66 = tpu.memref_slice %arg4[%add3A_59] : memref<327680xi32, #tpu.memory_space<hbm>> -> memref<80xi32, #tpu.memory_space<hbm>>
        %dma_start3A_67 = tpu.memref_slice %arg4[%add3A_59] : memref<327680xi32, #tpu.memory_space<hbm>> -> memref<80xi32, #tpu.memory_space<hbm>>
        tpu.enqueue_dma source(%dma_start3A_67 : memref<80xi32, #tpu.memory_space<hbm>>) target(%arg8 : memref<80xi32, #tpu.memory_space<vmem>>) target_semaphore(%run_scoped3A : memref<!tpu.dma_semaphore, #tpu.memory_space<semaphore_mem>>)
        %dma_wait3A_68 = tpu.memref_slice %arg4[%add3A_59] : memref<327680xi32, #tpu.memory_space<hbm>> -> memref<80xi32, #tpu.memory_space<hbm>>
        %dma_wait3A_69 = tpu.memref_slice %arg4[%add3A_59] : memref<327680xi32, #tpu.memory_space<hbm>> -> memref<80xi32, #tpu.memory_space<hbm>>
        tpu.wait_dma2 semaphore(%run_scoped3A : memref<!tpu.dma_semaphore, #tpu.memory_space<semaphore_mem>>) src(%dma_wait3A_69 : memref<80xi32, #tpu.memory_space<hbm>>) dst(%arg8 : memref<80xi32, #tpu.memory_space<vmem>>)
        tpu.yield
      }) : () -> ()
      %dma_wait3A_60 = arith.constant 0 : i32
      %dma_wait3A_61 = arith.constant 0 : i32
      %dma_wait3A_62 = tpu.memref_slice %arg2[%dma_wait3A_60, %dma_wait3A_61] : memref<10240x128xf32, #tpu.memory_space<hbm>> -> memref<10240x128xf32, #tpu.memory_space<hbm>>
      tpu.wait_indirect_dma semaphore(%arg15 : memref<!tpu.dma_semaphore, #tpu.memory_space<semaphore_mem>>) src(%dma_wait3A_62 : memref<10240x128xf32, #tpu.memory_space<hbm>>) dst(%arg12 : memref<80x128xf32, #tpu.memory_space<vmem>>)
      %dma_start3A_63 = arith.constant 0 : i32
      %dma_start3A_64 = arith.constant 0 : i32
      %dma_start3A_65 = tpu.memref_slice %arg2[%dma_start3A_63, %dma_start3A_64] : memref<10240x128xf32, #tpu.memory_space<hbm>> -> memref<10240x128xf32, #tpu.memory_space<hbm>>
      tpu.enqueue_indirect_dma source(%dma_start3A_65 : memref<10240x128xf32, #tpu.memory_space<hbm>>) target(%arg11 : memref<80x128xf32, #tpu.memory_space<vmem>>) offsets(%arg7 : memref<80xi32, #tpu.memory_space<vmem>>) semaphore(%arg14 : memref<!tpu.dma_semaphore, #tpu.memory_space<semaphore_mem>>)
      "tpu.region"() ({
        %run_scoped3A = tpu.sem_alloc : memref<!tpu.dma_semaphore, #tpu.memory_space<semaphore_mem>>
        %dma_start3A_66 = arith.constant 0 : i32
        %dma_start3A_67 = arith.constant 0 : i32
        %dma_start3A_68 = tpu.memref_slice %arg13[%dma_start3A_66, %dma_start3A_67] : memref<10240x128xf32, #tpu.memory_space<vmem_shared>> -> memref<10240x128xf32, #tpu.memory_space<vmem_shared>>
        tpu.enqueue_indirect_dma source(%arg12 : memref<80x128xf32, #tpu.memory_space<vmem>>) target(%dma_start3A_68 : memref<10240x128xf32, #tpu.memory_space<vmem_shared>>) offsets(%arg10 : memref<80xi32, #tpu.memory_space<vmem>>) semaphore(%run_scoped3A : memref<!tpu.dma_semaphore, #tpu.memory_space<semaphore_mem>>) {add = true}
        %dma_wait3A_69 = arith.constant 0 : i32
        %dma_wait3A_70 = arith.constant 0 : i32
        %dma_wait3A_71 = tpu.memref_slice %arg13[%dma_wait3A_69, %dma_wait3A_70] : memref<10240x128xf32, #tpu.memory_space<vmem_shared>> -> memref<10240x128xf32, #tpu.memory_space<vmem_shared>>
        tpu.wait_indirect_dma semaphore(%run_scoped3A : memref<!tpu.dma_semaphore, #tpu.memory_space<semaphore_mem>>) src(%arg12 : memref<80x128xf32, #tpu.memory_space<vmem>>) dst(%dma_wait3A_71 : memref<10240x128xf32, #tpu.memory_space<vmem_shared>>)
        tpu.yield
      }) : () -> ()
    }
    %scan3A_17 = arith.constant 63 : i32
    %add3A_18 = arith.constant 10160 : i32
    %add3A_19 = arith.addi %mul3A_2, %add3A_18 : i32
    "tpu.region"() ({
      %run_scoped3A = tpu.sem_alloc : memref<!tpu.dma_semaphore, #tpu.memory_space<semaphore_mem>>
      %dma_start3A_35 = tpu.memref_slice %arg3[%add3A_19] : memref<327680xi32, #tpu.memory_space<hbm>> -> memref<80xi32, #tpu.memory_space<hbm>>
      %dma_start3A_36 = tpu.memref_slice %arg3[%add3A_19] : memref<327680xi32, #tpu.memory_space<hbm>> -> memref<80xi32, #tpu.memory_space<hbm>>
      tpu.enqueue_dma source(%dma_start3A_36 : memref<80xi32, #tpu.memory_space<hbm>>) target(%arg9 : memref<80xi32, #tpu.memory_space<vmem>>) target_semaphore(%run_scoped3A : memref<!tpu.dma_semaphore, #tpu.memory_space<semaphore_mem>>)
      %dma_wait3A_37 = tpu.memref_slice %arg3[%add3A_19] : memref<327680xi32, #tpu.memory_space<hbm>> -> memref<80xi32, #tpu.memory_space<hbm>>
      %dma_wait3A_38 = tpu.memref_slice %arg3[%add3A_19] : memref<327680xi32, #tpu.memory_space<hbm>> -> memref<80xi32, #tpu.memory_space<hbm>>
      tpu.wait_dma2 semaphore(%run_scoped3A : memref<!tpu.dma_semaphore, #tpu.memory_space<semaphore_mem>>) src(%dma_wait3A_38 : memref<80xi32, #tpu.memory_space<hbm>>) dst(%arg9 : memref<80xi32, #tpu.memory_space<vmem>>)
      tpu.yield
    }) : () -> ()
    %add3A_20 = arith.constant 10160 : i32
    %add3A_21 = arith.addi %mul3A_2, %add3A_20 : i32
    "tpu.region"() ({
      %run_scoped3A = tpu.sem_alloc : memref<!tpu.dma_semaphore, #tpu.memory_space<semaphore_mem>>
      %dma_start3A_35 = tpu.memref_slice %arg4[%add3A_21] : memref<327680xi32, #tpu.memory_space<hbm>> -> memref<80xi32, #tpu.memory_space<hbm>>
      %dma_start3A_36 = tpu.memref_slice %arg4[%add3A_21] : memref<327680xi32, #tpu.memory_space<hbm>> -> memref<80xi32, #tpu.memory_space<hbm>>
      tpu.enqueue_dma source(%dma_start3A_36 : memref<80xi32, #tpu.memory_space<hbm>>) target(%arg10 : memref<80xi32, #tpu.memory_space<vmem>>) target_semaphore(%run_scoped3A : memref<!tpu.dma_semaphore, #tpu.memory_space<semaphore_mem>>)
      %dma_wait3A_37 = tpu.memref_slice %arg4[%add3A_21] : memref<327680xi32, #tpu.memory_space<hbm>> -> memref<80xi32, #tpu.memory_space<hbm>>
      %dma_wait3A_38 = tpu.memref_slice %arg4[%add3A_21] : memref<327680xi32, #tpu.memory_space<hbm>> -> memref<80xi32, #tpu.memory_space<hbm>>
      tpu.wait_dma2 semaphore(%run_scoped3A : memref<!tpu.dma_semaphore, #tpu.memory_space<semaphore_mem>>) src(%dma_wait3A_38 : memref<80xi32, #tpu.memory_space<hbm>>) dst(%arg10 : memref<80xi32, #tpu.memory_space<vmem>>)
      tpu.yield
    }) : () -> ()
    %dma_wait3A = arith.constant 0 : i32
    %dma_wait3A_22 = arith.constant 0 : i32
    %dma_wait3A_23 = tpu.memref_slice %arg2[%dma_wait3A, %dma_wait3A_22] : memref<10240x128xf32, #tpu.memory_space<hbm>> -> memref<10240x128xf32, #tpu.memory_space<hbm>>
    tpu.wait_indirect_dma semaphore(%arg14 : memref<!tpu.dma_semaphore, #tpu.memory_space<semaphore_mem>>) src(%dma_wait3A_23 : memref<10240x128xf32, #tpu.memory_space<hbm>>) dst(%arg11 : memref<80x128xf32, #tpu.memory_space<vmem>>)
    %dma_start3A_24 = arith.constant 0 : i32
    %dma_start3A_25 = arith.constant 0 : i32
    %dma_start3A_26 = tpu.memref_slice %arg2[%dma_start3A_24, %dma_start3A_25] : memref<10240x128xf32, #tpu.memory_space<hbm>> -> memref<10240x128xf32, #tpu.memory_space<hbm>>
    tpu.enqueue_indirect_dma source(%dma_start3A_26 : memref<10240x128xf32, #tpu.memory_space<hbm>>) target(%arg12 : memref<80x128xf32, #tpu.memory_space<vmem>>) offsets(%arg9 : memref<80xi32, #tpu.memory_space<vmem>>) semaphore(%arg15 : memref<!tpu.dma_semaphore, #tpu.memory_space<semaphore_mem>>)
    "tpu.region"() ({
      %run_scoped3A = tpu.sem_alloc : memref<!tpu.dma_semaphore, #tpu.memory_space<semaphore_mem>>
      %dma_start3A_35 = arith.constant 0 : i32
      %dma_start3A_36 = arith.constant 0 : i32
      %dma_start3A_37 = tpu.memref_slice %arg13[%dma_start3A_35, %dma_start3A_36] : memref<10240x128xf32, #tpu.memory_space<vmem_shared>> -> memref<10240x128xf32, #tpu.memory_space<vmem_shared>>
      tpu.enqueue_indirect_dma source(%arg11 : memref<80x128xf32, #tpu.memory_space<vmem>>) target(%dma_start3A_37 : memref<10240x128xf32, #tpu.memory_space<vmem_shared>>) offsets(%arg8 : memref<80xi32, #tpu.memory_space<vmem>>) semaphore(%run_scoped3A : memref<!tpu.dma_semaphore, #tpu.memory_space<semaphore_mem>>) {add = true}
      %dma_wait3A_38 = arith.constant 0 : i32
      %dma_wait3A_39 = arith.constant 0 : i32
      %dma_wait3A_40 = tpu.memref_slice %arg13[%dma_wait3A_38, %dma_wait3A_39] : memref<10240x128xf32, #tpu.memory_space<vmem_shared>> -> memref<10240x128xf32, #tpu.memory_space<vmem_shared>>
      tpu.wait_indirect_dma semaphore(%run_scoped3A : memref<!tpu.dma_semaphore, #tpu.memory_space<semaphore_mem>>) src(%arg11 : memref<80x128xf32, #tpu.memory_space<vmem>>) dst(%dma_wait3A_40 : memref<10240x128xf32, #tpu.memory_space<vmem_shared>>)
      tpu.yield
    }) : () -> ()
    %dma_wait3A_27 = arith.constant 0 : i32
    %dma_wait3A_28 = arith.constant 0 : i32
    %dma_wait3A_29 = tpu.memref_slice %arg2[%dma_wait3A_27, %dma_wait3A_28] : memref<10240x128xf32, #tpu.memory_space<hbm>> -> memref<10240x128xf32, #tpu.memory_space<hbm>>
    tpu.wait_indirect_dma semaphore(%arg15 : memref<!tpu.dma_semaphore, #tpu.memory_space<semaphore_mem>>) src(%dma_wait3A_29 : memref<10240x128xf32, #tpu.memory_space<hbm>>) dst(%arg12 : memref<80x128xf32, #tpu.memory_space<vmem>>)
    "tpu.region"() ({
      %run_scoped3A = tpu.sem_alloc : memref<!tpu.dma_semaphore, #tpu.memory_space<semaphore_mem>>
      %dma_start3A_35 = arith.constant 0 : i32
      %dma_start3A_36 = arith.constant 0 : i32
      %dma_start3A_37 = tpu.memref_slice %arg13[%dma_start3A_35, %dma_start3A_36] : memref<10240x128xf32, #tpu.memory_space<vmem_shared>> -> memref<10240x128xf32, #tpu.memory_space<vmem_shared>>
      tpu.enqueue_indirect_dma source(%arg12 : memref<80x128xf32, #tpu.memory_space<vmem>>) target(%dma_start3A_37 : memref<10240x128xf32, #tpu.memory_space<vmem_shared>>) offsets(%arg10 : memref<80xi32, #tpu.memory_space<vmem>>) semaphore(%run_scoped3A : memref<!tpu.dma_semaphore, #tpu.memory_space<semaphore_mem>>) {add = true}
      %dma_wait3A_38 = arith.constant 0 : i32
      %dma_wait3A_39 = arith.constant 0 : i32
      %dma_wait3A_40 = tpu.memref_slice %arg13[%dma_wait3A_38, %dma_wait3A_39] : memref<10240x128xf32, #tpu.memory_space<vmem_shared>> -> memref<10240x128xf32, #tpu.memory_space<vmem_shared>>
      tpu.wait_indirect_dma semaphore(%run_scoped3A : memref<!tpu.dma_semaphore, #tpu.memory_space<semaphore_mem>>) src(%arg12 : memref<80x128xf32, #tpu.memory_space<vmem>>) dst(%dma_wait3A_40 : memref<10240x128xf32, #tpu.memory_space<vmem_shared>>)
      tpu.yield
    }) : () -> ()
    %barrier3A_30 = arith.constant 0 : index
    tpu.barrier barrier_id(%barrier3A_30)
    %mul3A_31 = arith.constant 640 : i32
    %mul3A_32 = arith.muli %arg1, %mul3A_31 : i32
    %mul3A_33 = arith.constant 640 : i32
    %mul3A_34 = arith.muli %arg1, %mul3A_33 : i32
    "tpu.region"() ({
      %run_scoped3A = tpu.sem_alloc : memref<!tpu.dma_semaphore, #tpu.memory_space<semaphore_mem>>
      %dma_start3A_35 = arith.constant 0 : i32
      %dma_start3A_36 = tpu.memref_slice %arg6[%arg0, %mul3A_34, %dma_start3A_35] : memref<2x10240x128xf32, #tpu.memory_space<hbm>> -> memref<1x640x128xf32, #tpu.memory_space<hbm>>
      %dma_start3A_37 = tpu.memref_squeeze %dma_start3A_36 : memref<1x640x128xf32, #tpu.memory_space<hbm>> -> memref<640x128xf32, #tpu.memory_space<hbm>>
      %dma_start3A_38 = arith.constant 0 : i32
      %dma_start3A_39 = tpu.memref_slice %arg13[%mul3A_32, %dma_start3A_38] : memref<10240x128xf32, #tpu.memory_space<vmem_shared>> -> memref<640x128xf32, #tpu.memory_space<vmem_shared>>
      tpu.enqueue_dma source(%dma_start3A_39 : memref<640x128xf32, #tpu.memory_space<vmem_shared>>) target(%dma_start3A_37 : memref<640x128xf32, #tpu.memory_space<hbm>>) target_semaphore(%run_scoped3A : memref<!tpu.dma_semaphore, #tpu.memory_space<semaphore_mem>>)
      %dma_wait3A_40 = arith.constant 0 : i32
      %dma_wait3A_41 = tpu.memref_slice %arg6[%arg0, %mul3A_34, %dma_wait3A_40] : memref<2x10240x128xf32, #tpu.memory_space<hbm>> -> memref<1x640x128xf32, #tpu.memory_space<hbm>>
      %dma_wait3A_42 = tpu.memref_squeeze %dma_wait3A_41 : memref<1x640x128xf32, #tpu.memory_space<hbm>> -> memref<640x128xf32, #tpu.memory_space<hbm>>
      %dma_wait3A_43 = arith.constant 0 : i32
      %dma_wait3A_44 = tpu.memref_slice %arg13[%mul3A_32, %dma_wait3A_43] : memref<10240x128xf32, #tpu.memory_space<vmem_shared>> -> memref<640x128xf32, #tpu.memory_space<vmem_shared>>
      tpu.wait_dma2 semaphore(%run_scoped3A : memref<!tpu.dma_semaphore, #tpu.memory_space<semaphore_mem>>) src(%dma_wait3A_44 : memref<640x128xf32, #tpu.memory_space<vmem_shared>>) dst(%dma_wait3A_42 : memref<640x128xf32, #tpu.memory_space<hbm>>)
      tpu.yield
    }) : () -> ()
    return
  }
}

#map = affine_map<(d0, d1) -> (0)>
#map1 = affine_map<(d0, d1) -> (0, 0)>
#map2 = affine_map<(d0, d1) -> (0, 0, 0)>
module attributes {stable_mosaic.version = 14 : i64} {
  func.func @_sc_degrees(%arg0: i32, %arg1: i32, %arg2: memref<327680xi32, #tpu.memory_space<hbm>>, %arg3: memref<327680xi32, #tpu.memory_space<hbm>>, %arg4: memref<10240x128xf32, #tpu.memory_space<hbm>>, %arg5: memref<80x128xf32, #tpu.memory_space<hbm>>, %arg6: memref<80x128xf32, #tpu.memory_space<hbm>>, %arg7: memref<2x10240x128xf32, #tpu.memory_space<hbm>>, %arg8: memref<80xi32, #tpu.memory_space<vmem>>, %arg9: memref<80xi32, #tpu.memory_space<vmem>>, %arg10: memref<80xi32, #tpu.memory_space<vmem>>, %arg11: memref<80xi32, #tpu.memory_space<vmem>>, %arg12: memref<80x128xf32, #tpu.memory_space<vmem>>, %arg13: memref<80x128xf32, #tpu.memory_space<vmem>>, %arg14: memref<10240x128xf32, #tpu.memory_space<vmem_shared>>, %arg15: memref<!tpu.dma_semaphore, #tpu.memory_space<semaphore_mem>>) attributes {dimension_semantics = [#tpu.dimension_semantics<core_parallel>, #tpu.dimension_semantics<subcore_parallel>], iteration_bounds = array<i64: 2, 16>, scalar_prefetch = 0 : i64, scratch_operands = 8 : i64, tpu.core_type = #tpu.core_type<sc_vector_subcore>, window_params = [{transform_indices = #map}, {transform_indices = #map}, {transform_indices = #map1}, {transform_indices = #map1}, {transform_indices = #map1}, {transform_indices = #map2}]} {
    %mul3A = arith.constant 16 : i32
    %mul3A_0 = arith.muli %arg0, %mul3A : i32
    %add3A = arith.addi %mul3A_0, %arg1 : i32
    %mul3A_1 = arith.constant 10240 : i32
    %mul3A_2 = arith.muli %add3A, %mul3A_1 : i32
    "tpu.region"() ({
      %run_scoped3A = tpu.sem_alloc : memref<!tpu.dma_semaphore, #tpu.memory_space<semaphore_mem>>
      tpu.enqueue_dma source(%arg5 : memref<80x128xf32, #tpu.memory_space<hbm>>) target(%arg12 : memref<80x128xf32, #tpu.memory_space<vmem>>) target_semaphore(%run_scoped3A : memref<!tpu.dma_semaphore, #tpu.memory_space<semaphore_mem>>)
      tpu.wait_dma2 semaphore(%run_scoped3A : memref<!tpu.dma_semaphore, #tpu.memory_space<semaphore_mem>>) src(%arg5 : memref<80x128xf32, #tpu.memory_space<hbm>>) dst(%arg12 : memref<80x128xf32, #tpu.memory_space<vmem>>)
      tpu.yield
    }) : () -> ()
    "tpu.region"() ({
      %run_scoped3A = tpu.sem_alloc : memref<!tpu.dma_semaphore, #tpu.memory_space<semaphore_mem>>
      tpu.enqueue_dma source(%arg6 : memref<80x128xf32, #tpu.memory_space<hbm>>) target(%arg13 : memref<80x128xf32, #tpu.memory_space<vmem>>) target_semaphore(%run_scoped3A : memref<!tpu.dma_semaphore, #tpu.memory_space<semaphore_mem>>)
      tpu.wait_dma2 semaphore(%run_scoped3A : memref<!tpu.dma_semaphore, #tpu.memory_space<semaphore_mem>>) src(%arg6 : memref<80x128xf32, #tpu.memory_space<hbm>>) dst(%arg13 : memref<80x128xf32, #tpu.memory_space<vmem>>)
      tpu.yield
    }) : () -> ()
    %mul3A_3 = arith.constant 640 : i32
    %mul3A_4 = arith.muli %arg1, %mul3A_3 : i32
    %mul3A_5 = arith.constant 640 : i32
    %mul3A_6 = arith.muli %arg1, %mul3A_5 : i32
    "tpu.region"() ({
      %run_scoped3A = tpu.sem_alloc : memref<!tpu.dma_semaphore, #tpu.memory_space<semaphore_mem>>
      %dma_start3A_35 = arith.constant 0 : i32
      %dma_start3A_36 = tpu.memref_slice %arg14[%mul3A_6, %dma_start3A_35] : memref<10240x128xf32, #tpu.memory_space<vmem_shared>> -> memref<640x128xf32, #tpu.memory_space<vmem_shared>>
      %dma_start3A_37 = arith.constant 0 : i32
      %dma_start3A_38 = tpu.memref_slice %arg4[%mul3A_4, %dma_start3A_37] : memref<10240x128xf32, #tpu.memory_space<hbm>> -> memref<640x128xf32, #tpu.memory_space<hbm>>
      tpu.enqueue_dma source(%dma_start3A_38 : memref<640x128xf32, #tpu.memory_space<hbm>>) target(%dma_start3A_36 : memref<640x128xf32, #tpu.memory_space<vmem_shared>>) target_semaphore(%run_scoped3A : memref<!tpu.dma_semaphore, #tpu.memory_space<semaphore_mem>>)
      %dma_wait3A_39 = arith.constant 0 : i32
      %dma_wait3A_40 = tpu.memref_slice %arg14[%mul3A_6, %dma_wait3A_39] : memref<10240x128xf32, #tpu.memory_space<vmem_shared>> -> memref<640x128xf32, #tpu.memory_space<vmem_shared>>
      %dma_wait3A_41 = arith.constant 0 : i32
      %dma_wait3A_42 = tpu.memref_slice %arg4[%mul3A_4, %dma_wait3A_41] : memref<10240x128xf32, #tpu.memory_space<hbm>> -> memref<640x128xf32, #tpu.memory_space<hbm>>
      tpu.wait_dma2 semaphore(%run_scoped3A : memref<!tpu.dma_semaphore, #tpu.memory_space<semaphore_mem>>) src(%dma_wait3A_42 : memref<640x128xf32, #tpu.memory_space<hbm>>) dst(%dma_wait3A_40 : memref<640x128xf32, #tpu.memory_space<vmem_shared>>)
      tpu.yield
    }) : () -> ()
    %barrier3A = arith.constant 0 : index
    tpu.barrier barrier_id(%barrier3A)
    %add3A_7 = arith.constant 0 : i32
    %add3A_8 = arith.addi %mul3A_2, %add3A_7 : i32
    "tpu.region"() ({
      %run_scoped3A = tpu.sem_alloc : memref<!tpu.dma_semaphore, #tpu.memory_space<semaphore_mem>>
      %dma_start3A_35 = tpu.memref_slice %arg2[%add3A_8] : memref<327680xi32, #tpu.memory_space<hbm>> -> memref<80xi32, #tpu.memory_space<hbm>>
      %dma_start3A_36 = tpu.memref_slice %arg2[%add3A_8] : memref<327680xi32, #tpu.memory_space<hbm>> -> memref<80xi32, #tpu.memory_space<hbm>>
      tpu.enqueue_dma source(%dma_start3A_36 : memref<80xi32, #tpu.memory_space<hbm>>) target(%arg8 : memref<80xi32, #tpu.memory_space<vmem>>) target_semaphore(%run_scoped3A : memref<!tpu.dma_semaphore, #tpu.memory_space<semaphore_mem>>)
      %dma_wait3A_37 = tpu.memref_slice %arg2[%add3A_8] : memref<327680xi32, #tpu.memory_space<hbm>> -> memref<80xi32, #tpu.memory_space<hbm>>
      %dma_wait3A_38 = tpu.memref_slice %arg2[%add3A_8] : memref<327680xi32, #tpu.memory_space<hbm>> -> memref<80xi32, #tpu.memory_space<hbm>>
      tpu.wait_dma2 semaphore(%run_scoped3A : memref<!tpu.dma_semaphore, #tpu.memory_space<semaphore_mem>>) src(%dma_wait3A_38 : memref<80xi32, #tpu.memory_space<hbm>>) dst(%arg8 : memref<80xi32, #tpu.memory_space<vmem>>)
      tpu.yield
    }) : () -> ()
    %add3A_9 = arith.constant 0 : i32
    %add3A_10 = arith.addi %mul3A_2, %add3A_9 : i32
    "tpu.region"() ({
      %run_scoped3A = tpu.sem_alloc : memref<!tpu.dma_semaphore, #tpu.memory_space<semaphore_mem>>
      %dma_start3A_35 = tpu.memref_slice %arg3[%add3A_10] : memref<327680xi32, #tpu.memory_space<hbm>> -> memref<80xi32, #tpu.memory_space<hbm>>
      %dma_start3A_36 = tpu.memref_slice %arg3[%add3A_10] : memref<327680xi32, #tpu.memory_space<hbm>> -> memref<80xi32, #tpu.memory_space<hbm>>
      tpu.enqueue_dma source(%dma_start3A_36 : memref<80xi32, #tpu.memory_space<hbm>>) target(%arg9 : memref<80xi32, #tpu.memory_space<vmem>>) target_semaphore(%run_scoped3A : memref<!tpu.dma_semaphore, #tpu.memory_space<semaphore_mem>>)
      %dma_wait3A_37 = tpu.memref_slice %arg3[%add3A_10] : memref<327680xi32, #tpu.memory_space<hbm>> -> memref<80xi32, #tpu.memory_space<hbm>>
      %dma_wait3A_38 = tpu.memref_slice %arg3[%add3A_10] : memref<327680xi32, #tpu.memory_space<hbm>> -> memref<80xi32, #tpu.memory_space<hbm>>
      tpu.wait_dma2 semaphore(%run_scoped3A : memref<!tpu.dma_semaphore, #tpu.memory_space<semaphore_mem>>) src(%dma_wait3A_38 : memref<80xi32, #tpu.memory_space<hbm>>) dst(%arg9 : memref<80xi32, #tpu.memory_space<vmem>>)
      tpu.yield
    }) : () -> ()
    %scan3A = arith.constant 0 : i32
    %scan3A_11 = arith.constant 0 : i32
    %scan3A_12 = arith.constant 63 : i32
    %scan3A_13 = arith.addi %scan3A_11, %scan3A_12 : i32
    %scan3A_14 = arith.constant 1 : i32
    scf.for %scan3A_35 = %scan3A_11 to %scan3A_13 step %scan3A_14  : i32 {
      %mul3A_36 = arith.constant 2 : i32
      %mul3A_37 = arith.muli %mul3A_36, %scan3A_35 : i32
      %add3A_38 = arith.constant 1 : i32
      %add3A_39 = arith.addi %mul3A_37, %add3A_38 : i32
      %mul3A_40 = arith.constant 80 : i32
      %mul3A_41 = arith.muli %add3A_39, %mul3A_40 : i32
      %add3A_42 = arith.addi %mul3A_2, %mul3A_41 : i32
      "tpu.region"() ({
        %run_scoped3A = tpu.sem_alloc : memref<!tpu.dma_semaphore, #tpu.memory_space<semaphore_mem>>
        %dma_start3A_66 = tpu.memref_slice %arg2[%add3A_42] : memref<327680xi32, #tpu.memory_space<hbm>> -> memref<80xi32, #tpu.memory_space<hbm>>
        %dma_start3A_67 = tpu.memref_slice %arg2[%add3A_42] : memref<327680xi32, #tpu.memory_space<hbm>> -> memref<80xi32, #tpu.memory_space<hbm>>
        tpu.enqueue_dma source(%dma_start3A_67 : memref<80xi32, #tpu.memory_space<hbm>>) target(%arg10 : memref<80xi32, #tpu.memory_space<vmem>>) target_semaphore(%run_scoped3A : memref<!tpu.dma_semaphore, #tpu.memory_space<semaphore_mem>>)
        %dma_wait3A_68 = tpu.memref_slice %arg2[%add3A_42] : memref<327680xi32, #tpu.memory_space<hbm>> -> memref<80xi32, #tpu.memory_space<hbm>>
        %dma_wait3A_69 = tpu.memref_slice %arg2[%add3A_42] : memref<327680xi32, #tpu.memory_space<hbm>> -> memref<80xi32, #tpu.memory_space<hbm>>
        tpu.wait_dma2 semaphore(%run_scoped3A : memref<!tpu.dma_semaphore, #tpu.memory_space<semaphore_mem>>) src(%dma_wait3A_69 : memref<80xi32, #tpu.memory_space<hbm>>) dst(%arg10 : memref<80xi32, #tpu.memory_space<vmem>>)
        tpu.yield
      }) : () -> ()
      %mul3A_43 = arith.constant 80 : i32
      %mul3A_44 = arith.muli %add3A_39, %mul3A_43 : i32
      %add3A_45 = arith.addi %mul3A_2, %mul3A_44 : i32
      "tpu.region"() ({
        %run_scoped3A = tpu.sem_alloc : memref<!tpu.dma_semaphore, #tpu.memory_space<semaphore_mem>>
        %dma_start3A_66 = tpu.memref_slice %arg3[%add3A_45] : memref<327680xi32, #tpu.memory_space<hbm>> -> memref<80xi32, #tpu.memory_space<hbm>>
        %dma_start3A_67 = tpu.memref_slice %arg3[%add3A_45] : memref<327680xi32, #tpu.memory_space<hbm>> -> memref<80xi32, #tpu.memory_space<hbm>>
        tpu.enqueue_dma source(%dma_start3A_67 : memref<80xi32, #tpu.memory_space<hbm>>) target(%arg11 : memref<80xi32, #tpu.memory_space<vmem>>) target_semaphore(%run_scoped3A : memref<!tpu.dma_semaphore, #tpu.memory_space<semaphore_mem>>)
        %dma_wait3A_68 = tpu.memref_slice %arg3[%add3A_45] : memref<327680xi32, #tpu.memory_space<hbm>> -> memref<80xi32, #tpu.memory_space<hbm>>
        %dma_wait3A_69 = tpu.memref_slice %arg3[%add3A_45] : memref<327680xi32, #tpu.memory_space<hbm>> -> memref<80xi32, #tpu.memory_space<hbm>>
        tpu.wait_dma2 semaphore(%run_scoped3A : memref<!tpu.dma_semaphore, #tpu.memory_space<semaphore_mem>>) src(%dma_wait3A_69 : memref<80xi32, #tpu.memory_space<hbm>>) dst(%arg11 : memref<80xi32, #tpu.memory_space<vmem>>)
        tpu.yield
      }) : () -> ()
      %dma_start3A_46 = arith.constant 0 : i32
      %dma_start3A_47 = arith.constant 0 : i32
      %dma_start3A_48 = tpu.memref_slice %arg14[%dma_start3A_46, %dma_start3A_47] : memref<10240x128xf32, #tpu.memory_space<vmem_shared>> -> memref<10240x128xf32, #tpu.memory_space<vmem_shared>>
      tpu.enqueue_indirect_dma source(%arg12 : memref<80x128xf32, #tpu.memory_space<vmem>>) target(%dma_start3A_48 : memref<10240x128xf32, #tpu.memory_space<vmem_shared>>) offsets(%arg8 : memref<80xi32, #tpu.memory_space<vmem>>) semaphore(%arg15 : memref<!tpu.dma_semaphore, #tpu.memory_space<semaphore_mem>>) {add = true}
      "tpu.region"() ({
        %run_scoped3A = tpu.sem_alloc : memref<!tpu.dma_semaphore, #tpu.memory_space<semaphore_mem>>
        %dma_start3A_66 = arith.constant 0 : i32
        %dma_start3A_67 = arith.constant 0 : i32
        %dma_start3A_68 = tpu.memref_slice %arg14[%dma_start3A_66, %dma_start3A_67] : memref<10240x128xf32, #tpu.memory_space<vmem_shared>> -> memref<10240x128xf32, #tpu.memory_space<vmem_shared>>
        tpu.enqueue_indirect_dma source(%arg13 : memref<80x128xf32, #tpu.memory_space<vmem>>) target(%dma_start3A_68 : memref<10240x128xf32, #tpu.memory_space<vmem_shared>>) offsets(%arg9 : memref<80xi32, #tpu.memory_space<vmem>>) semaphore(%run_scoped3A : memref<!tpu.dma_semaphore, #tpu.memory_space<semaphore_mem>>) {add = true}
        %dma_wait3A_69 = arith.constant 0 : i32
        %dma_wait3A_70 = arith.constant 0 : i32
        %dma_wait3A_71 = tpu.memref_slice %arg14[%dma_wait3A_69, %dma_wait3A_70] : memref<10240x128xf32, #tpu.memory_space<vmem_shared>> -> memref<10240x128xf32, #tpu.memory_space<vmem_shared>>
        tpu.wait_indirect_dma semaphore(%run_scoped3A : memref<!tpu.dma_semaphore, #tpu.memory_space<semaphore_mem>>) src(%arg13 : memref<80x128xf32, #tpu.memory_space<vmem>>) dst(%dma_wait3A_71 : memref<10240x128xf32, #tpu.memory_space<vmem_shared>>)
        tpu.yield
      }) : () -> ()
      %dma_wait3A_49 = arith.constant 0 : i32
      %dma_wait3A_50 = arith.constant 0 : i32
      %dma_wait3A_51 = tpu.memref_slice %arg14[%dma_wait3A_49, %dma_wait3A_50] : memref<10240x128xf32, #tpu.memory_space<vmem_shared>> -> memref<10240x128xf32, #tpu.memory_space<vmem_shared>>
      tpu.wait_indirect_dma semaphore(%arg15 : memref<!tpu.dma_semaphore, #tpu.memory_space<semaphore_mem>>) src(%arg12 : memref<80x128xf32, #tpu.memory_space<vmem>>) dst(%dma_wait3A_51 : memref<10240x128xf32, #tpu.memory_space<vmem_shared>>)
      %add3A_52 = arith.constant 2 : i32
      %add3A_53 = arith.addi %mul3A_37, %add3A_52 : i32
      %mul3A_54 = arith.constant 80 : i32
      %mul3A_55 = arith.muli %add3A_53, %mul3A_54 : i32
      %add3A_56 = arith.addi %mul3A_2, %mul3A_55 : i32
      "tpu.region"() ({
        %run_scoped3A = tpu.sem_alloc : memref<!tpu.dma_semaphore, #tpu.memory_space<semaphore_mem>>
        %dma_start3A_66 = tpu.memref_slice %arg2[%add3A_56] : memref<327680xi32, #tpu.memory_space<hbm>> -> memref<80xi32, #tpu.memory_space<hbm>>
        %dma_start3A_67 = tpu.memref_slice %arg2[%add3A_56] : memref<327680xi32, #tpu.memory_space<hbm>> -> memref<80xi32, #tpu.memory_space<hbm>>
        tpu.enqueue_dma source(%dma_start3A_67 : memref<80xi32, #tpu.memory_space<hbm>>) target(%arg8 : memref<80xi32, #tpu.memory_space<vmem>>) target_semaphore(%run_scoped3A : memref<!tpu.dma_semaphore, #tpu.memory_space<semaphore_mem>>)
        %dma_wait3A_68 = tpu.memref_slice %arg2[%add3A_56] : memref<327680xi32, #tpu.memory_space<hbm>> -> memref<80xi32, #tpu.memory_space<hbm>>
        %dma_wait3A_69 = tpu.memref_slice %arg2[%add3A_56] : memref<327680xi32, #tpu.memory_space<hbm>> -> memref<80xi32, #tpu.memory_space<hbm>>
        tpu.wait_dma2 semaphore(%run_scoped3A : memref<!tpu.dma_semaphore, #tpu.memory_space<semaphore_mem>>) src(%dma_wait3A_69 : memref<80xi32, #tpu.memory_space<hbm>>) dst(%arg8 : memref<80xi32, #tpu.memory_space<vmem>>)
        tpu.yield
      }) : () -> ()
      %mul3A_57 = arith.constant 80 : i32
      %mul3A_58 = arith.muli %add3A_53, %mul3A_57 : i32
      %add3A_59 = arith.addi %mul3A_2, %mul3A_58 : i32
      "tpu.region"() ({
        %run_scoped3A = tpu.sem_alloc : memref<!tpu.dma_semaphore, #tpu.memory_space<semaphore_mem>>
        %dma_start3A_66 = tpu.memref_slice %arg3[%add3A_59] : memref<327680xi32, #tpu.memory_space<hbm>> -> memref<80xi32, #tpu.memory_space<hbm>>
        %dma_start3A_67 = tpu.memref_slice %arg3[%add3A_59] : memref<327680xi32, #tpu.memory_space<hbm>> -> memref<80xi32, #tpu.memory_space<hbm>>
        tpu.enqueue_dma source(%dma_start3A_67 : memref<80xi32, #tpu.memory_space<hbm>>) target(%arg9 : memref<80xi32, #tpu.memory_space<vmem>>) target_semaphore(%run_scoped3A : memref<!tpu.dma_semaphore, #tpu.memory_space<semaphore_mem>>)
        %dma_wait3A_68 = tpu.memref_slice %arg3[%add3A_59] : memref<327680xi32, #tpu.memory_space<hbm>> -> memref<80xi32, #tpu.memory_space<hbm>>
        %dma_wait3A_69 = tpu.memref_slice %arg3[%add3A_59] : memref<327680xi32, #tpu.memory_space<hbm>> -> memref<80xi32, #tpu.memory_space<hbm>>
        tpu.wait_dma2 semaphore(%run_scoped3A : memref<!tpu.dma_semaphore, #tpu.memory_space<semaphore_mem>>) src(%dma_wait3A_69 : memref<80xi32, #tpu.memory_space<hbm>>) dst(%arg9 : memref<80xi32, #tpu.memory_space<vmem>>)
        tpu.yield
      }) : () -> ()
      %dma_start3A_60 = arith.constant 0 : i32
      %dma_start3A_61 = arith.constant 0 : i32
      %dma_start3A_62 = tpu.memref_slice %arg14[%dma_start3A_60, %dma_start3A_61] : memref<10240x128xf32, #tpu.memory_space<vmem_shared>> -> memref<10240x128xf32, #tpu.memory_space<vmem_shared>>
      tpu.enqueue_indirect_dma source(%arg12 : memref<80x128xf32, #tpu.memory_space<vmem>>) target(%dma_start3A_62 : memref<10240x128xf32, #tpu.memory_space<vmem_shared>>) offsets(%arg10 : memref<80xi32, #tpu.memory_space<vmem>>) semaphore(%arg15 : memref<!tpu.dma_semaphore, #tpu.memory_space<semaphore_mem>>) {add = true}
      "tpu.region"() ({
        %run_scoped3A = tpu.sem_alloc : memref<!tpu.dma_semaphore, #tpu.memory_space<semaphore_mem>>
        %dma_start3A_66 = arith.constant 0 : i32
        %dma_start3A_67 = arith.constant 0 : i32
        %dma_start3A_68 = tpu.memref_slice %arg14[%dma_start3A_66, %dma_start3A_67] : memref<10240x128xf32, #tpu.memory_space<vmem_shared>> -> memref<10240x128xf32, #tpu.memory_space<vmem_shared>>
        tpu.enqueue_indirect_dma source(%arg13 : memref<80x128xf32, #tpu.memory_space<vmem>>) target(%dma_start3A_68 : memref<10240x128xf32, #tpu.memory_space<vmem_shared>>) offsets(%arg11 : memref<80xi32, #tpu.memory_space<vmem>>) semaphore(%run_scoped3A : memref<!tpu.dma_semaphore, #tpu.memory_space<semaphore_mem>>) {add = true}
        %dma_wait3A_69 = arith.constant 0 : i32
        %dma_wait3A_70 = arith.constant 0 : i32
        %dma_wait3A_71 = tpu.memref_slice %arg14[%dma_wait3A_69, %dma_wait3A_70] : memref<10240x128xf32, #tpu.memory_space<vmem_shared>> -> memref<10240x128xf32, #tpu.memory_space<vmem_shared>>
        tpu.wait_indirect_dma semaphore(%run_scoped3A : memref<!tpu.dma_semaphore, #tpu.memory_space<semaphore_mem>>) src(%arg13 : memref<80x128xf32, #tpu.memory_space<vmem>>) dst(%dma_wait3A_71 : memref<10240x128xf32, #tpu.memory_space<vmem_shared>>)
        tpu.yield
      }) : () -> ()
      %dma_wait3A_63 = arith.constant 0 : i32
      %dma_wait3A_64 = arith.constant 0 : i32
      %dma_wait3A_65 = tpu.memref_slice %arg14[%dma_wait3A_63, %dma_wait3A_64] : memref<10240x128xf32, #tpu.memory_space<vmem_shared>> -> memref<10240x128xf32, #tpu.memory_space<vmem_shared>>
      tpu.wait_indirect_dma semaphore(%arg15 : memref<!tpu.dma_semaphore, #tpu.memory_space<semaphore_mem>>) src(%arg12 : memref<80x128xf32, #tpu.memory_space<vmem>>) dst(%dma_wait3A_65 : memref<10240x128xf32, #tpu.memory_space<vmem_shared>>)
    }
    %scan3A_15 = arith.constant 63 : i32
    %add3A_16 = arith.constant 10160 : i32
    %add3A_17 = arith.addi %mul3A_2, %add3A_16 : i32
    "tpu.region"() ({
      %run_scoped3A = tpu.sem_alloc : memref<!tpu.dma_semaphore, #tpu.memory_space<semaphore_mem>>
      %dma_start3A_35 = tpu.memref_slice %arg2[%add3A_17] : memref<327680xi32, #tpu.memory_space<hbm>> -> memref<80xi32, #tpu.memory_space<hbm>>
      %dma_start3A_36 = tpu.memref_slice %arg2[%add3A_17] : memref<327680xi32, #tpu.memory_space<hbm>> -> memref<80xi32, #tpu.memory_space<hbm>>
      tpu.enqueue_dma source(%dma_start3A_36 : memref<80xi32, #tpu.memory_space<hbm>>) target(%arg10 : memref<80xi32, #tpu.memory_space<vmem>>) target_semaphore(%run_scoped3A : memref<!tpu.dma_semaphore, #tpu.memory_space<semaphore_mem>>)
      %dma_wait3A_37 = tpu.memref_slice %arg2[%add3A_17] : memref<327680xi32, #tpu.memory_space<hbm>> -> memref<80xi32, #tpu.memory_space<hbm>>
      %dma_wait3A_38 = tpu.memref_slice %arg2[%add3A_17] : memref<327680xi32, #tpu.memory_space<hbm>> -> memref<80xi32, #tpu.memory_space<hbm>>
      tpu.wait_dma2 semaphore(%run_scoped3A : memref<!tpu.dma_semaphore, #tpu.memory_space<semaphore_mem>>) src(%dma_wait3A_38 : memref<80xi32, #tpu.memory_space<hbm>>) dst(%arg10 : memref<80xi32, #tpu.memory_space<vmem>>)
      tpu.yield
    }) : () -> ()
    %add3A_18 = arith.constant 10160 : i32
    %add3A_19 = arith.addi %mul3A_2, %add3A_18 : i32
    "tpu.region"() ({
      %run_scoped3A = tpu.sem_alloc : memref<!tpu.dma_semaphore, #tpu.memory_space<semaphore_mem>>
      %dma_start3A_35 = tpu.memref_slice %arg3[%add3A_19] : memref<327680xi32, #tpu.memory_space<hbm>> -> memref<80xi32, #tpu.memory_space<hbm>>
      %dma_start3A_36 = tpu.memref_slice %arg3[%add3A_19] : memref<327680xi32, #tpu.memory_space<hbm>> -> memref<80xi32, #tpu.memory_space<hbm>>
      tpu.enqueue_dma source(%dma_start3A_36 : memref<80xi32, #tpu.memory_space<hbm>>) target(%arg11 : memref<80xi32, #tpu.memory_space<vmem>>) target_semaphore(%run_scoped3A : memref<!tpu.dma_semaphore, #tpu.memory_space<semaphore_mem>>)
      %dma_wait3A_37 = tpu.memref_slice %arg3[%add3A_19] : memref<327680xi32, #tpu.memory_space<hbm>> -> memref<80xi32, #tpu.memory_space<hbm>>
      %dma_wait3A_38 = tpu.memref_slice %arg3[%add3A_19] : memref<327680xi32, #tpu.memory_space<hbm>> -> memref<80xi32, #tpu.memory_space<hbm>>
      tpu.wait_dma2 semaphore(%run_scoped3A : memref<!tpu.dma_semaphore, #tpu.memory_space<semaphore_mem>>) src(%dma_wait3A_38 : memref<80xi32, #tpu.memory_space<hbm>>) dst(%arg11 : memref<80xi32, #tpu.memory_space<vmem>>)
      tpu.yield
    }) : () -> ()
    %dma_start3A = arith.constant 0 : i32
    %dma_start3A_20 = arith.constant 0 : i32
    %dma_start3A_21 = tpu.memref_slice %arg14[%dma_start3A, %dma_start3A_20] : memref<10240x128xf32, #tpu.memory_space<vmem_shared>> -> memref<10240x128xf32, #tpu.memory_space<vmem_shared>>
    tpu.enqueue_indirect_dma source(%arg12 : memref<80x128xf32, #tpu.memory_space<vmem>>) target(%dma_start3A_21 : memref<10240x128xf32, #tpu.memory_space<vmem_shared>>) offsets(%arg8 : memref<80xi32, #tpu.memory_space<vmem>>) semaphore(%arg15 : memref<!tpu.dma_semaphore, #tpu.memory_space<semaphore_mem>>) {add = true}
    "tpu.region"() ({
      %run_scoped3A = tpu.sem_alloc : memref<!tpu.dma_semaphore, #tpu.memory_space<semaphore_mem>>
      %dma_start3A_35 = arith.constant 0 : i32
      %dma_start3A_36 = arith.constant 0 : i32
      %dma_start3A_37 = tpu.memref_slice %arg14[%dma_start3A_35, %dma_start3A_36] : memref<10240x128xf32, #tpu.memory_space<vmem_shared>> -> memref<10240x128xf32, #tpu.memory_space<vmem_shared>>
      tpu.enqueue_indirect_dma source(%arg13 : memref<80x128xf32, #tpu.memory_space<vmem>>) target(%dma_start3A_37 : memref<10240x128xf32, #tpu.memory_space<vmem_shared>>) offsets(%arg9 : memref<80xi32, #tpu.memory_space<vmem>>) semaphore(%run_scoped3A : memref<!tpu.dma_semaphore, #tpu.memory_space<semaphore_mem>>) {add = true}
      %dma_wait3A_38 = arith.constant 0 : i32
      %dma_wait3A_39 = arith.constant 0 : i32
      %dma_wait3A_40 = tpu.memref_slice %arg14[%dma_wait3A_38, %dma_wait3A_39] : memref<10240x128xf32, #tpu.memory_space<vmem_shared>> -> memref<10240x128xf32, #tpu.memory_space<vmem_shared>>
      tpu.wait_indirect_dma semaphore(%run_scoped3A : memref<!tpu.dma_semaphore, #tpu.memory_space<semaphore_mem>>) src(%arg13 : memref<80x128xf32, #tpu.memory_space<vmem>>) dst(%dma_wait3A_40 : memref<10240x128xf32, #tpu.memory_space<vmem_shared>>)
      tpu.yield
    }) : () -> ()
    %dma_wait3A = arith.constant 0 : i32
    %dma_wait3A_22 = arith.constant 0 : i32
    %dma_wait3A_23 = tpu.memref_slice %arg14[%dma_wait3A, %dma_wait3A_22] : memref<10240x128xf32, #tpu.memory_space<vmem_shared>> -> memref<10240x128xf32, #tpu.memory_space<vmem_shared>>
    tpu.wait_indirect_dma semaphore(%arg15 : memref<!tpu.dma_semaphore, #tpu.memory_space<semaphore_mem>>) src(%arg12 : memref<80x128xf32, #tpu.memory_space<vmem>>) dst(%dma_wait3A_23 : memref<10240x128xf32, #tpu.memory_space<vmem_shared>>)
    %dma_start3A_24 = arith.constant 0 : i32
    %dma_start3A_25 = arith.constant 0 : i32
    %dma_start3A_26 = tpu.memref_slice %arg14[%dma_start3A_24, %dma_start3A_25] : memref<10240x128xf32, #tpu.memory_space<vmem_shared>> -> memref<10240x128xf32, #tpu.memory_space<vmem_shared>>
    tpu.enqueue_indirect_dma source(%arg12 : memref<80x128xf32, #tpu.memory_space<vmem>>) target(%dma_start3A_26 : memref<10240x128xf32, #tpu.memory_space<vmem_shared>>) offsets(%arg10 : memref<80xi32, #tpu.memory_space<vmem>>) semaphore(%arg15 : memref<!tpu.dma_semaphore, #tpu.memory_space<semaphore_mem>>) {add = true}
    "tpu.region"() ({
      %run_scoped3A = tpu.sem_alloc : memref<!tpu.dma_semaphore, #tpu.memory_space<semaphore_mem>>
      %dma_start3A_35 = arith.constant 0 : i32
      %dma_start3A_36 = arith.constant 0 : i32
      %dma_start3A_37 = tpu.memref_slice %arg14[%dma_start3A_35, %dma_start3A_36] : memref<10240x128xf32, #tpu.memory_space<vmem_shared>> -> memref<10240x128xf32, #tpu.memory_space<vmem_shared>>
      tpu.enqueue_indirect_dma source(%arg13 : memref<80x128xf32, #tpu.memory_space<vmem>>) target(%dma_start3A_37 : memref<10240x128xf32, #tpu.memory_space<vmem_shared>>) offsets(%arg11 : memref<80xi32, #tpu.memory_space<vmem>>) semaphore(%run_scoped3A : memref<!tpu.dma_semaphore, #tpu.memory_space<semaphore_mem>>) {add = true}
      %dma_wait3A_38 = arith.constant 0 : i32
      %dma_wait3A_39 = arith.constant 0 : i32
      %dma_wait3A_40 = tpu.memref_slice %arg14[%dma_wait3A_38, %dma_wait3A_39] : memref<10240x128xf32, #tpu.memory_space<vmem_shared>> -> memref<10240x128xf32, #tpu.memory_space<vmem_shared>>
      tpu.wait_indirect_dma semaphore(%run_scoped3A : memref<!tpu.dma_semaphore, #tpu.memory_space<semaphore_mem>>) src(%arg13 : memref<80x128xf32, #tpu.memory_space<vmem>>) dst(%dma_wait3A_40 : memref<10240x128xf32, #tpu.memory_space<vmem_shared>>)
      tpu.yield
    }) : () -> ()
    %dma_wait3A_27 = arith.constant 0 : i32
    %dma_wait3A_28 = arith.constant 0 : i32
    %dma_wait3A_29 = tpu.memref_slice %arg14[%dma_wait3A_27, %dma_wait3A_28] : memref<10240x128xf32, #tpu.memory_space<vmem_shared>> -> memref<10240x128xf32, #tpu.memory_space<vmem_shared>>
    tpu.wait_indirect_dma semaphore(%arg15 : memref<!tpu.dma_semaphore, #tpu.memory_space<semaphore_mem>>) src(%arg12 : memref<80x128xf32, #tpu.memory_space<vmem>>) dst(%dma_wait3A_29 : memref<10240x128xf32, #tpu.memory_space<vmem_shared>>)
    %barrier3A_30 = arith.constant 0 : index
    tpu.barrier barrier_id(%barrier3A_30)
    %mul3A_31 = arith.constant 640 : i32
    %mul3A_32 = arith.muli %arg1, %mul3A_31 : i32
    %mul3A_33 = arith.constant 640 : i32
    %mul3A_34 = arith.muli %arg1, %mul3A_33 : i32
    "tpu.region"() ({
      %run_scoped3A = tpu.sem_alloc : memref<!tpu.dma_semaphore, #tpu.memory_space<semaphore_mem>>
      %dma_start3A_35 = arith.constant 0 : i32
      %dma_start3A_36 = tpu.memref_slice %arg7[%arg0, %mul3A_34, %dma_start3A_35] : memref<2x10240x128xf32, #tpu.memory_space<hbm>> -> memref<1x640x128xf32, #tpu.memory_space<hbm>>
      %dma_start3A_37 = tpu.memref_squeeze %dma_start3A_36 : memref<1x640x128xf32, #tpu.memory_space<hbm>> -> memref<640x128xf32, #tpu.memory_space<hbm>>
      %dma_start3A_38 = arith.constant 0 : i32
      %dma_start3A_39 = tpu.memref_slice %arg14[%mul3A_32, %dma_start3A_38] : memref<10240x128xf32, #tpu.memory_space<vmem_shared>> -> memref<640x128xf32, #tpu.memory_space<vmem_shared>>
      tpu.enqueue_dma source(%dma_start3A_39 : memref<640x128xf32, #tpu.memory_space<vmem_shared>>) target(%dma_start3A_37 : memref<640x128xf32, #tpu.memory_space<hbm>>) target_semaphore(%run_scoped3A : memref<!tpu.dma_semaphore, #tpu.memory_space<semaphore_mem>>)
      %dma_wait3A_40 = arith.constant 0 : i32
      %dma_wait3A_41 = tpu.memref_slice %arg7[%arg0, %mul3A_34, %dma_wait3A_40] : memref<2x10240x128xf32, #tpu.memory_space<hbm>> -> memref<1x640x128xf32, #tpu.memory_space<hbm>>
      %dma_wait3A_42 = tpu.memref_squeeze %dma_wait3A_41 : memref<1x640x128xf32, #tpu.memory_space<hbm>> -> memref<640x128xf32, #tpu.memory_space<hbm>>
      %dma_wait3A_43 = arith.constant 0 : i32
      %dma_wait3A_44 = tpu.memref_slice %arg14[%mul3A_32, %dma_wait3A_43] : memref<10240x128xf32, #tpu.memory_space<vmem_shared>> -> memref<640x128xf32, #tpu.memory_space<vmem_shared>>
      tpu.wait_dma2 semaphore(%run_scoped3A : memref<!tpu.dma_semaphore, #tpu.memory_space<semaphore_mem>>) src(%dma_wait3A_44 : memref<640x128xf32, #tpu.memory_space<vmem_shared>>) dst(%dma_wait3A_42 : memref<640x128xf32, #tpu.memory_space<hbm>>)
      tpu.yield
    }) : () -> ()
    return
  }
}

#map = affine_map<(d0, d1) -> (0, 0)>
#map1 = affine_map<(d0, d1) -> (0)>
#map2 = affine_map<(d0, d1) -> (0, 0, 0)>
module attributes {stable_mosaic.version = 14 : i64} {
  func.func @_sc_aggregate(%arg0: i32, %arg1: i32, %arg2: memref<10240x128xf32, #tpu.memory_space<hbm>>, %arg3: memref<327680xi32, #tpu.memory_space<hbm>>, %arg4: memref<327680xi32, #tpu.memory_space<hbm>>, %arg5: memref<10240x128xf32, #tpu.memory_space<hbm>>, %arg6: memref<2x10240x128xf32, #tpu.memory_space<hbm>>, %arg7: memref<80xi32, #tpu.memory_space<vmem>>, %arg8: memref<80xi32, #tpu.memory_space<vmem>>, %arg9: memref<80xi32, #tpu.memory_space<vmem>>, %arg10: memref<80xi32, #tpu.memory_space<vmem>>, %arg11: memref<80x128xf32, #tpu.memory_space<vmem>>, %arg12: memref<80x128xf32, #tpu.memory_space<vmem>>, %arg13: memref<10240x128xf32, #tpu.memory_space<vmem_shared>>, %arg14: memref<!tpu.dma_semaphore, #tpu.memory_space<semaphore_mem>>, %arg15: memref<!tpu.dma_semaphore, #tpu.memory_space<semaphore_mem>>) attributes {dimension_semantics = [#tpu.dimension_semantics<core_parallel>, #tpu.dimension_semantics<subcore_parallel>], iteration_bounds = array<i64: 2, 16>, scalar_prefetch = 0 : i64, scratch_operands = 9 : i64, tpu.core_type = #tpu.core_type<sc_vector_subcore>, window_params = [{transform_indices = #map}, {transform_indices = #map1}, {transform_indices = #map1}, {transform_indices = #map}, {transform_indices = #map2}]} {
    %mul3A = arith.constant 16 : i32
    %mul3A_0 = arith.muli %arg0, %mul3A : i32
    %add3A = arith.addi %mul3A_0, %arg1 : i32
    %mul3A_1 = arith.constant 10240 : i32
    %mul3A_2 = arith.muli %add3A, %mul3A_1 : i32
    %mul3A_3 = arith.constant 640 : i32
    %mul3A_4 = arith.muli %arg1, %mul3A_3 : i32
    %mul3A_5 = arith.constant 640 : i32
    %mul3A_6 = arith.muli %arg1, %mul3A_5 : i32
    "tpu.region"() ({
      %run_scoped3A = tpu.sem_alloc : memref<!tpu.dma_semaphore, #tpu.memory_space<semaphore_mem>>
      %dma_start3A_35 = arith.constant 0 : i32
      %dma_start3A_36 = tpu.memref_slice %arg13[%mul3A_6, %dma_start3A_35] : memref<10240x128xf32, #tpu.memory_space<vmem_shared>> -> memref<640x128xf32, #tpu.memory_space<vmem_shared>>
      %dma_start3A_37 = arith.constant 0 : i32
      %dma_start3A_38 = tpu.memref_slice %arg5[%mul3A_4, %dma_start3A_37] : memref<10240x128xf32, #tpu.memory_space<hbm>> -> memref<640x128xf32, #tpu.memory_space<hbm>>
      tpu.enqueue_dma source(%dma_start3A_38 : memref<640x128xf32, #tpu.memory_space<hbm>>) target(%dma_start3A_36 : memref<640x128xf32, #tpu.memory_space<vmem_shared>>) target_semaphore(%run_scoped3A : memref<!tpu.dma_semaphore, #tpu.memory_space<semaphore_mem>>)
      %dma_wait3A_39 = arith.constant 0 : i32
      %dma_wait3A_40 = tpu.memref_slice %arg13[%mul3A_6, %dma_wait3A_39] : memref<10240x128xf32, #tpu.memory_space<vmem_shared>> -> memref<640x128xf32, #tpu.memory_space<vmem_shared>>
      %dma_wait3A_41 = arith.constant 0 : i32
      %dma_wait3A_42 = tpu.memref_slice %arg5[%mul3A_4, %dma_wait3A_41] : memref<10240x128xf32, #tpu.memory_space<hbm>> -> memref<640x128xf32, #tpu.memory_space<hbm>>
      tpu.wait_dma2 semaphore(%run_scoped3A : memref<!tpu.dma_semaphore, #tpu.memory_space<semaphore_mem>>) src(%dma_wait3A_42 : memref<640x128xf32, #tpu.memory_space<hbm>>) dst(%dma_wait3A_40 : memref<640x128xf32, #tpu.memory_space<vmem_shared>>)
      tpu.yield
    }) : () -> ()
    %barrier3A = arith.constant 0 : index
    tpu.barrier barrier_id(%barrier3A)
    %add3A_7 = arith.constant 0 : i32
    %add3A_8 = arith.addi %mul3A_2, %add3A_7 : i32
    "tpu.region"() ({
      %run_scoped3A = tpu.sem_alloc : memref<!tpu.dma_semaphore, #tpu.memory_space<semaphore_mem>>
      %dma_start3A_35 = tpu.memref_slice %arg3[%add3A_8] : memref<327680xi32, #tpu.memory_space<hbm>> -> memref<80xi32, #tpu.memory_space<hbm>>
      %dma_start3A_36 = tpu.memref_slice %arg3[%add3A_8] : memref<327680xi32, #tpu.memory_space<hbm>> -> memref<80xi32, #tpu.memory_space<hbm>>
      tpu.enqueue_dma source(%dma_start3A_36 : memref<80xi32, #tpu.memory_space<hbm>>) target(%arg7 : memref<80xi32, #tpu.memory_space<vmem>>) target_semaphore(%run_scoped3A : memref<!tpu.dma_semaphore, #tpu.memory_space<semaphore_mem>>)
      %dma_wait3A_37 = tpu.memref_slice %arg3[%add3A_8] : memref<327680xi32, #tpu.memory_space<hbm>> -> memref<80xi32, #tpu.memory_space<hbm>>
      %dma_wait3A_38 = tpu.memref_slice %arg3[%add3A_8] : memref<327680xi32, #tpu.memory_space<hbm>> -> memref<80xi32, #tpu.memory_space<hbm>>
      tpu.wait_dma2 semaphore(%run_scoped3A : memref<!tpu.dma_semaphore, #tpu.memory_space<semaphore_mem>>) src(%dma_wait3A_38 : memref<80xi32, #tpu.memory_space<hbm>>) dst(%arg7 : memref<80xi32, #tpu.memory_space<vmem>>)
      tpu.yield
    }) : () -> ()
    %add3A_9 = arith.constant 0 : i32
    %add3A_10 = arith.addi %mul3A_2, %add3A_9 : i32
    "tpu.region"() ({
      %run_scoped3A = tpu.sem_alloc : memref<!tpu.dma_semaphore, #tpu.memory_space<semaphore_mem>>
      %dma_start3A_35 = tpu.memref_slice %arg4[%add3A_10] : memref<327680xi32, #tpu.memory_space<hbm>> -> memref<80xi32, #tpu.memory_space<hbm>>
      %dma_start3A_36 = tpu.memref_slice %arg4[%add3A_10] : memref<327680xi32, #tpu.memory_space<hbm>> -> memref<80xi32, #tpu.memory_space<hbm>>
      tpu.enqueue_dma source(%dma_start3A_36 : memref<80xi32, #tpu.memory_space<hbm>>) target(%arg8 : memref<80xi32, #tpu.memory_space<vmem>>) target_semaphore(%run_scoped3A : memref<!tpu.dma_semaphore, #tpu.memory_space<semaphore_mem>>)
      %dma_wait3A_37 = tpu.memref_slice %arg4[%add3A_10] : memref<327680xi32, #tpu.memory_space<hbm>> -> memref<80xi32, #tpu.memory_space<hbm>>
      %dma_wait3A_38 = tpu.memref_slice %arg4[%add3A_10] : memref<327680xi32, #tpu.memory_space<hbm>> -> memref<80xi32, #tpu.memory_space<hbm>>
      tpu.wait_dma2 semaphore(%run_scoped3A : memref<!tpu.dma_semaphore, #tpu.memory_space<semaphore_mem>>) src(%dma_wait3A_38 : memref<80xi32, #tpu.memory_space<hbm>>) dst(%arg8 : memref<80xi32, #tpu.memory_space<vmem>>)
      tpu.yield
    }) : () -> ()
    %dma_start3A = arith.constant 0 : i32
    %dma_start3A_11 = arith.constant 0 : i32
    %dma_start3A_12 = tpu.memref_slice %arg2[%dma_start3A, %dma_start3A_11] : memref<10240x128xf32, #tpu.memory_space<hbm>> -> memref<10240x128xf32, #tpu.memory_space<hbm>>
    tpu.enqueue_indirect_dma source(%dma_start3A_12 : memref<10240x128xf32, #tpu.memory_space<hbm>>) target(%arg11 : memref<80x128xf32, #tpu.memory_space<vmem>>) offsets(%arg7 : memref<80xi32, #tpu.memory_space<vmem>>) semaphore(%arg14 : memref<!tpu.dma_semaphore, #tpu.memory_space<semaphore_mem>>)
    %scan3A = arith.constant 0 : i32
    %scan3A_13 = arith.constant 0 : i32
    %scan3A_14 = arith.constant 63 : i32
    %scan3A_15 = arith.addi %scan3A_13, %scan3A_14 : i32
    %scan3A_16 = arith.constant 1 : i32
    scf.for %scan3A_35 = %scan3A_13 to %scan3A_15 step %scan3A_16  : i32 {
      %mul3A_36 = arith.constant 2 : i32
      %mul3A_37 = arith.muli %mul3A_36, %scan3A_35 : i32
      %add3A_38 = arith.constant 1 : i32
      %add3A_39 = arith.addi %mul3A_37, %add3A_38 : i32
      %mul3A_40 = arith.constant 80 : i32
      %mul3A_41 = arith.muli %add3A_39, %mul3A_40 : i32
      %add3A_42 = arith.addi %mul3A_2, %mul3A_41 : i32
      "tpu.region"() ({
        %run_scoped3A = tpu.sem_alloc : memref<!tpu.dma_semaphore, #tpu.memory_space<semaphore_mem>>
        %dma_start3A_66 = tpu.memref_slice %arg3[%add3A_42] : memref<327680xi32, #tpu.memory_space<hbm>> -> memref<80xi32, #tpu.memory_space<hbm>>
        %dma_start3A_67 = tpu.memref_slice %arg3[%add3A_42] : memref<327680xi32, #tpu.memory_space<hbm>> -> memref<80xi32, #tpu.memory_space<hbm>>
        tpu.enqueue_dma source(%dma_start3A_67 : memref<80xi32, #tpu.memory_space<hbm>>) target(%arg9 : memref<80xi32, #tpu.memory_space<vmem>>) target_semaphore(%run_scoped3A : memref<!tpu.dma_semaphore, #tpu.memory_space<semaphore_mem>>)
        %dma_wait3A_68 = tpu.memref_slice %arg3[%add3A_42] : memref<327680xi32, #tpu.memory_space<hbm>> -> memref<80xi32, #tpu.memory_space<hbm>>
        %dma_wait3A_69 = tpu.memref_slice %arg3[%add3A_42] : memref<327680xi32, #tpu.memory_space<hbm>> -> memref<80xi32, #tpu.memory_space<hbm>>
        tpu.wait_dma2 semaphore(%run_scoped3A : memref<!tpu.dma_semaphore, #tpu.memory_space<semaphore_mem>>) src(%dma_wait3A_69 : memref<80xi32, #tpu.memory_space<hbm>>) dst(%arg9 : memref<80xi32, #tpu.memory_space<vmem>>)
        tpu.yield
      }) : () -> ()
      %mul3A_43 = arith.constant 80 : i32
      %mul3A_44 = arith.muli %add3A_39, %mul3A_43 : i32
      %add3A_45 = arith.addi %mul3A_2, %mul3A_44 : i32
      "tpu.region"() ({
        %run_scoped3A = tpu.sem_alloc : memref<!tpu.dma_semaphore, #tpu.memory_space<semaphore_mem>>
        %dma_start3A_66 = tpu.memref_slice %arg4[%add3A_45] : memref<327680xi32, #tpu.memory_space<hbm>> -> memref<80xi32, #tpu.memory_space<hbm>>
        %dma_start3A_67 = tpu.memref_slice %arg4[%add3A_45] : memref<327680xi32, #tpu.memory_space<hbm>> -> memref<80xi32, #tpu.memory_space<hbm>>
        tpu.enqueue_dma source(%dma_start3A_67 : memref<80xi32, #tpu.memory_space<hbm>>) target(%arg10 : memref<80xi32, #tpu.memory_space<vmem>>) target_semaphore(%run_scoped3A : memref<!tpu.dma_semaphore, #tpu.memory_space<semaphore_mem>>)
        %dma_wait3A_68 = tpu.memref_slice %arg4[%add3A_45] : memref<327680xi32, #tpu.memory_space<hbm>> -> memref<80xi32, #tpu.memory_space<hbm>>
        %dma_wait3A_69 = tpu.memref_slice %arg4[%add3A_45] : memref<327680xi32, #tpu.memory_space<hbm>> -> memref<80xi32, #tpu.memory_space<hbm>>
        tpu.wait_dma2 semaphore(%run_scoped3A : memref<!tpu.dma_semaphore, #tpu.memory_space<semaphore_mem>>) src(%dma_wait3A_69 : memref<80xi32, #tpu.memory_space<hbm>>) dst(%arg10 : memref<80xi32, #tpu.memory_space<vmem>>)
        tpu.yield
      }) : () -> ()
      %dma_wait3A_46 = arith.constant 0 : i32
      %dma_wait3A_47 = arith.constant 0 : i32
      %dma_wait3A_48 = tpu.memref_slice %arg2[%dma_wait3A_46, %dma_wait3A_47] : memref<10240x128xf32, #tpu.memory_space<hbm>> -> memref<10240x128xf32, #tpu.memory_space<hbm>>
      tpu.wait_indirect_dma semaphore(%arg14 : memref<!tpu.dma_semaphore, #tpu.memory_space<semaphore_mem>>) src(%dma_wait3A_48 : memref<10240x128xf32, #tpu.memory_space<hbm>>) dst(%arg11 : memref<80x128xf32, #tpu.memory_space<vmem>>)
      %dma_start3A_49 = arith.constant 0 : i32
      %dma_start3A_50 = arith.constant 0 : i32
      %dma_start3A_51 = tpu.memref_slice %arg2[%dma_start3A_49, %dma_start3A_50] : memref<10240x128xf32, #tpu.memory_space<hbm>> -> memref<10240x128xf32, #tpu.memory_space<hbm>>
      tpu.enqueue_indirect_dma source(%dma_start3A_51 : memref<10240x128xf32, #tpu.memory_space<hbm>>) target(%arg12 : memref<80x128xf32, #tpu.memory_space<vmem>>) offsets(%arg9 : memref<80xi32, #tpu.memory_space<vmem>>) semaphore(%arg15 : memref<!tpu.dma_semaphore, #tpu.memory_space<semaphore_mem>>)
      "tpu.region"() ({
        %run_scoped3A = tpu.sem_alloc : memref<!tpu.dma_semaphore, #tpu.memory_space<semaphore_mem>>
        %dma_start3A_66 = arith.constant 0 : i32
        %dma_start3A_67 = arith.constant 0 : i32
        %dma_start3A_68 = tpu.memref_slice %arg13[%dma_start3A_66, %dma_start3A_67] : memref<10240x128xf32, #tpu.memory_space<vmem_shared>> -> memref<10240x128xf32, #tpu.memory_space<vmem_shared>>
        tpu.enqueue_indirect_dma source(%arg11 : memref<80x128xf32, #tpu.memory_space<vmem>>) target(%dma_start3A_68 : memref<10240x128xf32, #tpu.memory_space<vmem_shared>>) offsets(%arg8 : memref<80xi32, #tpu.memory_space<vmem>>) semaphore(%run_scoped3A : memref<!tpu.dma_semaphore, #tpu.memory_space<semaphore_mem>>) {add = true}
        %dma_wait3A_69 = arith.constant 0 : i32
        %dma_wait3A_70 = arith.constant 0 : i32
        %dma_wait3A_71 = tpu.memref_slice %arg13[%dma_wait3A_69, %dma_wait3A_70] : memref<10240x128xf32, #tpu.memory_space<vmem_shared>> -> memref<10240x128xf32, #tpu.memory_space<vmem_shared>>
        tpu.wait_indirect_dma semaphore(%run_scoped3A : memref<!tpu.dma_semaphore, #tpu.memory_space<semaphore_mem>>) src(%arg11 : memref<80x128xf32, #tpu.memory_space<vmem>>) dst(%dma_wait3A_71 : memref<10240x128xf32, #tpu.memory_space<vmem_shared>>)
        tpu.yield
      }) : () -> ()
      %add3A_52 = arith.constant 2 : i32
      %add3A_53 = arith.addi %mul3A_37, %add3A_52 : i32
      %mul3A_54 = arith.constant 80 : i32
      %mul3A_55 = arith.muli %add3A_53, %mul3A_54 : i32
      %add3A_56 = arith.addi %mul3A_2, %mul3A_55 : i32
      "tpu.region"() ({
        %run_scoped3A = tpu.sem_alloc : memref<!tpu.dma_semaphore, #tpu.memory_space<semaphore_mem>>
        %dma_start3A_66 = tpu.memref_slice %arg3[%add3A_56] : memref<327680xi32, #tpu.memory_space<hbm>> -> memref<80xi32, #tpu.memory_space<hbm>>
        %dma_start3A_67 = tpu.memref_slice %arg3[%add3A_56] : memref<327680xi32, #tpu.memory_space<hbm>> -> memref<80xi32, #tpu.memory_space<hbm>>
        tpu.enqueue_dma source(%dma_start3A_67 : memref<80xi32, #tpu.memory_space<hbm>>) target(%arg7 : memref<80xi32, #tpu.memory_space<vmem>>) target_semaphore(%run_scoped3A : memref<!tpu.dma_semaphore, #tpu.memory_space<semaphore_mem>>)
        %dma_wait3A_68 = tpu.memref_slice %arg3[%add3A_56] : memref<327680xi32, #tpu.memory_space<hbm>> -> memref<80xi32, #tpu.memory_space<hbm>>
        %dma_wait3A_69 = tpu.memref_slice %arg3[%add3A_56] : memref<327680xi32, #tpu.memory_space<hbm>> -> memref<80xi32, #tpu.memory_space<hbm>>
        tpu.wait_dma2 semaphore(%run_scoped3A : memref<!tpu.dma_semaphore, #tpu.memory_space<semaphore_mem>>) src(%dma_wait3A_69 : memref<80xi32, #tpu.memory_space<hbm>>) dst(%arg7 : memref<80xi32, #tpu.memory_space<vmem>>)
        tpu.yield
      }) : () -> ()
      %mul3A_57 = arith.constant 80 : i32
      %mul3A_58 = arith.muli %add3A_53, %mul3A_57 : i32
      %add3A_59 = arith.addi %mul3A_2, %mul3A_58 : i32
      "tpu.region"() ({
        %run_scoped3A = tpu.sem_alloc : memref<!tpu.dma_semaphore, #tpu.memory_space<semaphore_mem>>
        %dma_start3A_66 = tpu.memref_slice %arg4[%add3A_59] : memref<327680xi32, #tpu.memory_space<hbm>> -> memref<80xi32, #tpu.memory_space<hbm>>
        %dma_start3A_67 = tpu.memref_slice %arg4[%add3A_59] : memref<327680xi32, #tpu.memory_space<hbm>> -> memref<80xi32, #tpu.memory_space<hbm>>
        tpu.enqueue_dma source(%dma_start3A_67 : memref<80xi32, #tpu.memory_space<hbm>>) target(%arg8 : memref<80xi32, #tpu.memory_space<vmem>>) target_semaphore(%run_scoped3A : memref<!tpu.dma_semaphore, #tpu.memory_space<semaphore_mem>>)
        %dma_wait3A_68 = tpu.memref_slice %arg4[%add3A_59] : memref<327680xi32, #tpu.memory_space<hbm>> -> memref<80xi32, #tpu.memory_space<hbm>>
        %dma_wait3A_69 = tpu.memref_slice %arg4[%add3A_59] : memref<327680xi32, #tpu.memory_space<hbm>> -> memref<80xi32, #tpu.memory_space<hbm>>
        tpu.wait_dma2 semaphore(%run_scoped3A : memref<!tpu.dma_semaphore, #tpu.memory_space<semaphore_mem>>) src(%dma_wait3A_69 : memref<80xi32, #tpu.memory_space<hbm>>) dst(%arg8 : memref<80xi32, #tpu.memory_space<vmem>>)
        tpu.yield
      }) : () -> ()
      %dma_wait3A_60 = arith.constant 0 : i32
      %dma_wait3A_61 = arith.constant 0 : i32
      %dma_wait3A_62 = tpu.memref_slice %arg2[%dma_wait3A_60, %dma_wait3A_61] : memref<10240x128xf32, #tpu.memory_space<hbm>> -> memref<10240x128xf32, #tpu.memory_space<hbm>>
      tpu.wait_indirect_dma semaphore(%arg15 : memref<!tpu.dma_semaphore, #tpu.memory_space<semaphore_mem>>) src(%dma_wait3A_62 : memref<10240x128xf32, #tpu.memory_space<hbm>>) dst(%arg12 : memref<80x128xf32, #tpu.memory_space<vmem>>)
      %dma_start3A_63 = arith.constant 0 : i32
      %dma_start3A_64 = arith.constant 0 : i32
      %dma_start3A_65 = tpu.memref_slice %arg2[%dma_start3A_63, %dma_start3A_64] : memref<10240x128xf32, #tpu.memory_space<hbm>> -> memref<10240x128xf32, #tpu.memory_space<hbm>>
      tpu.enqueue_indirect_dma source(%dma_start3A_65 : memref<10240x128xf32, #tpu.memory_space<hbm>>) target(%arg11 : memref<80x128xf32, #tpu.memory_space<vmem>>) offsets(%arg7 : memref<80xi32, #tpu.memory_space<vmem>>) semaphore(%arg14 : memref<!tpu.dma_semaphore, #tpu.memory_space<semaphore_mem>>)
      "tpu.region"() ({
        %run_scoped3A = tpu.sem_alloc : memref<!tpu.dma_semaphore, #tpu.memory_space<semaphore_mem>>
        %dma_start3A_66 = arith.constant 0 : i32
        %dma_start3A_67 = arith.constant 0 : i32
        %dma_start3A_68 = tpu.memref_slice %arg13[%dma_start3A_66, %dma_start3A_67] : memref<10240x128xf32, #tpu.memory_space<vmem_shared>> -> memref<10240x128xf32, #tpu.memory_space<vmem_shared>>
        tpu.enqueue_indirect_dma source(%arg12 : memref<80x128xf32, #tpu.memory_space<vmem>>) target(%dma_start3A_68 : memref<10240x128xf32, #tpu.memory_space<vmem_shared>>) offsets(%arg10 : memref<80xi32, #tpu.memory_space<vmem>>) semaphore(%run_scoped3A : memref<!tpu.dma_semaphore, #tpu.memory_space<semaphore_mem>>) {add = true}
        %dma_wait3A_69 = arith.constant 0 : i32
        %dma_wait3A_70 = arith.constant 0 : i32
        %dma_wait3A_71 = tpu.memref_slice %arg13[%dma_wait3A_69, %dma_wait3A_70] : memref<10240x128xf32, #tpu.memory_space<vmem_shared>> -> memref<10240x128xf32, #tpu.memory_space<vmem_shared>>
        tpu.wait_indirect_dma semaphore(%run_scoped3A : memref<!tpu.dma_semaphore, #tpu.memory_space<semaphore_mem>>) src(%arg12 : memref<80x128xf32, #tpu.memory_space<vmem>>) dst(%dma_wait3A_71 : memref<10240x128xf32, #tpu.memory_space<vmem_shared>>)
        tpu.yield
      }) : () -> ()
    }
    %scan3A_17 = arith.constant 63 : i32
    %add3A_18 = arith.constant 10160 : i32
    %add3A_19 = arith.addi %mul3A_2, %add3A_18 : i32
    "tpu.region"() ({
      %run_scoped3A = tpu.sem_alloc : memref<!tpu.dma_semaphore, #tpu.memory_space<semaphore_mem>>
      %dma_start3A_35 = tpu.memref_slice %arg3[%add3A_19] : memref<327680xi32, #tpu.memory_space<hbm>> -> memref<80xi32, #tpu.memory_space<hbm>>
      %dma_start3A_36 = tpu.memref_slice %arg3[%add3A_19] : memref<327680xi32, #tpu.memory_space<hbm>> -> memref<80xi32, #tpu.memory_space<hbm>>
      tpu.enqueue_dma source(%dma_start3A_36 : memref<80xi32, #tpu.memory_space<hbm>>) target(%arg9 : memref<80xi32, #tpu.memory_space<vmem>>) target_semaphore(%run_scoped3A : memref<!tpu.dma_semaphore, #tpu.memory_space<semaphore_mem>>)
      %dma_wait3A_37 = tpu.memref_slice %arg3[%add3A_19] : memref<327680xi32, #tpu.memory_space<hbm>> -> memref<80xi32, #tpu.memory_space<hbm>>
      %dma_wait3A_38 = tpu.memref_slice %arg3[%add3A_19] : memref<327680xi32, #tpu.memory_space<hbm>> -> memref<80xi32, #tpu.memory_space<hbm>>
      tpu.wait_dma2 semaphore(%run_scoped3A : memref<!tpu.dma_semaphore, #tpu.memory_space<semaphore_mem>>) src(%dma_wait3A_38 : memref<80xi32, #tpu.memory_space<hbm>>) dst(%arg9 : memref<80xi32, #tpu.memory_space<vmem>>)
      tpu.yield
    }) : () -> ()
    %add3A_20 = arith.constant 10160 : i32
    %add3A_21 = arith.addi %mul3A_2, %add3A_20 : i32
    "tpu.region"() ({
      %run_scoped3A = tpu.sem_alloc : memref<!tpu.dma_semaphore, #tpu.memory_space<semaphore_mem>>
      %dma_start3A_35 = tpu.memref_slice %arg4[%add3A_21] : memref<327680xi32, #tpu.memory_space<hbm>> -> memref<80xi32, #tpu.memory_space<hbm>>
      %dma_start3A_36 = tpu.memref_slice %arg4[%add3A_21] : memref<327680xi32, #tpu.memory_space<hbm>> -> memref<80xi32, #tpu.memory_space<hbm>>
      tpu.enqueue_dma source(%dma_start3A_36 : memref<80xi32, #tpu.memory_space<hbm>>) target(%arg10 : memref<80xi32, #tpu.memory_space<vmem>>) target_semaphore(%run_scoped3A : memref<!tpu.dma_semaphore, #tpu.memory_space<semaphore_mem>>)
      %dma_wait3A_37 = tpu.memref_slice %arg4[%add3A_21] : memref<327680xi32, #tpu.memory_space<hbm>> -> memref<80xi32, #tpu.memory_space<hbm>>
      %dma_wait3A_38 = tpu.memref_slice %arg4[%add3A_21] : memref<327680xi32, #tpu.memory_space<hbm>> -> memref<80xi32, #tpu.memory_space<hbm>>
      tpu.wait_dma2 semaphore(%run_scoped3A : memref<!tpu.dma_semaphore, #tpu.memory_space<semaphore_mem>>) src(%dma_wait3A_38 : memref<80xi32, #tpu.memory_space<hbm>>) dst(%arg10 : memref<80xi32, #tpu.memory_space<vmem>>)
      tpu.yield
    }) : () -> ()
    %dma_wait3A = arith.constant 0 : i32
    %dma_wait3A_22 = arith.constant 0 : i32
    %dma_wait3A_23 = tpu.memref_slice %arg2[%dma_wait3A, %dma_wait3A_22] : memref<10240x128xf32, #tpu.memory_space<hbm>> -> memref<10240x128xf32, #tpu.memory_space<hbm>>
    tpu.wait_indirect_dma semaphore(%arg14 : memref<!tpu.dma_semaphore, #tpu.memory_space<semaphore_mem>>) src(%dma_wait3A_23 : memref<10240x128xf32, #tpu.memory_space<hbm>>) dst(%arg11 : memref<80x128xf32, #tpu.memory_space<vmem>>)
    %dma_start3A_24 = arith.constant 0 : i32
    %dma_start3A_25 = arith.constant 0 : i32
    %dma_start3A_26 = tpu.memref_slice %arg2[%dma_start3A_24, %dma_start3A_25] : memref<10240x128xf32, #tpu.memory_space<hbm>> -> memref<10240x128xf32, #tpu.memory_space<hbm>>
    tpu.enqueue_indirect_dma source(%dma_start3A_26 : memref<10240x128xf32, #tpu.memory_space<hbm>>) target(%arg12 : memref<80x128xf32, #tpu.memory_space<vmem>>) offsets(%arg9 : memref<80xi32, #tpu.memory_space<vmem>>) semaphore(%arg15 : memref<!tpu.dma_semaphore, #tpu.memory_space<semaphore_mem>>)
    "tpu.region"() ({
      %run_scoped3A = tpu.sem_alloc : memref<!tpu.dma_semaphore, #tpu.memory_space<semaphore_mem>>
      %dma_start3A_35 = arith.constant 0 : i32
      %dma_start3A_36 = arith.constant 0 : i32
      %dma_start3A_37 = tpu.memref_slice %arg13[%dma_start3A_35, %dma_start3A_36] : memref<10240x128xf32, #tpu.memory_space<vmem_shared>> -> memref<10240x128xf32, #tpu.memory_space<vmem_shared>>
      tpu.enqueue_indirect_dma source(%arg11 : memref<80x128xf32, #tpu.memory_space<vmem>>) target(%dma_start3A_37 : memref<10240x128xf32, #tpu.memory_space<vmem_shared>>) offsets(%arg8 : memref<80xi32, #tpu.memory_space<vmem>>) semaphore(%run_scoped3A : memref<!tpu.dma_semaphore, #tpu.memory_space<semaphore_mem>>) {add = true}
      %dma_wait3A_38 = arith.constant 0 : i32
      %dma_wait3A_39 = arith.constant 0 : i32
      %dma_wait3A_40 = tpu.memref_slice %arg13[%dma_wait3A_38, %dma_wait3A_39] : memref<10240x128xf32, #tpu.memory_space<vmem_shared>> -> memref<10240x128xf32, #tpu.memory_space<vmem_shared>>
      tpu.wait_indirect_dma semaphore(%run_scoped3A : memref<!tpu.dma_semaphore, #tpu.memory_space<semaphore_mem>>) src(%arg11 : memref<80x128xf32, #tpu.memory_space<vmem>>) dst(%dma_wait3A_40 : memref<10240x128xf32, #tpu.memory_space<vmem_shared>>)
      tpu.yield
    }) : () -> ()
    %dma_wait3A_27 = arith.constant 0 : i32
    %dma_wait3A_28 = arith.constant 0 : i32
    %dma_wait3A_29 = tpu.memref_slice %arg2[%dma_wait3A_27, %dma_wait3A_28] : memref<10240x128xf32, #tpu.memory_space<hbm>> -> memref<10240x128xf32, #tpu.memory_space<hbm>>
    tpu.wait_indirect_dma semaphore(%arg15 : memref<!tpu.dma_semaphore, #tpu.memory_space<semaphore_mem>>) src(%dma_wait3A_29 : memref<10240x128xf32, #tpu.memory_space<hbm>>) dst(%arg12 : memref<80x128xf32, #tpu.memory_space<vmem>>)
    "tpu.region"() ({
      %run_scoped3A = tpu.sem_alloc : memref<!tpu.dma_semaphore, #tpu.memory_space<semaphore_mem>>
      %dma_start3A_35 = arith.constant 0 : i32
      %dma_start3A_36 = arith.constant 0 : i32
      %dma_start3A_37 = tpu.memref_slice %arg13[%dma_start3A_35, %dma_start3A_36] : memref<10240x128xf32, #tpu.memory_space<vmem_shared>> -> memref<10240x128xf32, #tpu.memory_space<vmem_shared>>
      tpu.enqueue_indirect_dma source(%arg12 : memref<80x128xf32, #tpu.memory_space<vmem>>) target(%dma_start3A_37 : memref<10240x128xf32, #tpu.memory_space<vmem_shared>>) offsets(%arg10 : memref<80xi32, #tpu.memory_space<vmem>>) semaphore(%run_scoped3A : memref<!tpu.dma_semaphore, #tpu.memory_space<semaphore_mem>>) {add = true}
      %dma_wait3A_38 = arith.constant 0 : i32
      %dma_wait3A_39 = arith.constant 0 : i32
      %dma_wait3A_40 = tpu.memref_slice %arg13[%dma_wait3A_38, %dma_wait3A_39] : memref<10240x128xf32, #tpu.memory_space<vmem_shared>> -> memref<10240x128xf32, #tpu.memory_space<vmem_shared>>
      tpu.wait_indirect_dma semaphore(%run_scoped3A : memref<!tpu.dma_semaphore, #tpu.memory_space<semaphore_mem>>) src(%arg12 : memref<80x128xf32, #tpu.memory_space<vmem>>) dst(%dma_wait3A_40 : memref<10240x128xf32, #tpu.memory_space<vmem_shared>>)
      tpu.yield
    }) : () -> ()
    %barrier3A_30 = arith.constant 0 : index
    tpu.barrier barrier_id(%barrier3A_30)
    %mul3A_31 = arith.constant 640 : i32
    %mul3A_32 = arith.muli %arg1, %mul3A_31 : i32
    %mul3A_33 = arith.constant 640 : i32
    %mul3A_34 = arith.muli %arg1, %mul3A_33 : i32
    "tpu.region"() ({
      %run_scoped3A = tpu.sem_alloc : memref<!tpu.dma_semaphore, #tpu.memory_space<semaphore_mem>>
      %dma_start3A_35 = arith.constant 0 : i32
      %dma_start3A_36 = tpu.memref_slice %arg6[%arg0, %mul3A_34, %dma_start3A_35] : memref<2x10240x128xf32, #tpu.memory_space<hbm>> -> memref<1x640x128xf32, #tpu.memory_space<hbm>>
      %dma_start3A_37 = tpu.memref_squeeze %dma_start3A_36 : memref<1x640x128xf32, #tpu.memory_space<hbm>> -> memref<640x128xf32, #tpu.memory_space<hbm>>
      %dma_start3A_38 = arith.constant 0 : i32
      %dma_start3A_39 = tpu.memref_slice %arg13[%mul3A_32, %dma_start3A_38] : memref<10240x128xf32, #tpu.memory_space<vmem_shared>> -> memref<640x128xf32, #tpu.memory_space<vmem_shared>>
      tpu.enqueue_dma source(%dma_start3A_39 : memref<640x128xf32, #tpu.memory_space<vmem_shared>>) target(%dma_start3A_37 : memref<640x128xf32, #tpu.memory_space<hbm>>) target_semaphore(%run_scoped3A : memref<!tpu.dma_semaphore, #tpu.memory_space<semaphore_mem>>)
      %dma_wait3A_40 = arith.constant 0 : i32
      %dma_wait3A_41 = tpu.memref_slice %arg6[%arg0, %mul3A_34, %dma_wait3A_40] : memref<2x10240x128xf32, #tpu.memory_space<hbm>> -> memref<1x640x128xf32, #tpu.memory_space<hbm>>
      %dma_wait3A_42 = tpu.memref_squeeze %dma_wait3A_41 : memref<1x640x128xf32, #tpu.memory_space<hbm>> -> memref<640x128xf32, #tpu.memory_space<hbm>>
      %dma_wait3A_43 = arith.constant 0 : i32
      %dma_wait3A_44 = tpu.memref_slice %arg13[%mul3A_32, %dma_wait3A_43] : memref<10240x128xf32, #tpu.memory_space<vmem_shared>> -> memref<640x128xf32, #tpu.memory_space<vmem_shared>>
      tpu.wait_dma2 semaphore(%run_scoped3A : memref<!tpu.dma_semaphore, #tpu.memory_space<semaphore_mem>>) src(%dma_wait3A_44 : memref<640x128xf32, #tpu.memory_space<vmem_shared>>) dst(%dma_wait3A_42 : memref<640x128xf32, #tpu.memory_space<hbm>>)
      tpu.yield
    }) : () -> ()
    return
  }
}

module attributes {stable_mosaic.version = 14 : i64} {
  func.func @_tc_pre_body(%arg0: i32, %arg1: memref<1280x128xf32, #tpu.memory_space<vmem>>, %arg2: memref<2x1280x128xf32, #tpu.memory_space<vmem>>, %arg3: memref<128x128xf32, #tpu.memory_space<vmem>>, %arg4: memref<1x128xf32, #tpu.memory_space<vmem>>, %arg5: memref<128x128xf32, #tpu.memory_space<vmem>>, %arg6: memref<1280x128xf32, #tpu.memory_space<vmem>>, %arg7: memref<1280x128xf32, #tpu.memory_space<vmem>>, %arg8: memref<1280x16xf32, #tpu.memory_space<vmem>>, %arg9: memref<1280x16xf32, #tpu.memory_space<vmem>>) attributes {dimension_semantics = [#tpu.dimension_semantics<arbitrary>], iteration_bounds = array<i64: 8>, scalar_prefetch = 0 : i64, scratch_operands = 0 : i64, tpu.core_type = #tpu.core_type<tc>, window_params = [{transform_indices = @transform_0, window_bounds = array<i64: 1280, 128>}, {transform_indices = @transform_1, window_bounds = array<i64: 2, 1280, 128>}, {pipeline_mode = #tpu.pipeline_mode<synchronous>, transform_indices = @transform_2, window_bounds = array<i64: 128, 128>}, {pipeline_mode = #tpu.pipeline_mode<synchronous>, transform_indices = @transform_3, window_bounds = array<i64: 1, 128>}, {pipeline_mode = #tpu.pipeline_mode<synchronous>, transform_indices = @transform_4, window_bounds = array<i64: 128, 128>}, {transform_indices = @transform_5, window_bounds = array<i64: 1280, 128>}, {transform_indices = @transform_6, window_bounds = array<i64: 1280, 128>}, {transform_indices = @transform_7, window_bounds = array<i64: 1280, 16>}, {transform_indices = @transform_8, window_bounds = array<i64: 1280, 16>}]} {
    %get3A = arith.constant 0 : index
    %get3A_0 = arith.constant 0 : index
    %get3A_1 = arith.constant 0 : index
    %get3A_2 = vector.load %arg2[%get3A, %get3A_0, %get3A_1] : memref<2x1280x128xf32, #tpu.memory_space<vmem>>, vector<1x1280x128xf32>
    %get3A_3 = vector.shape_cast %get3A_2 : vector<1x1280x128xf32> to vector<1280x128xf32>
    %get3A_4 = arith.constant 1 : index
    %get3A_5 = arith.constant 0 : index
    %get3A_6 = arith.constant 0 : index
    %get3A_7 = vector.load %arg2[%get3A_4, %get3A_5, %get3A_6] : memref<2x1280x128xf32, #tpu.memory_space<vmem>>, vector<1x1280x128xf32>
    %get3A_8 = vector.shape_cast %get3A_7 : vector<1x1280x128xf32> to vector<1280x128xf32>
    %add3A = arith.addf %get3A_3, %get3A_8 : vector<1280x128xf32>
    %slice3A = vector.extract_strided_slice %add3A {offsets = [0, 0], sizes = [1280, 1], strides = [1, 1]} : vector<1280x128xf32> to vector<1280x1xf32>
    %broadcast_in_dim3A = vector.shape_cast %slice3A : vector<1280x1xf32> to vector<1280x1xf32>
    %broadcast_in_dim3A_9 = vector.broadcast %broadcast_in_dim3A : vector<1280x1xf32> to vector<1280x16xf32>
    %gt3A = arith.constant 0.000000e+00 : f32
    %gt3A_10 = vector.broadcast %gt3A : f32 to vector<1280x16xf32>
    %gt3A_11 = arith.cmpf ogt, %broadcast_in_dim3A_9, %gt3A_10 : vector<1280x16xf32>
    %max3A = arith.constant 1.000000e+00 : f32
    %max3A_12 = vector.broadcast %max3A : f32 to vector<1280x16xf32>
    %max3A_13 = arith.maximumf %broadcast_in_dim3A_9, %max3A_12 : vector<1280x16xf32>
    %rsqrt3A = math.rsqrt %max3A_13 : vector<1280x16xf32>
    %jit3A = arith.constant 0.000000e+00 : f32
    %broadcast_in_dim3A_14 = vector.broadcast %jit3A : f32 to vector<1280x16xf32>
    %select_n3A = arith.select %gt3A_11, %rsqrt3A, %broadcast_in_dim3A_14 : vector<1280x16xi1>, vector<1280x16xf32>
    %slice3A_15 = vector.extract_strided_slice %add3A {offsets = [0, 64], sizes = [1280, 1], strides = [1, 1]} : vector<1280x128xf32> to vector<1280x1xf32>
    %broadcast_in_dim3A_16 = vector.shape_cast %slice3A_15 : vector<1280x1xf32> to vector<1280x1xf32>
    %broadcast_in_dim3A_17 = vector.broadcast %broadcast_in_dim3A_16 : vector<1280x1xf32> to vector<1280x16xf32>
    %gt3A_18 = arith.constant 0.000000e+00 : f32
    %gt3A_19 = vector.broadcast %gt3A_18 : f32 to vector<1280x16xf32>
    %gt3A_20 = arith.cmpf ogt, %broadcast_in_dim3A_17, %gt3A_19 : vector<1280x16xf32>
    %max3A_21 = arith.constant 1.000000e+00 : f32
    %max3A_22 = vector.broadcast %max3A_21 : f32 to vector<1280x16xf32>
    %max3A_23 = arith.maximumf %broadcast_in_dim3A_17, %max3A_22 : vector<1280x16xf32>
    %rsqrt3A_24 = math.rsqrt %max3A_23 : vector<1280x16xf32>
    %jit3A_25 = arith.constant 0.000000e+00 : f32
    %broadcast_in_dim3A_26 = vector.broadcast %jit3A_25 : f32 to vector<1280x16xf32>
    %select_n3A_27 = arith.select %gt3A_20, %rsqrt3A_24, %broadcast_in_dim3A_26 : vector<1280x16xi1>, vector<1280x16xf32>
    %swap3A = arith.constant 0 : index
    %swap3A_28 = arith.constant 0 : index
    %swap3A_29 = vector.load %arg9[%swap3A, %swap3A_28] : memref<1280x16xf32, #tpu.memory_space<vmem>>, vector<1280x16xf32>
    tpu.vector_store %arg9[%swap3A, %swap3A_28], %select_n3A {strides = array<i32>} : memref<1280x16xf32, #tpu.memory_space<vmem>>, vector<1280x16xf32>,
    %swap3A_30 = arith.constant 0 : index
    %swap3A_31 = arith.constant 0 : index
    %swap3A_32 = vector.load %arg8[%swap3A_30, %swap3A_31] : memref<1280x16xf32, #tpu.memory_space<vmem>>, vector<1280x16xf32>
    tpu.vector_store %arg8[%swap3A_30, %swap3A_31], %select_n3A_27 {strides = array<i32>} : memref<1280x16xf32, #tpu.memory_space<vmem>>, vector<1280x16xf32>,
    %get3A_33 = arith.constant 0 : index
    %get3A_34 = arith.constant 0 : index
    %get3A_35 = vector.load %arg1[%get3A_33, %get3A_34] : memref<1280x128xf32, #tpu.memory_space<vmem>>, vector<1280x128xf32>
    %get3A_36 = arith.constant 0 : index
    %get3A_37 = arith.constant 0 : index
    %get3A_38 = vector.load %arg3[%get3A_36, %get3A_37] : memref<128x128xf32, #tpu.memory_space<vmem>>, vector<128x128xf32>
    %dot_general3A = arith.constant dense<0.000000e+00> : vector<1280x128xf32>
    %dot_general3A_39 = tpu.matmul %get3A_35, %get3A_38, %dot_general3A {dimension_numbers = #tpu.dot_dimension_numbers<[1], [0], [0], [1], [0, 0, 1, 1], [], []>, precision = #tpu.contract_precision<fp32>, transpose_lhs_hint = false} : vector<1280x128xf32>, vector<128x128xf32>, vector<1280x128xf32> -> vector<1280x128xf32>
    %get3A_40 = arith.constant 0 : index
    %get3A_41 = arith.constant 0 : index
    %get3A_42 = vector.load %arg4[%get3A_40, %get3A_41] : memref<1x128xf32, #tpu.memory_space<vmem>>, vector<1x128xf32>
    %add3A_43 = vector.broadcast %get3A_42 : vector<1x128xf32> to vector<1280x128xf32>
    %add3A_44 = arith.addf %dot_general3A_39, %add3A_43 : vector<1280x128xf32>
    %swap3A_45 = arith.constant 0 : index
    %swap3A_46 = arith.constant 0 : index
    %swap3A_47 = vector.load %arg7[%swap3A_45, %swap3A_46] : memref<1280x128xf32, #tpu.memory_space<vmem>>, vector<1280x128xf32>
    tpu.vector_store %arg7[%swap3A_45, %swap3A_46], %add3A_44 {strides = array<i32>} : memref<1280x128xf32, #tpu.memory_space<vmem>>, vector<1280x128xf32>,
    %get3A_48 = arith.constant 0 : index
    %get3A_49 = arith.constant 0 : index
    %get3A_50 = vector.load %arg1[%get3A_48, %get3A_49] : memref<1280x128xf32, #tpu.memory_space<vmem>>, vector<1280x128xf32>
    %get3A_51 = arith.constant 0 : index
    %get3A_52 = arith.constant 0 : index
    %get3A_53 = vector.load %arg5[%get3A_51, %get3A_52] : memref<128x128xf32, #tpu.memory_space<vmem>>, vector<128x128xf32>
    %dot_general3A_54 = arith.constant dense<0.000000e+00> : vector<1280x128xf32>
    %dot_general3A_55 = tpu.matmul %get3A_50, %get3A_53, %dot_general3A_54 {dimension_numbers = #tpu.dot_dimension_numbers<[1], [0], [0], [1], [0, 0, 1, 1], [], []>, precision = #tpu.contract_precision<fp32>, transpose_lhs_hint = false} : vector<1280x128xf32>, vector<128x128xf32>, vector<1280x128xf32> -> vector<1280x128xf32>
    %slice3A_56 = vector.extract_strided_slice %select_n3A {offsets = [0, 0], sizes = [1280, 1], strides = [1, 1]} : vector<1280x16xf32> to vector<1280x1xf32>
    %mul3A = vector.broadcast %slice3A_56 : vector<1280x1xf32> to vector<1280x128xf32>
    %mul3A_57 = arith.mulf %dot_general3A_55, %mul3A : vector<1280x128xf32>
    %swap3A_58 = arith.constant 0 : index
    %swap3A_59 = arith.constant 0 : index
    %swap3A_60 = vector.load %arg6[%swap3A_58, %swap3A_59] : memref<1280x128xf32, #tpu.memory_space<vmem>>, vector<1280x128xf32>
    tpu.vector_store %arg6[%swap3A_58, %swap3A_59], %mul3A_57 {strides = array<i32>} : memref<1280x128xf32, #tpu.memory_space<vmem>>, vector<1280x128xf32>,
    return
  }
  func.func @transform_0(%arg0: i32) -> (i32, i32) {
    %c0_i32 = arith.constant 0 : i32
    %c0_i32_0 = arith.constant 0 : i32
    return %arg0, %c0_i32 : i32, i32
  }
  func.func @transform_1(%arg0: i32) -> (i32, i32, i32) {
    %c0_i32 = arith.constant 0 : i32
    %c0_i32_0 = arith.constant 0 : i32
    %c0_i32_1 = arith.constant 0 : i32
    return %c0_i32, %arg0, %c0_i32_0 : i32, i32, i32
  }
  func.func @transform_2(%arg0: i32) -> (i32, i32) {
    %c0_i32 = arith.constant 0 : i32
    %c0_i32_0 = arith.constant 0 : i32
    %c0_i32_1 = arith.constant 0 : i32
    return %c0_i32, %c0_i32_0 : i32, i32
  }
  func.func @transform_3(%arg0: i32) -> (i32, i32) {
    %c0_i32 = arith.constant 0 : i32
    %c0_i32_0 = arith.constant 0 : i32
    %c0_i32_1 = arith.constant 0 : i32
    return %c0_i32, %c0_i32_0 : i32, i32
  }
  func.func @transform_4(%arg0: i32) -> (i32, i32) {
    %c0_i32 = arith.constant 0 : i32
    %c0_i32_0 = arith.constant 0 : i32
    %c0_i32_1 = arith.constant 0 : i32
    return %c0_i32, %c0_i32_0 : i32, i32
  }
  func.func @transform_5(%arg0: i32) -> (i32, i32) {
    %c0_i32 = arith.constant 0 : i32
    %c0_i32_0 = arith.constant 0 : i32
    return %arg0, %c0_i32 : i32, i32
  }
  func.func @transform_6(%arg0: i32) -> (i32, i32) {
    %c0_i32 = arith.constant 0 : i32
    %c0_i32_0 = arith.constant 0 : i32
    return %arg0, %c0_i32 : i32, i32
  }
  func.func @transform_7(%arg0: i32) -> (i32, i32) {
    %c0_i32 = arith.constant 0 : i32
    %c0_i32_0 = arith.constant 0 : i32
    return %arg0, %c0_i32 : i32, i32
  }
  func.func @transform_8(%arg0: i32) -> (i32, i32) {
    %c0_i32 = arith.constant 0 : i32
    %c0_i32_0 = arith.constant 0 : i32
    return %arg0, %c0_i32 : i32, i32
  }
}

module attributes {stable_mosaic.version = 14 : i64} {
  func.func @_tc_mid_body(%arg0: i32, %arg1: memref<2x1280x128xf32, #tpu.memory_space<vmem>>, %arg2: memref<1280x16xf32, #tpu.memory_space<vmem>>, %arg3: memref<1280x16xf32, #tpu.memory_space<vmem>>, %arg4: memref<1x128xf32, #tpu.memory_space<vmem>>, %arg5: memref<128x128xf32, #tpu.memory_space<vmem>>, %arg6: memref<1280x128xf32, #tpu.memory_space<vmem>>) attributes {dimension_semantics = [#tpu.dimension_semantics<arbitrary>], iteration_bounds = array<i64: 8>, scalar_prefetch = 0 : i64, scratch_operands = 0 : i64, tpu.core_type = #tpu.core_type<tc>, window_params = [{transform_indices = @transform_0, window_bounds = array<i64: 2, 1280, 128>}, {transform_indices = @transform_1, window_bounds = array<i64: 1280, 16>}, {transform_indices = @transform_2, window_bounds = array<i64: 1280, 16>}, {pipeline_mode = #tpu.pipeline_mode<synchronous>, transform_indices = @transform_3, window_bounds = array<i64: 1, 128>}, {pipeline_mode = #tpu.pipeline_mode<synchronous>, transform_indices = @transform_4, window_bounds = array<i64: 128, 128>}, {transform_indices = @transform_5, window_bounds = array<i64: 1280, 128>}]} {
    %get3A = arith.constant 0 : index
    %get3A_0 = arith.constant 0 : index
    %get3A_1 = arith.constant 0 : index
    %get3A_2 = vector.load %arg1[%get3A, %get3A_0, %get3A_1] : memref<2x1280x128xf32, #tpu.memory_space<vmem>>, vector<1x1280x128xf32>
    %get3A_3 = vector.shape_cast %get3A_2 : vector<1x1280x128xf32> to vector<1280x128xf32>
    %get3A_4 = arith.constant 1 : index
    %get3A_5 = arith.constant 0 : index
    %get3A_6 = arith.constant 0 : index
    %get3A_7 = vector.load %arg1[%get3A_4, %get3A_5, %get3A_6] : memref<2x1280x128xf32, #tpu.memory_space<vmem>>, vector<1x1280x128xf32>
    %get3A_8 = vector.shape_cast %get3A_7 : vector<1x1280x128xf32> to vector<1280x128xf32>
    %add3A = arith.addf %get3A_3, %get3A_8 : vector<1280x128xf32>
    %get3A_9 = arith.constant 0 : index
    %get3A_10 = arith.constant 0 : index
    %get3A_11 = vector.load %arg2[%get3A_9, %get3A_10] : memref<1280x16xf32, #tpu.memory_space<vmem>>, vector<1280x1xf32>
    %mul3A = vector.broadcast %get3A_11 : vector<1280x1xf32> to vector<1280x128xf32>
    %mul3A_12 = arith.mulf %add3A, %mul3A : vector<1280x128xf32>
    %get3A_13 = arith.constant 0 : index
    %get3A_14 = arith.constant 0 : index
    %get3A_15 = vector.load %arg4[%get3A_13, %get3A_14] : memref<1x128xf32, #tpu.memory_space<vmem>>, vector<1x128xf32>
    %add3A_16 = vector.broadcast %get3A_15 : vector<1x128xf32> to vector<1280x128xf32>
    %add3A_17 = arith.addf %mul3A_12, %add3A_16 : vector<1280x128xf32>
    %max3A = arith.constant 0.000000e+00 : f32
    %max3A_18 = vector.broadcast %max3A : f32 to vector<1280x128xf32>
    %max3A_19 = arith.maximumf %add3A_17, %max3A_18 : vector<1280x128xf32>
    %get3A_20 = arith.constant 0 : index
    %get3A_21 = arith.constant 0 : index
    %get3A_22 = vector.load %arg5[%get3A_20, %get3A_21] : memref<128x128xf32, #tpu.memory_space<vmem>>, vector<128x128xf32>
    %dot_general3A = arith.constant dense<0.000000e+00> : vector<1280x128xf32>
    %dot_general3A_23 = tpu.matmul %max3A_19, %get3A_22, %dot_general3A {dimension_numbers = #tpu.dot_dimension_numbers<[1], [0], [0], [1], [0, 0, 1, 1], [], []>, precision = #tpu.contract_precision<fp32>, transpose_lhs_hint = false} : vector<1280x128xf32>, vector<128x128xf32>, vector<1280x128xf32> -> vector<1280x128xf32>
    %get3A_24 = arith.constant 0 : index
    %get3A_25 = arith.constant 0 : index
    %get3A_26 = vector.load %arg3[%get3A_24, %get3A_25] : memref<1280x16xf32, #tpu.memory_space<vmem>>, vector<1280x1xf32>
    %mul3A_27 = vector.broadcast %get3A_26 : vector<1280x1xf32> to vector<1280x128xf32>
    %mul3A_28 = arith.mulf %dot_general3A_23, %mul3A_27 : vector<1280x128xf32>
    %swap3A = arith.constant 0 : index
    %swap3A_29 = arith.constant 0 : index
    %swap3A_30 = vector.load %arg6[%swap3A, %swap3A_29] : memref<1280x128xf32, #tpu.memory_space<vmem>>, vector<1280x128xf32>
    tpu.vector_store %arg6[%swap3A, %swap3A_29], %mul3A_28 {strides = array<i32>} : memref<1280x128xf32, #tpu.memory_space<vmem>>, vector<1280x128xf32>,
    return
  }
  func.func @transform_0(%arg0: i32) -> (i32, i32, i32) {
    %c0_i32 = arith.constant 0 : i32
    %c0_i32_0 = arith.constant 0 : i32
    %c0_i32_1 = arith.constant 0 : i32
    return %c0_i32, %arg0, %c0_i32_0 : i32, i32, i32
  }
  func.func @transform_1(%arg0: i32) -> (i32, i32) {
    %c0_i32 = arith.constant 0 : i32
    %c0_i32_0 = arith.constant 0 : i32
    return %arg0, %c0_i32 : i32, i32
  }
  func.func @transform_2(%arg0: i32) -> (i32, i32) {
    %c0_i32 = arith.constant 0 : i32
    %c0_i32_0 = arith.constant 0 : i32
    return %arg0, %c0_i32 : i32, i32
  }
  func.func @transform_3(%arg0: i32) -> (i32, i32) {
    %c0_i32 = arith.constant 0 : i32
    %c0_i32_0 = arith.constant 0 : i32
    %c0_i32_1 = arith.constant 0 : i32
    return %c0_i32, %c0_i32_0 : i32, i32
  }
  func.func @transform_4(%arg0: i32) -> (i32, i32) {
    %c0_i32 = arith.constant 0 : i32
    %c0_i32_0 = arith.constant 0 : i32
    %c0_i32_1 = arith.constant 0 : i32
    return %c0_i32, %c0_i32_0 : i32, i32
  }
  func.func @transform_5(%arg0: i32) -> (i32, i32) {
    %c0_i32 = arith.constant 0 : i32
    %c0_i32_0 = arith.constant 0 : i32
    return %arg0, %c0_i32 : i32, i32
  }
}

module attributes {stable_mosaic.version = 14 : i64} {
  func.func @_tc_post_body(%arg0: i32, %arg1: memref<2x1280x128xf32, #tpu.memory_space<vmem>>, %arg2: memref<1280x16xf32, #tpu.memory_space<vmem>>, %arg3: memref<1x128xf32, #tpu.memory_space<vmem>>, %arg4: memref<1280x128xf32, #tpu.memory_space<vmem>>, %arg5: memref<128x128xf32, #tpu.memory_space<vmem>>, %arg6: memref<1x128xf32, #tpu.memory_space<vmem>>, %arg7: memref<1280x128xf32, #tpu.memory_space<vmem>>) attributes {dimension_semantics = [#tpu.dimension_semantics<arbitrary>], iteration_bounds = array<i64: 8>, scalar_prefetch = 0 : i64, scratch_operands = 0 : i64, tpu.core_type = #tpu.core_type<tc>, window_params = [{transform_indices = @transform_0, window_bounds = array<i64: 2, 1280, 128>}, {transform_indices = @transform_1, window_bounds = array<i64: 1280, 16>}, {pipeline_mode = #tpu.pipeline_mode<synchronous>, transform_indices = @transform_2, window_bounds = array<i64: 1, 128>}, {transform_indices = @transform_3, window_bounds = array<i64: 1280, 128>}, {pipeline_mode = #tpu.pipeline_mode<synchronous>, transform_indices = @transform_4, window_bounds = array<i64: 128, 128>}, {pipeline_mode = #tpu.pipeline_mode<synchronous>, transform_indices = @transform_5, window_bounds = array<i64: 1, 128>}, {transform_indices = @transform_6, window_bounds = array<i64: 1280, 128>}]} {
    %get3A = arith.constant 0 : index
    %get3A_0 = arith.constant 0 : index
    %get3A_1 = arith.constant 0 : index
    %get3A_2 = vector.load %arg1[%get3A, %get3A_0, %get3A_1] : memref<2x1280x128xf32, #tpu.memory_space<vmem>>, vector<1x1280x128xf32>
    %get3A_3 = vector.shape_cast %get3A_2 : vector<1x1280x128xf32> to vector<1280x128xf32>
    %get3A_4 = arith.constant 1 : index
    %get3A_5 = arith.constant 0 : index
    %get3A_6 = arith.constant 0 : index
    %get3A_7 = vector.load %arg1[%get3A_4, %get3A_5, %get3A_6] : memref<2x1280x128xf32, #tpu.memory_space<vmem>>, vector<1x1280x128xf32>
    %get3A_8 = vector.shape_cast %get3A_7 : vector<1x1280x128xf32> to vector<1280x128xf32>
    %add3A = arith.addf %get3A_3, %get3A_8 : vector<1280x128xf32>
    %get3A_9 = arith.constant 0 : index
    %get3A_10 = arith.constant 0 : index
    %get3A_11 = vector.load %arg2[%get3A_9, %get3A_10] : memref<1280x16xf32, #tpu.memory_space<vmem>>, vector<1280x1xf32>
    %mul3A = vector.broadcast %get3A_11 : vector<1280x1xf32> to vector<1280x128xf32>
    %mul3A_12 = arith.mulf %add3A, %mul3A : vector<1280x128xf32>
    %get3A_13 = arith.constant 0 : index
    %get3A_14 = arith.constant 0 : index
    %get3A_15 = vector.load %arg3[%get3A_13, %get3A_14] : memref<1x128xf32, #tpu.memory_space<vmem>>, vector<1x128xf32>
    %add3A_16 = vector.broadcast %get3A_15 : vector<1x128xf32> to vector<1280x128xf32>
    %add3A_17 = arith.addf %mul3A_12, %add3A_16 : vector<1280x128xf32>
    %get3A_18 = arith.constant 0 : index
    %get3A_19 = arith.constant 0 : index
    %get3A_20 = vector.load %arg4[%get3A_18, %get3A_19] : memref<1280x128xf32, #tpu.memory_space<vmem>>, vector<1280x128xf32>
    %add3A_21 = arith.addf %add3A_17, %get3A_20 : vector<1280x128xf32>
    %max3A = arith.constant 0.000000e+00 : f32
    %max3A_22 = vector.broadcast %max3A : f32 to vector<1280x128xf32>
    %max3A_23 = arith.maximumf %add3A_21, %max3A_22 : vector<1280x128xf32>
    %get3A_24 = arith.constant 0 : index
    %get3A_25 = arith.constant 0 : index
    %get3A_26 = vector.load %arg5[%get3A_24, %get3A_25] : memref<128x128xf32, #tpu.memory_space<vmem>>, vector<128x128xf32>
    %dot_general3A = arith.constant dense<0.000000e+00> : vector<1280x128xf32>
    %dot_general3A_27 = tpu.matmul %max3A_23, %get3A_26, %dot_general3A {dimension_numbers = #tpu.dot_dimension_numbers<[1], [0], [0], [1], [0, 0, 1, 1], [], []>, precision = #tpu.contract_precision<fp32>, transpose_lhs_hint = false} : vector<1280x128xf32>, vector<128x128xf32>, vector<1280x128xf32> -> vector<1280x128xf32>
    %get3A_28 = arith.constant 0 : index
    %get3A_29 = arith.constant 0 : index
    %get3A_30 = vector.load %arg6[%get3A_28, %get3A_29] : memref<1x128xf32, #tpu.memory_space<vmem>>, vector<1x128xf32>
    %add3A_31 = vector.broadcast %get3A_30 : vector<1x128xf32> to vector<1280x128xf32>
    %add3A_32 = arith.addf %dot_general3A_27, %add3A_31 : vector<1280x128xf32>
    %swap3A = arith.constant 0 : index
    %swap3A_33 = arith.constant 0 : index
    %swap3A_34 = vector.load %arg7[%swap3A, %swap3A_33] : memref<1280x128xf32, #tpu.memory_space<vmem>>, vector<1280x128xf32>
    tpu.vector_store %arg7[%swap3A, %swap3A_33], %add3A_32 {strides = array<i32>} : memref<1280x128xf32, #tpu.memory_space<vmem>>, vector<1280x128xf32>,
    return
  }
  func.func @transform_0(%arg0: i32) -> (i32, i32, i32) {
    %c0_i32 = arith.constant 0 : i32
    %c0_i32_0 = arith.constant 0 : i32
    %c0_i32_1 = arith.constant 0 : i32
    return %c0_i32, %arg0, %c0_i32_0 : i32, i32, i32
  }
  func.func @transform_1(%arg0: i32) -> (i32, i32) {
    %c0_i32 = arith.constant 0 : i32
    %c0_i32_0 = arith.constant 0 : i32
    return %arg0, %c0_i32 : i32, i32
  }
  func.func @transform_2(%arg0: i32) -> (i32, i32) {
    %c0_i32 = arith.constant 0 : i32
    %c0_i32_0 = arith.constant 0 : i32
    %c0_i32_1 = arith.constant 0 : i32
    return %c0_i32, %c0_i32_0 : i32, i32
  }
  func.func @transform_3(%arg0: i32) -> (i32, i32) {
    %c0_i32 = arith.constant 0 : i32
    %c0_i32_0 = arith.constant 0 : i32
    return %arg0, %c0_i32 : i32, i32
  }
  func.func @transform_4(%arg0: i32) -> (i32, i32) {
    %c0_i32 = arith.constant 0 : i32
    %c0_i32_0 = arith.constant 0 : i32
    %c0_i32_1 = arith.constant 0 : i32
    return %c0_i32, %c0_i32_0 : i32, i32
  }
  func.func @transform_5(%arg0: i32) -> (i32, i32) {
    %c0_i32 = arith.constant 0 : i32
    %c0_i32_0 = arith.constant 0 : i32
    %c0_i32_1 = arith.constant 0 : i32
    return %c0_i32, %c0_i32_0 : i32, i32
  }
  func.func @transform_6(%arg0: i32) -> (i32, i32) {
    %c0_i32 = arith.constant 0 : i32
    %c0_i32_0 = arith.constant 0 : i32
    return %arg0, %c0_i32 : i32, i32
  }
}

</mosaic_0001>

<sc_bundles>
// kernel: kernel.12.cloned.1.call-start
scs
__scs_entry_jumppad:
0x0: {  	(pc) =	sbr.rel $0x88, $3  }
0x1: {  	(tag) =	ssettag $0x0;
	lr =	simm.s32 $0x1  }
0x2: {  	[smem:$0x3F93] =	sst lr;
	_ =	strace $0xD0000000  }
0x3: {  	_ = 	snop  }
0x4: {  	_ = 	snop  }
0x5: {  	_ = 	snop  }
0x6: {  	_ = 	snop  }
0x7: {  	_ = 	snop  }
__scs_overlays_trampoline_lowered:
0x8: {  	[smem:$0x3FA2] =	sst s0  }
0x9: {  	[smem:$0x3FA3] =	sst s1  }
0xa: {  	[smem:$0x3FA4] =	sst s2  }
0xb: {  	[smem:$0x3FA5] =	sst s3  }
0xc: {  	[smem:$0x3FA6] =	sst s4  }
0xd: {  	[smem:$0x3FA7] =	sst s5  }
0xe: {  	[smem:$0x3FA8] =	sst s6  }
0xf: {  	[smem:$0x3FA9] =	sst s7  }
0x10: {  	[smem:$0x3FAA] =	sst s8  }
0x11: {  	[smem:$0x3FAB] =	sst s9;
	s0 =	simm.s32 @!p0 $0x0  }
0x12: {  	s1 =	sld [smem:$0x3F91];
	s0 =	simm.s32 @p0 $0x1  }
0x13: {  	[smem:$0x3FAC] =	sst s0;
	s0 =	simm.s32 @!p1 $0x0  }
0x14: {  	s2 =	sld [smem:$0x3F90];
	s0 =	simm.s32 @p1 $0x1  }
0x15: {  	[smem:$0x3FAD] =	sst s0;
	s0 =	simm.s32 @!p2 $0x0  }
0x16: {  	s3 =	sld [smem:$0x3FDB];
	s0 =	simm.s32 @p2 $0x1  }
0x17: {  	s4 =	simm.s32 $0x1BF5;
	[smem:$0x3FAF] =	sst s0  }
0x18: {  	s0 =	sld [smem:$0x3F92];
	_ =	swait.ge [sflag:s4], $0x0  }
0x19: {  	s7 =	sld [smem:$0x3F93]  }
0x1a: {  	s8 =	sadd.s32 $0xFFFFE003, lr  }
0x1b: {  	s9 =	sadd.s32 $0xFFFFFEF7, lr;
	s5 =	simm.s32 $0xFFFFFFFF;
	p2 =	slt.u32 s8, $0xFFFFF086  }
0x1c: {  	p1 =	slt.u32 s9, $0xF7A;
	s5 =	simm.s32 @!p2 $0x0  }
0x1d: {  	s5 =	simm.s32 @p1 $0x1;
	p0 =	seq.s32 s7, s2  }
0x1e: {  	s7 =	smul.u32 @!p0 $0xF7A, s2;
	p2 =	seq.s32 @!p0 s5, $0x0  }
0x1f: {  	s9 =	smul.u32 $0xF7A, s1;
	s8 =	simm.s32 @!p0 $0x1BF5;
	p2 =	por !p2, p0  }
0x20: {  	[sflag:s8] =	ssyncset.s32 @!p0 $0xFFFFF086;
	s6 =	sadd.s32 @!p0 s3, s7;
	s7 =	simm.s32 @!p0 $0x108  }
0x21: {  	s3 =	sadd.s32 s3, s9;
	s6 =	sadd.s32 @!p0 $0x88, s6;
	s7 =	simm.s32 @p2 $0x1082  }
0x22: {  	[simem:s7], [sflag:s8] =	dma.local @!p0 [hbm:s6], $0xF7A  }
0x23: {  	s9 =	sor.u32 $0xD0000000, s2;
	s6 =	simm.s32 $0x108;
	_ =	swait.ge @!p0 [sflag:s8], $0x0  }
0x24: {  	s3 =	sadd.s32 $0x88, s3;
	s6 =	simm.s32 @!p1 $0x1082;
	[sflag:s4] =	ssyncset.s32 $0xFFFFF086  }
0x25: {  	[simem:s6], [sflag:s4] =	dma.local [hbm:s3], $0xF7A  }
0x26: {  	[smem:$0x3F93] =	sst s1;
	(tag) =	ssettag s2;
	_ =	strace s9  }
0x27: {  	s1 =	sld [smem:$0x3FA3]  }
0x28: {  	s2 =	sld [smem:$0x3FA4]  }
0x29: {  	s4 =	sld [smem:$0x3FA6]  }
0x2a: {  	p0 =	seq.s32 s5, $0x0;
	s5 =	sld [smem:$0x3FA7]  }
0x2b: {  	s6 =	sld [smem:$0x3FA8]  }
0x2c: {  	s7 =	sld [smem:$0x3FA9]  }
0x2d: {  	s3 =	simm.s32 $0x108;
	s8 =	sld [smem:$0x3FAA]  }
0x2e: {  	s3 =	simm.s32 @!p0 $0x1082;
	s9 =	sld [smem:$0x3FAB]  }
0x2f: {  	lr =	sadd.s32 s0, s3;
	s0 =	sld [smem:$0x3FA2]  }
0x30: {  	s3 =	sld [smem:$0x3FA5]  }
0x31: {  	[smem:$0x3FAE] =	sst s10  }
0x32: {  	s10 =	sld [smem:$0x3FAC];
	_ =	sdelay $0x3  }
0x33: {  	p0 =	seq.s32 s10, $0x1;
	s10 =	sld [smem:$0x3FAE];
	_ =	sdelay $0x3  }
0x34: {  	[smem:$0x3FAE] =	sst s10  }
0x35: {  	s10 =	sld [smem:$0x3FAD];
	_ =	sdelay $0x3  }
0x36: {  	p1 =	seq.s32 s10, $0x1;
	s10 =	sld [smem:$0x3FAE];
	_ =	sdelay $0x3  }
0x37: {  	[smem:$0x3FAE] =	sst s10  }
0x38: {  	s10 =	sld [smem:$0x3FAF]  }
0x39: {  	_ = 	snop;
	(pc) =	sbr.ind lr, $3  }
0x3a: {  	_ = 	snop  }
0x3b: {  	_ = 	snop  }
0x3c: {  	p2 =	seq.s32 s10, $0x1;
	s10 =	sld [smem:$0x3FAE]  }
0x3d: {  	_ =	shalt  }
0x3e: {  	_ =	shalt  }
0x3f: {  	_ =	shalt  }
0x40: {  	_ =	shalt  }
0x41: {  	_ =	shalt  }
0x42: {  	_ =	shalt  }
0x43: {  	_ =	shalt  }
0x44: {  	_ =	shalt  }
0x45: {  	_ =	shalt  }
0x46: {  	_ =	shalt  }
0x47: {  	_ =	shalt  }
0x48: {  	_ =	shalt  }
0x49: {  	_ =	shalt  }
0x4a: {  	_ =	shalt  }
0x4b: {  	_ =	shalt  }
0x4c: {  	_ =	shalt  }
0x4d: {  	_ =	shalt  }
0x4e: {  	_ =	shalt  }
0x4f: {  	_ =	shalt  }
0x50: {  	_ =	shalt  }
0x51: {  	_ =	shalt  }
0x52: {  	_ =	shalt  }
0x53: {  	_ =	shalt  }
0x54: {  	_ =	shalt  }
0x55: {  	_ =	shalt  }
0x56: {  	_ =	shalt  }
0x57: {  	_ =	shalt  }
0x58: {  	_ =	shalt  }
0x59: {  	_ =	shalt  }
0x5a: {  	_ =	shalt  }
0x5b: {  	_ =	shalt  }
0x5c: {  	_ =	shalt  }
0x5d: {  	_ =	shalt  }
0x5e: {  	_ =	shalt  }
0x5f: {  	_ =	shalt  }
0x60: {  	_ =	shalt  }
0x61: {  	_ =	shalt  }
0x62: {  	_ =	shalt  }
0x63: {  	_ =	shalt  }
0x64: {  	_ =	shalt  }
0x65: {  	_ =	shalt  }
0x66: {  	_ =	shalt  }
0x67: {  	_ =	shalt  }
0x68: {  	_ =	shalt  }
0x69: {  	_ =	shalt  }
0x6a: {  	_ =	shalt  }
0x6b: {  	_ =	shalt  }
0x6c: {  	_ =	shalt  }
0x6d: {  	_ =	shalt  }
0x6e: {  	_ =	shalt  }
0x6f: {  	_ =	shalt  }
0x70: {  	_ =	shalt  }
0x71: {  	_ =	shalt  }
0x72: {  	_ =	shalt  }
0x73: {  	_ =	shalt  }
0x74: {  	_ =	shalt  }
0x75: {  	_ =	shalt  }
0x76: {  	_ =	shalt  }
0x77: {  	_ =	shalt  }
0x78: {  	_ =	shalt  }
0x79: {  	_ =	shalt  }
0x7a: {  	_ =	shalt  }
0x7b: {  	_ =	shalt  }
0x7c: {  	_ =	shalt  }
0x7d: {  	_ =	shalt  }
0x7e: {  	_ =	shalt  }
0x7f: {  	_ =	shalt  }
0x80: {  	_ =	shalt  }
0x81: {  	_ =	shalt  }
0x82: {  	_ =	shalt  }
0x83: {  	_ =	shalt  }
0x84: {  	_ =	shalt  }
0x85: {  	_ =	shalt  }
0x86: {  	_ =	shalt  }
0x87: {  	_ =	shalt  }
.Lfunc_end0:
.L_simem_size_0:
called_computation_lowered:
.L_overlay_start_0:
0x88: {  	s2 =	sld [smem:$0x3FD9]  }
0x89: {  	s3 =	sld [smem:$0x3FFE];
	_ =	sdelay $0x1  }
0x8a: {  	s1 =	srdreg.scid  }
0x8b: {  	s0 =	sand.u32 $0x1, s1  }
0x8c: {  	s17 =	sshll.u32 s0, $0xA;
	s2 =	sadd.s32 s3, s2  }
0x8d: {  	s2 =	sadd.s32 s2, s17  }
0x8e: {  	[smem:$0x3FBA] =	sst s2  }
0x8f: {  	_ = 	snop  }
0x90: {  	s2 =	sld [smem:$0x3FD0];
	(tm) =	ssettm $0x1  }
0x91: {  	s18 =	sld [smem:$0x3FFB];
	_ =	sdelay $0x3  }
0x92: {  	_ =	strace s18  }
0x93: {  	s3 =	sld [smem:$0x3FFC];
	_ =	sdelay $0x3  }
0x94: {  	_ =	strace s3  }
0x95: {  	s3 =	sld [smem:$0x3FFD];
	_ =	sdelay $0x3  }
0x96: {  	_ =	strace s3  }
0x97: {  	_ =	strace $0x8FFFFFFF  }
0x98: {  	s19 =	sld [smem:$0x3FDB];
	_ =	sdelay $0x1  }
0x99: {  	s4 =	simm.s32 $_scs_section_size  }
0x9a: {  	s5 =	simm.s32 $_size__tile_overlayer_lowered;
	s6 =	simm.s32 $_tile_overlayer_lowered  }
0x9b: {  	s22 =	simm.s32 $0x1BFF;
	s21 =	sshll.u32 s6, $0x1;
	s3 =	sadd.s32 s4, s19  }
0x9c: {  	s7 =	simm.s32 $0x0;
	s20 =	sshll.u32 s5, $0x1;
	s5 =	sadd.s32 s21, s3  }
0x9d: {  	[timem:s7], [sflag:s22] =	dma.local [hbm:s5], s20  }
0x9e: {  	_ =	swait.ge [sflag:s22], s20  }
0x9f: {  	s4 =	ssub.s32 $0x0, s20;
	[sflag:s22] =	ssyncset.done $0x0  }
0xa0: {  	[sflag:s22] =	ssyncadd.s32 s4;
	_ =	sdelay $0x1  }
0xa1: {  	s23 =	simm.s32 $0x1B8B  }
0xa2: {  	_ =	swait.ge [sflag:s23], $0x1  }
0xa3: {  	[sflag:s23] =	ssyncset.done $0x0  }
0xa4: {  	s25 =	simm.s32 $0x1B8E;
	s24 =	sld [smem:$0x3FFE];
	[sflag:s23] =	ssyncadd.s32 $0xFFFFFFFF  }
0xa5: {  	s26 =	simm.s32 $execute0_lowered;
	[smem:$0x3FD2] =	sst s25  }
0xa6: {  	s5 =	sshll.u32 s26, $0x1;
	_ =	strace $0x80000046;
	[dreg:$0x1] =	wrdreg $0xFFFFFFFF  }
0xa7: {  	s28 =	simm.s32 $_size_execute0_lowered;
	s3 =	sadd.s32 s3, s5;
	[dreg:$0x0] =	wrdreg $0x0  }
0xa8: {  	s5 =	sshll.u32 s28, $0x1;
	[dreg:$0x2] =	wrdreg s3  }
0xa9: {  	[dreg:$0x3] =	wrdreg s5  }
0xaa: {  	[dreg:$0x4] =	wrdreg $0xC0  }
0xab: {  	_ =	task [dreg:s7], $0x5FFFF  }
0xac: {  	[dreg:$0x1] =	wrdreg $0xFFFFFFFF  }
0xad: {  	[dreg:$0x0] =	wrdreg $0x60  }
0xae: {  	[dreg:$0x2] =	wrdreg s24  }
0xaf: {  	[dreg:$0x3] =	wrdreg s2  }
0xb0: {  	[dreg:$0x4] =	wrdreg $0x52000  }
0xb1: {  	[dreg:$0x5] =	wrdreg $0x9  }
0xb2: {  	_ =	task.clear_ibuf [dreg:s7], $0x6FFFF;
	_ =	strace $0x90000046  }
0xb3: {  	s29 =	simm.s32 $0x9;
	_ =	strace $0x80000048  }
0xb4: {  	_ =	swait.ge [sflag:s29], $0x1  }
0xb5: {  	[sflag:s29] =	ssyncadd.s32 $0xFFFFFFFF  }
0xb6: {  	_ =	strace $0x90000048  }
0xb7: {  	_ =	sfence  }
0xb8: {  	s30 =	sld [smem:$0x0];
	_ =	sdelay $0x2  }
0xb9: {  	s31 =	sshll.u32 s1, $0xD;
	s1 =	sshrl.u32 s1, $0x2  }
0xba: {  	s3 =	sand.u32 $0x4000, s31;
	s1 =	sadd.s32 s1, s30  }
0xbb: {  	s0 =	sor.u32 s3, s0;
	s1 =	sshll.u32 s1, $0x11  }
0xbc: {  	s0 =	sor.u32 s1, s0  }
0xbd: {  	s0 =	sadd.s32 $0x8F2B, s0  }
0xbe: {  	[sflag:s0] =	ssyncadd.remote.s32 $0x1  }
0xbf: {  	_ =	sfence.sel $0xFFFF  }
0xc0: {  	[dreg:$0x0] =	wrdreg $0xFFFFFFFF;
	(pc) =	sbr.abs _section_cstart, $3  }
0xc1: {  	[dreg:$0x1] =	wrdreg $0xFFFFFFFF  }
0xc2: {  	_ =	task.clear_ibuf [dreg:s7], $0x2FFFF;
	_ =	strace $0x9FFFFFFF  }
0xc3: {  	(tm) =	ssettm $0x7FFFFFFF  }
tec
execute0_lowered:
.L_overlay_start_1:
0x0: {  	(tag) =	ssettag $0x1  }
0x1: {  	s0 =	rddreg [dreg:$0x0]  }
0x2: {  	s16 =	rddreg [dreg:$0x1]  }
0x3: {  	s2 =	rddreg [dreg:$0x2];
	s3 =	simm.s32 $0x0  }
0x4: {  	s1 =	stileid.u32;
	s4 =	srdreg.scid;
	s19 =	simm.s32 $0x2  }
0x5: {  	s20 =	simm.s32 $0x2A00;
	s21 =	simm.s32 $0x80;
	s22 =	simm.s32 $0x100  }
0x6: {  	s23 =	simm.s32 $0x180;
	[smem:$0x7FF] =	sst s3;
	s6 =	smul.u32 $0x14000, s1  }
0x7: {  	s17 =	sadd.s32 $0x3800, s0;
	s7 =	sand.u32 $0x1, s4;
	s12 =	smul.u32 $0x50000, s1  }
0x8: {  	s24 =	sadd.s32 $0xD800, s0;
	s29 =	smul.u32 $0x2800, s1;
	_ =	strace $0x80000047  }
0x9: {  	s9 =	smul.u32 $0x140000, s7;
	s10 =	sshll.u32 s7, $0x4;
	[dreg:$0x4] =	wrdreg s24  }
0xa: {  	s25 =	ssub.s32 $0x2, s7;
	s26 =	smul.u32 $0x28000, s7;
	s24 =	simm.s32 $0x50  }
0xb: {  	s5 =	sshrl.u32 s6, $0x3;
	s10 =	sor.u32 s1, s10;
	s11 =	sshrl.u32 s25, $0x1  }
0xc: {  	s28 =	sshrl.u32 s12, $0x2;
	s8 =	sadd.s32 s5, s0;
	s5 =	sadd.s32 $0xDE00, s0  }
0xd: {  	s6 =	sadd.s32 s6, s9;
	s10 =	smul.u32 $0x2800, s10;
	s13 =	ssub.s32 s25, s11  }
0xe: {  	s15 =	sadd.s32 s29, s26;
	s25 =	simm.s32 $0x1;
	s26 =	simm.s32 $0x0  }
0xf: {  	s6 =	sshrl.u32 s6, $0x3;
	s7 =	sadd.s32 $0xE400, s8;
	s30 =	sor.u32 $0xA0, s15  }
0x10: {  	s15 =	sor.u32 $0x50, s15;
	s13 =	smax.u32 s13, $0x1;
	s0 =	sadd.s32 s6, s0  }
0x11: {  	s10 =	sshrl.u32 s10, $0x3;
	s6 =	sadd.s32 s28, s2;
	s31 =	sshrl.u32 s30, $0x3  }
0x12: {  	s18 =	sshrl.u32 s15, $0x3;
	s8 =	sadd.s32 s17, s10;
	s9 =	sadd.s32 s16, s10  }
0x13: {  	s14 =	sadd.s32 $0x4F6, s10;
	s12 =	sadd.s32 $0x36400, s0;
	s15 =	sadd.s32 s31, s17  }
0x14: {  	s10 =	sadd.s32 s17, s14;
	s11 =	sadd.s32 s16, s14;
	s14 =	sadd.s32 s31, s16  }
0x15: {  	s16 =	sadd.s32 s18, s16;
	s17 =	sadd.s32 s18, s17;
	s18 =	simm.s32 $0x200  }
.LBB2_1:
0x16: {  	s0 =	rddreg [dreg:$0x4]  }
0x17: {  	[tilespmem:s18], [sflag:$0x2] =	stream.linear.gather [hbm4b:s0+s3], $0x2800, $0x38;
	[tilespmem:$0x19200] =	vst v63  }
0x18: {  	_ =	swait.ge [sflag:s19], $0x2800  }
0x19: {  	[sflag:s19] =	ssyncset.done $0x0  }
0x1a: {  	[sflag:s19] =	ssyncadd.s32 $0xFFFFD800  }
0x1b: {  	[tilespmem:s20], [sflag:$0x2] =	stream.linear.gather [hbm4b:s5+s3], $0x2800, $0x38;
	[tilespmem:$0x19200] =	vst v63  }
0x1c: {  	s4 =	stileid.u32;
	_ =	swait.ge [sflag:s19], $0x2800  }
0x1d: {  	s0 =	sshll.u32 s4, $0x6;
	[sflag:s19] =	ssyncset.done $0x0  }
0x1e: {  	s29 =	sshrl.u32 s6, $0x3;
	s28 =	sor.u32 $0x1C02, s0;
	[sflag:s19] =	ssyncadd.s32 $0xFFFFD800  }
0x1f: {  	[spmem:s29], [sflag:s28] =	dma.local [hbm:s7], $0x2800  }
0x20: {  	_ =	swait.ge [sflag:s19], $0x2800  }
0x21: {  	[sflag:s19] =	ssyncset.done $0x0  }
0x22: {  	[sflag:s19] =	ssyncadd.s32 $0xFFFFD800  }
0x23: {  	[bflag:$0x0] =	sbarrier.arrive $0xFFFF  }
0x24: {  	[tilespmem:s3], [sflag:$0x2] =	stream.linear.gather [hbm4b:s8+s3], $0x50, $0x38;
	[tilespmem:$0x19200] =	vst v63  }
0x25: {  	_ =	swait.ge [sflag:s19], $0x50  }
0x26: {  	[sflag:s19] =	ssyncset.done $0x0  }
0x27: {  	[sflag:s19] =	ssyncadd.s32 $0xFFFFFFB0  }
0x28: {  	[tilespmem:s21], [sflag:$0x2] =	stream.linear.gather [hbm4b:s9+s3], $0x50, $0x38;
	[tilespmem:$0x19200] =	vst v63  }
0x29: {  	_ =	swait.ge [sflag:s19], $0x50  }
0x2a: {  	[sflag:s19] =	ssyncset.done $0x0  }
0x2b: {  	s1 =	sadd.s32 $0x0, s17;
	[sflag:s19] =	ssyncadd.s32 $0xFFFFFFB0  }
0x2c: {  	[tilespmem:s22], [sflag:$0x2] =	stream.linear.gather [hbm4b:s1+s3], $0x50, $0x38;
	[tilespmem:$0x19200] =	vst v63  }
0x2d: {  	_ =	swait.ge [sflag:s19], $0x50  }
0x2e: {  	[sflag:s19] =	ssyncset.done $0x0  }
0x2f: {  	s4 =	sadd.s32 $0x0, s16;
	[sflag:s19] =	ssyncadd.s32 $0xFFFFFFB0  }
0x30: {  	[tilespmem:s23], [sflag:$0x2] =	stream.linear.gather [hbm4b:s4+s3], $0x50, $0x38;
	[tilespmem:$0x19200] =	vst v63  }
0x31: {  	_ =	swait.ge [sflag:s19], $0x50  }
0x32: {  	[sflag:s19] =	ssyncset.done $0x0  }
0x33: {  	[sflag:s19] =	ssyncadd.s32 $0xFFFFFFB0  }
0x34: {  	[spmem:s2] =	stream.indirect.scatter.add.f32 [tilespmem:s18], [sflag:$0x1], $0x80, s3, s24, $0xb8;
	[tilespmem:$0x19200] =	vst v63  }
0x35: {  	_ = 	snop  }
0x36: {  	[spmem:s2] =	stream.indirect.scatter.add.f32 [tilespmem:s20], [sflag:$0x2], $0x80, s21, s24, $0xb8;
	[tilespmem:$0x19200] =	vst v63  }
0x37: {  	_ =	swait.ge [sflag:s19], $0x2800  }
0x38: {  	[sflag:s19] =	ssyncset.done $0x0  }
0x39: {  	[sflag:s19] =	ssyncadd.s32 $0xFFFFD800  }
0x3a: {  	_ =	swait.ge [sflag:s25], $0x2800  }
0x3b: {  	[sflag:s25] =	ssyncset.done $0x0  }
0x3c: {  	s1 =	sadd.s32 $0x0, s15;
	[sflag:s25] =	ssyncadd.s32 $0xFFFFD800  }
0x3d: {  	[tilespmem:s3], [sflag:$0x2] =	stream.linear.gather [hbm4b:s1+s3], $0x50, $0x38;
	[tilespmem:$0x19200] =	vst v63  }
0x3e: {  	_ =	swait.ge [sflag:s19], $0x50  }
0x3f: {  	[sflag:s19] =	ssyncset.done $0x0  }
0x40: {  	s4 =	sadd.s32 $0x0, s14;
	[sflag:s19] =	ssyncadd.s32 $0xFFFFFFB0  }
0x41: {  	[tilespmem:s21], [sflag:$0x2] =	stream.linear.gather [hbm4b:s4+s3], $0x50, $0x38;
	[tilespmem:$0x19200] =	vst v63  }
0x42: {  	_ =	swait.ge [sflag:s19], $0x50  }
0x43: {  	[sflag:s19] =	ssyncset.done $0x0  }
0x44: {  	[sflag:s19] =	ssyncadd.s32 $0xFFFFFFB0  }
0x45: {  	[spmem:s2] =	stream.indirect.scatter.add.f32 [tilespmem:s18], [sflag:$0x1], $0x80, s22, s24, $0xb8;
	[tilespmem:$0x19200] =	vst v63  }
0x46: {  	_ = 	snop  }
0x47: {  	[spmem:s2] =	stream.indirect.scatter.add.f32 [tilespmem:s20], [sflag:$0x2], $0x80, s23, s24, $0xb8;
	[tilespmem:$0x19200] =	vst v63  }
0x48: {  	_ =	swait.ge [sflag:s19], $0x2800  }
0x49: {  	[sflag:s19] =	ssyncset.done $0x0  }
0x4a: {  	[sflag:s19] =	ssyncadd.s32 $0xFFFFD800  }
0x4b: {  	_ =	swait.ge [sflag:s25], $0x2800  }
0x4c: {  	s30 =	simm.s32 $0x14;
	s31 =	simm.s32 $0x28;
	[sflag:s25] =	ssyncset.done $0x0  }
.LBB2_2:
0x4d: {  	s1 =	sadd.s32 s30, s17  }
0x4e: {  	[sflag:s25] =	ssyncadd.s32 $0xFFFFD800;
	s4 =	smov.u32 s31;
	s0 =	sadd.s32 $0x14, s31  }
0x4f: {  	[tilespmem:s22], [sflag:$0x2] =	stream.linear.gather [hbm4b:s1+s3], $0x50, $0x38;
	[tilespmem:$0x19200] =	vst v63  }
0x50: {  	p0 =	sne.s32 s31, $0x4D8;
	_ =	swait.ge [sflag:s19], $0x50  }
0x51: {  	[sflag:s19] =	ssyncset.done $0x0  }
0x52: {  	s1 =	sadd.s32 s30, s16;
	[sflag:s19] =	ssyncadd.s32 $0xFFFFFFB0  }
0x53: {  	[tilespmem:s23], [sflag:$0x2] =	stream.linear.gather [hbm4b:s1+s3], $0x50, $0x38;
	[tilespmem:$0x19200] =	vst v63  }
0x54: {  	_ =	swait.ge [sflag:s19], $0x50  }
0x55: {  	[sflag:s19] =	ssyncset.done $0x0  }
0x56: {  	[sflag:s19] =	ssyncadd.s32 $0xFFFFFFB0  }
0x57: {  	[spmem:s2] =	stream.indirect.scatter.add.f32 [tilespmem:s18], [sflag:$0x1], $0x80, s3, s24, $0xb8;
	[tilespmem:$0x19200] =	vst v63  }
0x58: {  	_ = 	snop  }
0x59: {  	[spmem:s2] =	stream.indirect.scatter.add.f32 [tilespmem:s20], [sflag:$0x2], $0x80, s21, s24, $0xb8;
	[tilespmem:$0x19200] =	vst v63  }
0x5a: {  	_ =	swait.ge [sflag:s19], $0x2800  }
0x5b: {  	[sflag:s19] =	ssyncset.done $0x0  }
0x5c: {  	[sflag:s19] =	ssyncadd.s32 $0xFFFFD800  }
0x5d: {  	_ =	swait.ge [sflag:s25], $0x2800  }
0x5e: {  	[sflag:s25] =	ssyncset.done $0x0  }
0x5f: {  	s1 =	sadd.s32 s30, s15;
	[sflag:s25] =	ssyncadd.s32 $0xFFFFD800  }
0x60: {  	[tilespmem:s3], [sflag:$0x2] =	stream.linear.gather [hbm4b:s1+s3], $0x50, $0x38;
	[tilespmem:$0x19200] =	vst v63  }
0x61: {  	_ =	swait.ge [sflag:s19], $0x50  }
0x62: {  	[sflag:s19] =	ssyncset.done $0x0  }
0x63: {  	s1 =	sadd.s32 s30, s14;
	s30 =	smov.u32 s4;
	[sflag:s19] =	ssyncadd.s32 $0xFFFFFFB0  }
0x64: {  	[tilespmem:s21], [sflag:$0x2] =	stream.linear.gather [hbm4b:s1+s3], $0x50, $0x38;
	[tilespmem:$0x19200] =	vst v63  }
0x65: {  	_ =	swait.ge [sflag:s19], $0x50  }
0x66: {  	[sflag:s19] =	ssyncset.done $0x0  }
0x67: {  	[sflag:s19] =	ssyncadd.s32 $0xFFFFFFB0  }
0x68: {  	[spmem:s2] =	stream.indirect.scatter.add.f32 [tilespmem:s18], [sflag:$0x1], $0x80, s22, s24, $0xb8;
	[tilespmem:$0x19200] =	vst v63  }
0x69: {  	_ = 	snop  }
0x6a: {  	[spmem:s2] =	stream.indirect.scatter.add.f32 [tilespmem:s20], [sflag:$0x2], $0x80, s23, s24, $0xb8;
	[tilespmem:$0x19200] =	vst v63  }
.Ltmp0:
0x6b: {  	_ =	swait.ge [sflag:s19], $0x2800;
	(pc) =	sbr.rel @p0 .LBB2_2-.Ltmp0, $4  }
0x6c: {  	[sflag:s19] =	ssyncset.done $0x0  }
0x6d: {  	[sflag:s19] =	ssyncadd.s32 $0xFFFFD800  }
0x6e: {  	_ =	swait.ge [sflag:s25], $0x2800  }
0x6f: {  	s31 =	smov.u32 s0;
	[sflag:s25] =	ssyncset.done $0x0  }
0x70: {  	s0 =	sadd.s32 s30, s17;
	[sflag:s25] =	ssyncadd.s32 $0xFFFFD800  }
0x71: {  	[tilespmem:s22], [sflag:$0x2] =	stream.linear.gather [hbm4b:s0+s3], $0x50, $0x38;
	[tilespmem:$0x19200] =	vst v63  }
0x72: {  	_ =	swait.ge [sflag:s19], $0x50  }
0x73: {  	[sflag:s19] =	ssyncset.done $0x0  }
0x74: {  	s1 =	sadd.s32 s30, s16;
	[sflag:s19] =	ssyncadd.s32 $0xFFFFFFB0  }
0x75: {  	[tilespmem:s23], [sflag:$0x2] =	stream.linear.gather [hbm4b:s1+s3], $0x50, $0x38;
	[tilespmem:$0x19200] =	vst v63  }
0x76: {  	_ =	swait.ge [sflag:s19], $0x50  }
0x77: {  	[sflag:s19] =	ssyncset.done $0x0  }
0x78: {  	[sflag:s19] =	ssyncadd.s32 $0xFFFFFFB0  }
0x79: {  	[spmem:s2] =	stream.indirect.scatter.add.f32 [tilespmem:s18], [sflag:$0x1], $0x80, s3, s24, $0xb8;
	[tilespmem:$0x19200] =	vst v63  }
0x7a: {  	_ = 	snop  }
0x7b: {  	[spmem:s2] =	stream.indirect.scatter.add.f32 [tilespmem:s20], [sflag:$0x2], $0x80, s21, s24, $0xb8;
	[tilespmem:$0x19200] =	vst v63  }
0x7c: {  	_ =	swait.ge [sflag:s19], $0x2800  }
0x7d: {  	[sflag:s19] =	ssyncset.done $0x0  }
0x7e: {  	[sflag:s19] =	ssyncadd.s32 $0xFFFFD800  }
0x7f: {  	_ =	swait.ge [sflag:s25], $0x2800  }
0x80: {  	[sflag:s25] =	ssyncset.done $0x0  }
0x81: {  	s4 =	sadd.s32 s30, s15;
	[sflag:s25] =	ssyncadd.s32 $0xFFFFD800  }
0x82: {  	[tilespmem:s3], [sflag:$0x2] =	stream.linear.gather [hbm4b:s4+s3], $0x50, $0x38;
	[tilespmem:$0x19200] =	vst v63  }
0x83: {  	_ =	swait.ge [sflag:s19], $0x50  }
0x84: {  	[sflag:s19] =	ssyncset.done $0x0  }
0x85: {  	s31 =	sadd.s32 s30, s14;
	[sflag:s19] =	ssyncadd.s32 $0xFFFFFFB0  }
0x86: {  	[tilespmem:s21], [sflag:$0x2] =	stream.linear.gather [hbm4b:s31+s3], $0x50, $0x38;
	[tilespmem:$0x19200] =	vst v63  }
0x87: {  	_ =	swait.ge [sflag:s19], $0x50  }
0x88: {  	[sflag:s19] =	ssyncset.done $0x0  }
0x89: {  	[sflag:s19] =	ssyncadd.s32 $0xFFFFFFB0  }
0x8a: {  	[spmem:s2] =	stream.indirect.scatter.add.f32 [tilespmem:s18], [sflag:$0x1], $0x80, s22, s24, $0xb8;
	[tilespmem:$0x19200] =	vst v63  }
0x8b: {  	_ = 	snop  }
0x8c: {  	[spmem:s2] =	stream.indirect.scatter.add.f32 [tilespmem:s20], [sflag:$0x2], $0x80, s23, s24, $0xb8;
	[tilespmem:$0x19200] =	vst v63  }
0x8d: {  	_ =	swait.ge [sflag:s19], $0x2800  }
0x8e: {  	[sflag:s19] =	ssyncset.done $0x0  }
0x8f: {  	[sflag:s19] =	ssyncadd.s32 $0xFFFFD800  }
0x90: {  	_ =	swait.ge [sflag:s25], $0x2800  }
0x91: {  	[sflag:s25] =	ssyncset.done $0x0  }
0x92: {  	[sflag:s25] =	ssyncadd.s32 $0xFFFFD800  }
0x93: {  	[tilespmem:s22], [sflag:$0x2] =	stream.linear.gather [hbm4b:s10+s3], $0x50, $0x38;
	[tilespmem:$0x19200] =	vst v63  }
0x94: {  	_ =	swait.ge [sflag:s19], $0x50  }
0x95: {  	[sflag:s19] =	ssyncset.done $0x0  }
0x96: {  	[sflag:s19] =	ssyncadd.s32 $0xFFFFFFB0  }
0x97: {  	[tilespmem:s23], [sflag:$0x2] =	stream.linear.gather [hbm4b:s11+s3], $0x50, $0x38;
	[tilespmem:$0x19200] =	vst v63  }
0x98: {  	_ =	swait.ge [sflag:s19], $0x50  }
0x99: {  	[sflag:s19] =	ssyncset.done $0x0  }
0x9a: {  	[sflag:s19] =	ssyncadd.s32 $0xFFFFFFB0  }
0x9b: {  	[spmem:s2] =	stream.indirect.scatter.add.f32 [tilespmem:s18], [sflag:$0x1], $0x80, s3, s24, $0xb8;
	[tilespmem:$0x19200] =	vst v63  }
0x9c: {  	_ = 	snop  }
0x9d: {  	[spmem:s2] =	stream.indirect.scatter.add.f32 [tilespmem:s20], [sflag:$0x2], $0x80, s21, s24, $0xb8;
	[tilespmem:$0x19200] =	vst v63  }
0x9e: {  	_ =	swait.ge [sflag:s19], $0x2800  }
0x9f: {  	[sflag:s19] =	ssyncset.done $0x0  }
0xa0: {  	[sflag:s19] =	ssyncadd.s32 $0xFFFFD800  }
0xa1: {  	_ =	swait.ge [sflag:s25], $0x2800  }
0xa2: {  	[sflag:s25] =	ssyncset.done $0x0  }
0xa3: {  	[sflag:s25] =	ssyncadd.s32 $0xFFFFD800  }
0xa4: {  	[spmem:s2] =	stream.indirect.scatter.add.f32 [tilespmem:s18], [sflag:$0x1], $0x80, s22, s24, $0xb8;
	[tilespmem:$0x19200] =	vst v63  }
0xa5: {  	_ = 	snop  }
0xa6: {  	[spmem:s2] =	stream.indirect.scatter.add.f32 [tilespmem:s20], [sflag:$0x2], $0x80, s23, s24, $0xb8;
	[tilespmem:$0x19200] =	vst v63  }
0xa7: {  	_ =	swait.ge [sflag:s19], $0x2800  }
0xa8: {  	[sflag:s19] =	ssyncset.done $0x0  }
0xa9: {  	[sflag:s19] =	ssyncadd.s32 $0xFFFFD800  }
0xaa: {  	_ =	swait.ge [sflag:s25], $0x2800  }
0xab: {  	s26 =	sadd.s32 $0x1, s26;
	[sflag:s25] =	ssyncset.done $0x0  }
0xac: {  	p0 =	sne.s32 s26, s13;
	[sflag:s25] =	ssyncadd.s32 $0xFFFFD800  }
.Ltmp1:
0xad: {  	[bflag:$0x0] =	sbarrier.arrive $0xFFFF;
	(pc) =	sbr.rel @p0 .LBB2_1-.Ltmp1, $4  }
0xae: {  	[hbm:s12], [sflag:s28] =	dma.local [spmem:s29], $0x2800  }
0xaf: {  	_ =	swait.ge [sflag:s19], $0x2800  }
0xb0: {  	[sflag:s19] =	ssyncset.done $0x0  }
0xb1: {  	[sflag:s19] =	ssyncadd.s32 $0xFFFFD800  }
0xb2: {  	_ =	sfence.sel $0x180000  }
0xb3: {  	[bflag:$0x0] =	sbarrier.arrive $0xFFFF  }
0xb4: {  	_ =	strace $0x90000047  }
0xb5: {  	s0 =	stileid.u32;
	[bflag:$0x2] =	sbarrier.arrive $0xFFFF  }
0xb6: {  	p0 =	sne.s32 s0, $0x0;
	s0 =	rddreg [dreg:$0x3]  }
0xb7: {  	s0 =	sadd.s32 @!p0 $0x100000, s0  }
0xb8: {  	[sflag:s0] =	ssyncadd.tile.s32 @!p0 $0x1;
	_ =	shalt  }
.Lfunc_end2:
_tile_overlayer_lowered:
.L_overlay_start_2:
0xb9: {  	(tag) =	ssettag $0x2  }
0xba: {  	s0 =	rddreg [dreg:$0x0];
	s2 =	stileid.u32  }
0xbb: {  	s1 =	rddreg [dreg:$0x1];
	p0 =	sne.s32 s2, $0x0  }
0xbc: {  	s3 =	rddreg [dreg:$0x2];
	[bflag:$0x3] =	sbarrier.arrive $0xFFFF;
	s2 =	simm.s32 @!p0 $0x1C02  }
0xbd: {  	[timem:s3], [sflag:s2] =	dma.local @!p0 [hbm:s0], s1  }
0xbe: {  	s0 =	simm.s32 @!p0 $0x2  }
0xbf: {  	_ =	swait.ge @!p0 [sflag:s0], s1  }
0xc0: {  	s1 =	ssub.s32 @!p0 $0x0, s1;
	[sflag:s0] =	ssyncset.done @!p0 $0x0  }
0xc1: {  	[sflag:s0] =	ssyncadd.s32 @!p0 s1  }
0xc2: {  	[bflag:$0x3] =	sbarrier.arrive $0xFFFF  }
0xc3: {  	_ =	shalt  }

// kernel: kernel.15.cloned.1.call-start
scs
__scs_entry_jumppad:
0x0: {  	(pc) =	sbr.rel $0x88, $3  }
0x1: {  	(tag) =	ssettag $0x0;
	lr =	simm.s32 $0x1  }
0x2: {  	[smem:$0x3F93] =	sst lr;
	_ =	strace $0xD0000000  }
0x3: {  	_ = 	snop  }
0x4: {  	_ = 	snop  }
0x5: {  	_ = 	snop  }
0x6: {  	_ = 	snop  }
0x7: {  	_ = 	snop  }
__scs_overlays_trampoline_lowered:
0x8: {  	[smem:$0x3FA2] =	sst s0  }
0x9: {  	[smem:$0x3FA3] =	sst s1  }
0xa: {  	[smem:$0x3FA4] =	sst s2  }
0xb: {  	[smem:$0x3FA5] =	sst s3  }
0xc: {  	[smem:$0x3FA6] =	sst s4  }
0xd: {  	[smem:$0x3FA7] =	sst s5  }
0xe: {  	[smem:$0x3FA8] =	sst s6  }
0xf: {  	[smem:$0x3FA9] =	sst s7  }
0x10: {  	[smem:$0x3FAA] =	sst s8  }
0x11: {  	[smem:$0x3FAB] =	sst s9;
	s0 =	simm.s32 @!p0 $0x0  }
0x12: {  	s1 =	sld [smem:$0x3F91];
	s0 =	simm.s32 @p0 $0x1  }
0x13: {  	[smem:$0x3FAC] =	sst s0;
	s0 =	simm.s32 @!p1 $0x0  }
0x14: {  	s2 =	sld [smem:$0x3F90];
	s0 =	simm.s32 @p1 $0x1  }
0x15: {  	[smem:$0x3FAD] =	sst s0;
	s0 =	simm.s32 @!p2 $0x0  }
0x16: {  	s3 =	sld [smem:$0x3FDB];
	s0 =	simm.s32 @p2 $0x1  }
0x17: {  	s4 =	simm.s32 $0x1BF5;
	[smem:$0x3FAF] =	sst s0  }
0x18: {  	s0 =	sld [smem:$0x3F92];
	_ =	swait.ge [sflag:s4], $0x0  }
0x19: {  	s7 =	sld [smem:$0x3F93]  }
0x1a: {  	s8 =	sadd.s32 $0xFFFFE003, lr  }
0x1b: {  	s9 =	sadd.s32 $0xFFFFFEF7, lr;
	s5 =	simm.s32 $0xFFFFFFFF;
	p2 =	slt.u32 s8, $0xFFFFF086  }
0x1c: {  	p1 =	slt.u32 s9, $0xF7A;
	s5 =	simm.s32 @!p2 $0x0  }
0x1d: {  	s5 =	simm.s32 @p1 $0x1;
	p0 =	seq.s32 s7, s2  }
0x1e: {  	s7 =	smul.u32 @!p0 $0xF7A, s2;
	p2 =	seq.s32 @!p0 s5, $0x0  }
0x1f: {  	s9 =	smul.u32 $0xF7A, s1;
	s8 =	simm.s32 @!p0 $0x1BF5;
	p2 =	por !p2, p0  }
0x20: {  	[sflag:s8] =	ssyncset.s32 @!p0 $0xFFFFF086;
	s6 =	sadd.s32 @!p0 s3, s7;
	s7 =	simm.s32 @!p0 $0x108  }
0x21: {  	s3 =	sadd.s32 s3, s9;
	s6 =	sadd.s32 @!p0 $0x88, s6;
	s7 =	simm.s32 @p2 $0x1082  }
0x22: {  	[simem:s7], [sflag:s8] =	dma.local @!p0 [hbm:s6], $0xF7A  }
0x23: {  	s9 =	sor.u32 $0xD0000000, s2;
	s6 =	simm.s32 $0x108;
	_ =	swait.ge @!p0 [sflag:s8], $0x0  }
0x24: {  	s3 =	sadd.s32 $0x88, s3;
	s6 =	simm.s32 @!p1 $0x1082;
	[sflag:s4] =	ssyncset.s32 $0xFFFFF086  }
0x25: {  	[simem:s6], [sflag:s4] =	dma.local [hbm:s3], $0xF7A  }
0x26: {  	[smem:$0x3F93] =	sst s1;
	(tag) =	ssettag s2;
	_ =	strace s9  }
0x27: {  	s1 =	sld [smem:$0x3FA3]  }
0x28: {  	s2 =	sld [smem:$0x3FA4]  }
0x29: {  	s4 =	sld [smem:$0x3FA6]  }
0x2a: {  	p0 =	seq.s32 s5, $0x0;
	s5 =	sld [smem:$0x3FA7]  }
0x2b: {  	s6 =	sld [smem:$0x3FA8]  }
0x2c: {  	s7 =	sld [smem:$0x3FA9]  }
0x2d: {  	s3 =	simm.s32 $0x108;
	s8 =	sld [smem:$0x3FAA]  }
0x2e: {  	s3 =	simm.s32 @!p0 $0x1082;
	s9 =	sld [smem:$0x3FAB]  }
0x2f: {  	lr =	sadd.s32 s0, s3;
	s0 =	sld [smem:$0x3FA2]  }
0x30: {  	s3 =	sld [smem:$0x3FA5]  }
0x31: {  	[smem:$0x3FAE] =	sst s10  }
0x32: {  	s10 =	sld [smem:$0x3FAC];
	_ =	sdelay $0x3  }
0x33: {  	p0 =	seq.s32 s10, $0x1;
	s10 =	sld [smem:$0x3FAE];
	_ =	sdelay $0x3  }
0x34: {  	[smem:$0x3FAE] =	sst s10  }
0x35: {  	s10 =	sld [smem:$0x3FAD];
	_ =	sdelay $0x3  }
0x36: {  	p1 =	seq.s32 s10, $0x1;
	s10 =	sld [smem:$0x3FAE];
	_ =	sdelay $0x3  }
0x37: {  	[smem:$0x3FAE] =	sst s10  }
0x38: {  	s10 =	sld [smem:$0x3FAF]  }
0x39: {  	_ = 	snop;
	(pc) =	sbr.ind lr, $3  }
0x3a: {  	_ = 	snop  }
0x3b: {  	_ = 	snop  }
0x3c: {  	p2 =	seq.s32 s10, $0x1;
	s10 =	sld [smem:$0x3FAE]  }
0x3d: {  	_ =	shalt  }
0x3e: {  	_ =	shalt  }
0x3f: {  	_ =	shalt  }
0x40: {  	_ =	shalt  }
0x41: {  	_ =	shalt  }
0x42: {  	_ =	shalt  }
0x43: {  	_ =	shalt  }
0x44: {  	_ =	shalt  }
0x45: {  	_ =	shalt  }
0x46: {  	_ =	shalt  }
0x47: {  	_ =	shalt  }
0x48: {  	_ =	shalt  }
0x49: {  	_ =	shalt  }
0x4a: {  	_ =	shalt  }
0x4b: {  	_ =	shalt  }
0x4c: {  	_ =	shalt  }
0x4d: {  	_ =	shalt  }
0x4e: {  	_ =	shalt  }
0x4f: {  	_ =	shalt  }
0x50: {  	_ =	shalt  }
0x51: {  	_ =	shalt  }
0x52: {  	_ =	shalt  }
0x53: {  	_ =	shalt  }
0x54: {  	_ =	shalt  }
0x55: {  	_ =	shalt  }
0x56: {  	_ =	shalt  }
0x57: {  	_ =	shalt  }
0x58: {  	_ =	shalt  }
0x59: {  	_ =	shalt  }
0x5a: {  	_ =	shalt  }
0x5b: {  	_ =	shalt  }
0x5c: {  	_ =	shalt  }
0x5d: {  	_ =	shalt  }
0x5e: {  	_ =	shalt  }
0x5f: {  	_ =	shalt  }
0x60: {  	_ =	shalt  }
0x61: {  	_ =	shalt  }
0x62: {  	_ =	shalt  }
0x63: {  	_ =	shalt  }
0x64: {  	_ =	shalt  }
0x65: {  	_ =	shalt  }
0x66: {  	_ =	shalt  }
0x67: {  	_ =	shalt  }
0x68: {  	_ =	shalt  }
0x69: {  	_ =	shalt  }
0x6a: {  	_ =	shalt  }
0x6b: {  	_ =	shalt  }
0x6c: {  	_ =	shalt  }
0x6d: {  	_ =	shalt  }
0x6e: {  	_ =	shalt  }
0x6f: {  	_ =	shalt  }
0x70: {  	_ =	shalt  }
0x71: {  	_ =	shalt  }
0x72: {  	_ =	shalt  }
0x73: {  	_ =	shalt  }
0x74: {  	_ =	shalt  }
0x75: {  	_ =	shalt  }
0x76: {  	_ =	shalt  }
0x77: {  	_ =	shalt  }
0x78: {  	_ =	shalt  }
0x79: {  	_ =	shalt  }
0x7a: {  	_ =	shalt  }
0x7b: {  	_ =	shalt  }
0x7c: {  	_ =	shalt  }
0x7d: {  	_ =	shalt  }
0x7e: {  	_ =	shalt  }
0x7f: {  	_ =	shalt  }
0x80: {  	_ =	shalt  }
0x81: {  	_ =	shalt  }
0x82: {  	_ =	shalt  }
0x83: {  	_ =	shalt  }
0x84: {  	_ =	shalt  }
0x85: {  	_ =	shalt  }
0x86: {  	_ =	shalt  }
0x87: {  	_ =	shalt  }
.Lfunc_end0:
.L_simem_size_0:
called_computation.1_lowered:
.L_overlay_start_0:
0x88: {  	s2 =	sld [smem:$0x3FD9]  }
0x89: {  	s3 =	sld [smem:$0x3FFE];
	_ =	sdelay $0x1  }
0x8a: {  	s1 =	srdreg.scid  }
0x8b: {  	s0 =	sand.u32 $0x1, s1  }
0x8c: {  	s17 =	sshll.u32 s0, $0xA;
	s2 =	sadd.s32 s3, s2  }
0x8d: {  	s2 =	sadd.s32 s2, s17  }
0x8e: {  	[smem:$0x3FBA] =	sst s2  }
0x8f: {  	_ = 	snop  }
0x90: {  	s2 =	sld [smem:$0x3FD0];
	(tm) =	ssettm $0x1  }
0x91: {  	s18 =	sld [smem:$0x3FFB];
	_ =	sdelay $0x3  }
0x92: {  	_ =	strace s18  }
0x93: {  	s3 =	sld [smem:$0x3FFC];
	_ =	sdelay $0x3  }
0x94: {  	_ =	strace s3  }
0x95: {  	s3 =	sld [smem:$0x3FFD];
	_ =	sdelay $0x3  }
0x96: {  	_ =	strace s3  }
0x97: {  	_ =	strace $0x8FFFFFFF  }
0x98: {  	s19 =	sld [smem:$0x3FDB];
	_ =	sdelay $0x1  }
0x99: {  	s4 =	simm.s32 $_scs_section_size  }
0x9a: {  	s5 =	simm.s32 $_size__tile_overlayer_lowered;
	s6 =	simm.s32 $_tile_overlayer_lowered  }
0x9b: {  	s22 =	simm.s32 $0x1BFF;
	s21 =	sshll.u32 s6, $0x1;
	s3 =	sadd.s32 s4, s19  }
0x9c: {  	s7 =	simm.s32 $0x0;
	s20 =	sshll.u32 s5, $0x1;
	s5 =	sadd.s32 s21, s3  }
0x9d: {  	[timem:s7], [sflag:s22] =	dma.local [hbm:s5], s20  }
0x9e: {  	_ =	swait.ge [sflag:s22], s20  }
0x9f: {  	s4 =	ssub.s32 $0x0, s20;
	[sflag:s22] =	ssyncset.done $0x0  }
0xa0: {  	[sflag:s22] =	ssyncadd.s32 s4;
	_ =	sdelay $0x1  }
0xa1: {  	s23 =	simm.s32 $0x1B8B  }
0xa2: {  	_ =	swait.ge [sflag:s23], $0x1  }
0xa3: {  	[sflag:s23] =	ssyncset.done $0x0  }
0xa4: {  	s25 =	simm.s32 $0x1B8E;
	s24 =	sld [smem:$0x3FFE];
	[sflag:s23] =	ssyncadd.s32 $0xFFFFFFFF  }
0xa5: {  	s26 =	simm.s32 $execute0_lowered;
	[smem:$0x3FD2] =	sst s25  }
0xa6: {  	s5 =	sshll.u32 s26, $0x1;
	_ =	strace $0x80000049;
	[dreg:$0x1] =	wrdreg $0xFFFFFFFF  }
0xa7: {  	s28 =	simm.s32 $_size_execute0_lowered;
	s3 =	sadd.s32 s3, s5;
	[dreg:$0x0] =	wrdreg $0x0  }
0xa8: {  	s5 =	sshll.u32 s28, $0x1;
	[dreg:$0x2] =	wrdreg s3  }
0xa9: {  	[dreg:$0x3] =	wrdreg s5  }
0xaa: {  	[dreg:$0x4] =	wrdreg $0xC0  }
0xab: {  	_ =	task [dreg:s7], $0x5FFFF  }
0xac: {  	[dreg:$0x1] =	wrdreg $0xFFFFFFFF  }
0xad: {  	[dreg:$0x0] =	wrdreg $0x60  }
0xae: {  	[dreg:$0x2] =	wrdreg s24  }
0xaf: {  	[dreg:$0x3] =	wrdreg s2  }
0xb0: {  	[dreg:$0x4] =	wrdreg $0x52000  }
0xb1: {  	[dreg:$0x5] =	wrdreg $0x9  }
0xb2: {  	_ =	task.clear_ibuf [dreg:s7], $0x6FFFF;
	_ =	strace $0x90000049  }
0xb3: {  	s29 =	simm.s32 $0x9;
	_ =	strace $0x8000004B  }
0xb4: {  	_ =	swait.ge [sflag:s29], $0x1  }
0xb5: {  	[sflag:s29] =	ssyncadd.s32 $0xFFFFFFFF  }
0xb6: {  	_ =	strace $0x9000004B  }
0xb7: {  	_ =	sfence  }
0xb8: {  	s30 =	sld [smem:$0x0];
	_ =	sdelay $0x2  }
0xb9: {  	s31 =	sshll.u32 s1, $0xD;
	s1 =	sshrl.u32 s1, $0x2  }
0xba: {  	s3 =	sand.u32 $0x4000, s31;
	s1 =	sadd.s32 s1, s30  }
0xbb: {  	s0 =	sor.u32 s3, s0;
	s1 =	sshll.u32 s1, $0x11  }
0xbc: {  	s0 =	sor.u32 s1, s0  }
0xbd: {  	s0 =	sadd.s32 $0x8F2B, s0  }
0xbe: {  	[sflag:s0] =	ssyncadd.remote.s32 $0x1  }
0xbf: {  	_ =	sfence.sel $0xFFFF  }
0xc0: {  	[dreg:$0x0] =	wrdreg $0xFFFFFFFF;
	(pc) =	sbr.abs _section_cstart, $3  }
0xc1: {  	[dreg:$0x1] =	wrdreg $0xFFFFFFFF  }
0xc2: {  	_ =	task.clear_ibuf [dreg:s7], $0x2FFFF;
	_ =	strace $0x9FFFFFFF  }
0xc3: {  	(tm) =	ssettm $0x7FFFFFFF  }
tec
execute0_lowered:
.L_overlay_start_1:
0x0: {  	(tag) =	ssettag $0x1  }
0x1: {  	s5 =	rddreg [dreg:$0x0]  }
0x2: {  	s15 =	rddreg [dreg:$0x1]  }
0x3: {  	s2 =	rddreg [dreg:$0x2]  }
0x4: {  	s0 =	rddreg [dreg:$0x3]  }
0x5: {  	s1 =	stileid.u32;
	s4 =	srdreg.scid;
	s3 =	simm.s32 $0x0  }
0x6: {  	s19 =	simm.s32 $0x80;
	s20 =	simm.s32 $0x50;
	s21 =	simm.s32 $0x200  }
0x7: {  	s22 =	simm.s32 $0x100;
	s28 =	simm.s32 $0x0;
	s6 =	smul.u32 $0x14000, s1  }
0x8: {  	s7 =	sand.u32 $0x1, s4;
	[smem:$0x7FF] =	sst s3;
	s24 =	smul.u32 $0x50000, s1  }
0x9: {  	s4 =	sadd.s32 $0x36400, s5;
	s16 =	sadd.s32 $0x3800, s5;
	s14 =	smul.u32 $0x2800, s1  }
0xa: {  	s30 =	sshll.u32 s1, $0x6;
	s8 =	smul.u32 $0x140000, s7;
	_ =	strace $0x8000004A  }
0xb: {  	s25 =	ssub.s32 $0x2, s7;
	s26 =	sshll.u32 s7, $0x4;
	s13 =	smul.u32 $0x28000, s7  }
0xc: {  	s9 =	sshrl.u32 s6, $0x3;
	s10 =	sshrl.u32 s25, $0x1;
	s6 =	sadd.s32 s6, s8  }
0xd: {  	s23 =	sadd.s32 s9, s5;
	s9 =	sshrl.u32 s24, $0x2;
	s12 =	ssub.s32 s25, s10  }
0xe: {  	s13 =	sadd.s32 s14, s13;
	s24 =	simm.s32 $0x1;
	s25 =	simm.s32 $0x2A00  }
0xf: {  	s6 =	sshrl.u32 s6, $0x3;
	s17 =	sadd.s32 s9, s2;
	s14 =	sor.u32 $0xA0, s13  }
0x10: {  	s13 =	sor.u32 $0x50, s13;
	s12 =	smax.u32 s12, $0x1;
	s11 =	sadd.s32 s6, s5  }
0x11: {  	s6 =	sor.u32 s1, s26;
	s5 =	sadd.s32 $0xE400, s23;
	s14 =	sshrl.u32 s14, $0x3  }
0x12: {  	s18 =	sshrl.u32 s13, $0x3;
	s17 =	sshrl.u32 s17, $0x3;
	s29 =	smul.u32 $0x2800, s6  }
0x13: {  	s23 =	simm.s32 $0x180;
	s26 =	simm.s32 $0x2;
	s6 =	sor.u32 $0x1C03, s30  }
0x14: {  	s11 =	sadd.s32 $0x5E400, s11;
	s13 =	sadd.s32 s14, s15;
	s31 =	sshrl.u32 s29, $0x3  }
0x15: {  	s14 =	sadd.s32 s14, s16;
	s7 =	sadd.s32 s16, s31;
	s10 =	sadd.s32 $0x4F6, s31  }
0x16: {  	s8 =	sadd.s32 s15, s31;
	s9 =	sadd.s32 s16, s10;
	s10 =	sadd.s32 s15, s10  }
0x17: {  	s15 =	sadd.s32 s18, s15;
	s16 =	sadd.s32 s18, s16;
	s18 =	simm.s32 $0x3  }
.LBB2_1:
0x18: {  	[spmem:s17], [sflag:s6] =	dma.local [hbm:s5], $0x2800  }
0x19: {  	_ =	swait.ge [sflag:s18], $0x2800  }
0x1a: {  	[sflag:s18] =	ssyncset.done $0x0  }
0x1b: {  	[sflag:s18] =	ssyncadd.s32 $0xFFFFD800  }
0x1c: {  	[bflag:$0x0] =	sbarrier.arrive $0xFFFF  }
0x1d: {  	[tilespmem:s3], [sflag:$0x3] =	stream.linear.gather [hbm4b:s7+s3], $0x50, $0x38;
	[tilespmem:$0x19200] =	vst v63  }
0x1e: {  	_ =	swait.ge [sflag:s18], $0x50  }
0x1f: {  	[sflag:s18] =	ssyncset.done $0x0  }
0x20: {  	[sflag:s18] =	ssyncadd.s32 $0xFFFFFFB0  }
0x21: {  	[tilespmem:s19], [sflag:$0x3] =	stream.linear.gather [hbm4b:s8+s3], $0x50, $0x38;
	[tilespmem:$0x19200] =	vst v63  }
0x22: {  	_ =	swait.ge [sflag:s18], $0x50  }
0x23: {  	[sflag:s18] =	ssyncset.done $0x0  }
0x24: {  	[sflag:s18] =	ssyncadd.s32 $0xFFFFFFB0  }
0x25: {  	[tilespmem:s21], [sflag:$0x1] =	stream.indirect.gather [hbm4b:s4+s20], $0x80, s3, s20, $0xb8;
	[tilespmem:$0x19200] =	vst v63  }
0x26: {  	s29 =	sadd.s32 $0x0, s16  }
0x27: {  	[tilespmem:s22], [sflag:$0x3] =	stream.linear.gather [hbm4b:s29+s3], $0x50, $0x38;
	[tilespmem:$0x19200] =	vst v63  }
0x28: {  	_ =	swait.ge [sflag:s18], $0x50  }
0x29: {  	[sflag:s18] =	ssyncset.done $0x0  }
0x2a: {  	s29 =	sadd.s32 $0x0, s15;
	[sflag:s18] =	ssyncadd.s32 $0xFFFFFFB0  }
0x2b: {  	[tilespmem:s23], [sflag:$0x3] =	stream.linear.gather [hbm4b:s29+s3], $0x50, $0x38;
	[tilespmem:$0x19200] =	vst v63  }
0x2c: {  	_ =	swait.ge [sflag:s18], $0x50  }
0x2d: {  	[sflag:s18] =	ssyncset.done $0x0  }
0x2e: {  	[sflag:s18] =	ssyncadd.s32 $0xFFFFFFB0  }
0x2f: {  	_ =	swait.ge [sflag:s24], $0x2800  }
0x30: {  	[sflag:s24] =	ssyncset.done $0x0  }
0x31: {  	[sflag:s24] =	ssyncadd.s32 $0xFFFFD800  }
0x32: {  	[tilespmem:s25], [sflag:$0x2] =	stream.indirect.gather [hbm4b:s4+s20], $0x80, s22, s20, $0xb8;
	[tilespmem:$0x19200] =	vst v63  }
0x33: {  	_ = 	snop  }
0x34: {  	[spmem:s2] =	stream.indirect.scatter.add.f32 [tilespmem:s21], [sflag:$0x3], $0x80, s19, s20, $0xb8;
	[tilespmem:$0x19200] =	vst v63  }
0x35: {  	_ =	swait.ge [sflag:s18], $0x2800  }
0x36: {  	[sflag:s18] =	ssyncset.done $0x0  }
0x37: {  	s29 =	sadd.s32 $0x0, s14;
	[sflag:s18] =	ssyncadd.s32 $0xFFFFD800  }
0x38: {  	[tilespmem:s3], [sflag:$0x3] =	stream.linear.gather [hbm4b:s29+s3], $0x50, $0x38;
	[tilespmem:$0x19200] =	vst v63  }
0x39: {  	_ =	swait.ge [sflag:s18], $0x50  }
0x3a: {  	[sflag:s18] =	ssyncset.done $0x0  }
0x3b: {  	s29 =	sadd.s32 $0x0, s13;
	[sflag:s18] =	ssyncadd.s32 $0xFFFFFFB0  }
0x3c: {  	[tilespmem:s19], [sflag:$0x3] =	stream.linear.gather [hbm4b:s29+s3], $0x50, $0x38;
	[tilespmem:$0x19200] =	vst v63  }
0x3d: {  	_ =	swait.ge [sflag:s18], $0x50  }
0x3e: {  	[sflag:s18] =	ssyncset.done $0x0  }
0x3f: {  	[sflag:s18] =	ssyncadd.s32 $0xFFFFFFB0  }
0x40: {  	_ =	swait.ge [sflag:s26], $0x2800  }
0x41: {  	[sflag:s26] =	ssyncset.done $0x0  }
0x42: {  	[sflag:s26] =	ssyncadd.s32 $0xFFFFD800  }
0x43: {  	[tilespmem:s21], [sflag:$0x1] =	stream.indirect.gather [hbm4b:s4+s20], $0x80, s3, s20, $0xb8;
	[tilespmem:$0x19200] =	vst v63  }
0x44: {  	_ = 	snop  }
0x45: {  	[spmem:s2] =	stream.indirect.scatter.add.f32 [tilespmem:s25], [sflag:$0x3], $0x80, s23, s20, $0xb8;
	[tilespmem:$0x19200] =	vst v63  }
0x46: {  	_ =	swait.ge [sflag:s18], $0x2800  }
0x47: {  	s29 =	simm.s32 $0x14;
	[sflag:s18] =	ssyncset.done $0x0  }
.LBB2_2:
0x48: {  	p0 =	sne.s32 s29, $0x4D8  }
0x49: {  	[sflag:s18] =	ssyncadd.s32 $0xFFFFD800;
	s30 =	smov.u32 s29;
	s29 =	sadd.s32 $0x14, s29  }
0x4a: {  	s31 =	sadd.s32 s30, s16  }
0x4b: {  	[tilespmem:s22], [sflag:$0x3] =	stream.linear.gather [hbm4b:s31+s3], $0x50, $0x38;
	[tilespmem:$0x19200] =	vst v63  }
0x4c: {  	_ =	swait.ge [sflag:s18], $0x50  }
0x4d: {  	[sflag:s18] =	ssyncset.done $0x0  }
0x4e: {  	s31 =	sadd.s32 s30, s15;
	[sflag:s18] =	ssyncadd.s32 $0xFFFFFFB0  }
0x4f: {  	[tilespmem:s23], [sflag:$0x3] =	stream.linear.gather [hbm4b:s31+s3], $0x50, $0x38;
	[tilespmem:$0x19200] =	vst v63  }
0x50: {  	_ =	swait.ge [sflag:s18], $0x50  }
0x51: {  	[sflag:s18] =	ssyncset.done $0x0  }
0x52: {  	[sflag:s18] =	ssyncadd.s32 $0xFFFFFFB0  }
0x53: {  	_ =	swait.ge [sflag:s24], $0x2800  }
0x54: {  	[sflag:s24] =	ssyncset.done $0x0  }
0x55: {  	[sflag:s24] =	ssyncadd.s32 $0xFFFFD800  }
0x56: {  	[tilespmem:s25], [sflag:$0x2] =	stream.indirect.gather [hbm4b:s4+s20], $0x80, s22, s20, $0xb8;
	[tilespmem:$0x19200] =	vst v63  }
0x57: {  	_ = 	snop  }
0x58: {  	[spmem:s2] =	stream.indirect.scatter.add.f32 [tilespmem:s21], [sflag:$0x3], $0x80, s19, s20, $0xb8;
	[tilespmem:$0x19200] =	vst v63  }
0x59: {  	_ =	swait.ge [sflag:s18], $0x2800  }
0x5a: {  	[sflag:s18] =	ssyncset.done $0x0  }
0x5b: {  	s31 =	sadd.s32 s30, s14;
	[sflag:s18] =	ssyncadd.s32 $0xFFFFD800  }
0x5c: {  	[tilespmem:s3], [sflag:$0x3] =	stream.linear.gather [hbm4b:s31+s3], $0x50, $0x38;
	[tilespmem:$0x19200] =	vst v63  }
0x5d: {  	_ =	swait.ge [sflag:s18], $0x50  }
0x5e: {  	[sflag:s18] =	ssyncset.done $0x0  }
0x5f: {  	s30 =	sadd.s32 s30, s13;
	[sflag:s18] =	ssyncadd.s32 $0xFFFFFFB0  }
0x60: {  	[tilespmem:s19], [sflag:$0x3] =	stream.linear.gather [hbm4b:s30+s3], $0x50, $0x38;
	[tilespmem:$0x19200] =	vst v63  }
0x61: {  	_ =	swait.ge [sflag:s18], $0x50  }
0x62: {  	[sflag:s18] =	ssyncset.done $0x0  }
0x63: {  	[sflag:s18] =	ssyncadd.s32 $0xFFFFFFB0  }
0x64: {  	_ =	swait.ge [sflag:s26], $0x2800  }
0x65: {  	[sflag:s26] =	ssyncset.done $0x0  }
0x66: {  	[sflag:s26] =	ssyncadd.s32 $0xFFFFD800  }
0x67: {  	[tilespmem:s21], [sflag:$0x1] =	stream.indirect.gather [hbm4b:s4+s20], $0x80, s3, s20, $0xb8;
	[tilespmem:$0x19200] =	vst v63  }
.Ltmp0:
0x68: {  	_ = 	snop;
	(pc) =	sbr.rel @p0 .LBB2_2-.Ltmp0, $4  }
0x69: {  	_ = 	snop  }
0x6a: {  	[spmem:s2] =	stream.indirect.scatter.add.f32 [tilespmem:s25], [sflag:$0x3], $0x80, s23, s20, $0xb8;
	[tilespmem:$0x19200] =	vst v63  }
0x6b: {  	_ =	swait.ge [sflag:s18], $0x2800  }
0x6c: {  	[sflag:s18] =	ssyncset.done $0x0  }
0x6d: {  	[sflag:s18] =	ssyncadd.s32 $0xFFFFD800  }
0x6e: {  	[tilespmem:s22], [sflag:$0x3] =	stream.linear.gather [hbm4b:s9+s3], $0x50, $0x38;
	[tilespmem:$0x19200] =	vst v63  }
0x6f: {  	_ =	swait.ge [sflag:s18], $0x50  }
0x70: {  	[sflag:s18] =	ssyncset.done $0x0  }
0x71: {  	[sflag:s18] =	ssyncadd.s32 $0xFFFFFFB0  }
0x72: {  	[tilespmem:s23], [sflag:$0x3] =	stream.linear.gather [hbm4b:s10+s3], $0x50, $0x38;
	[tilespmem:$0x19200] =	vst v63  }
0x73: {  	_ =	swait.ge [sflag:s18], $0x50  }
0x74: {  	[sflag:s18] =	ssyncset.done $0x0  }
0x75: {  	[sflag:s18] =	ssyncadd.s32 $0xFFFFFFB0  }
0x76: {  	_ =	swait.ge [sflag:s24], $0x2800  }
0x77: {  	[sflag:s24] =	ssyncset.done $0x0  }
0x78: {  	[sflag:s24] =	ssyncadd.s32 $0xFFFFD800  }
0x79: {  	[tilespmem:s25], [sflag:$0x2] =	stream.indirect.gather [hbm4b:s4+s20], $0x80, s22, s20, $0xb8;
	[tilespmem:$0x19200] =	vst v63  }
0x7a: {  	_ = 	snop  }
0x7b: {  	[spmem:s2] =	stream.indirect.scatter.add.f32 [tilespmem:s21], [sflag:$0x3], $0x80, s19, s20, $0xb8;
	[tilespmem:$0x19200] =	vst v63  }
0x7c: {  	_ =	swait.ge [sflag:s18], $0x2800  }
0x7d: {  	[sflag:s18] =	ssyncset.done $0x0  }
0x7e: {  	[sflag:s18] =	ssyncadd.s32 $0xFFFFD800  }
0x7f: {  	_ =	swait.ge [sflag:s26], $0x2800  }
0x80: {  	[sflag:s26] =	ssyncset.done $0x0  }
0x81: {  	[sflag:s26] =	ssyncadd.s32 $0xFFFFD800  }
0x82: {  	[spmem:s2] =	stream.indirect.scatter.add.f32 [tilespmem:s25], [sflag:$0x3], $0x80, s23, s20, $0xb8;
	[tilespmem:$0x19200] =	vst v63  }
0x83: {  	_ =	swait.ge [sflag:s18], $0x2800  }
0x84: {  	s28 =	sadd.s32 $0x1, s28;
	[sflag:s18] =	ssyncset.done $0x0  }
0x85: {  	p0 =	sne.s32 s28, s12;
	[sflag:s18] =	ssyncadd.s32 $0xFFFFD800  }
.Ltmp1:
0x86: {  	[bflag:$0x0] =	sbarrier.arrive $0xFFFF;
	(pc) =	sbr.rel @p0 .LBB2_1-.Ltmp1, $4  }
0x87: {  	[hbm:s11], [sflag:s6] =	dma.local [spmem:s17], $0x2800  }
0x88: {  	_ =	swait.ge [sflag:s18], $0x2800  }
0x89: {  	[sflag:s18] =	ssyncset.done $0x0  }
0x8a: {  	[sflag:s18] =	ssyncadd.s32 $0xFFFFD800  }
0x8b: {  	_ =	sfence.sel $0x180000  }
0x8c: {  	[bflag:$0x0] =	sbarrier.arrive $0xFFFF  }
0x8d: {  	p0 =	sne.s32 s1, $0x0;
	_ =	strace $0x9000004A  }
0x8e: {  	s0 =	sadd.s32 @!p0 $0x100000, s0;
	[bflag:$0x2] =	sbarrier.arrive $0xFFFF  }
0x8f: {  	[sflag:s0] =	ssyncadd.tile.s32 @!p0 $0x1;
	_ =	shalt  }
.Lfunc_end2:
_tile_overlayer_lowered:
.L_overlay_start_2:
0x90: {  	(tag) =	ssettag $0x2  }
0x91: {  	s0 =	rddreg [dreg:$0x0];
	s2 =	stileid.u32  }
0x92: {  	s1 =	rddreg [dreg:$0x1];
	p0 =	sne.s32 s2, $0x0  }
0x93: {  	s3 =	rddreg [dreg:$0x2];
	[bflag:$0x3] =	sbarrier.arrive $0xFFFF;
	s2 =	simm.s32 @!p0 $0x1C03  }
0x94: {  	[timem:s3], [sflag:s2] =	dma.local @!p0 [hbm:s0], s1  }
0x95: {  	s0 =	simm.s32 @!p0 $0x3  }
0x96: {  	_ =	swait.ge @!p0 [sflag:s0], s1  }
0x97: {  	s1 =	ssub.s32 @!p0 $0x0, s1;
	[sflag:s0] =	ssyncset.done @!p0 $0x0  }
0x98: {  	[sflag:s0] =	ssyncadd.s32 @!p0 s1  }
0x99: {  	[bflag:$0x3] =	sbarrier.arrive $0xFFFF  }
0x9a: {  	_ =	shalt  }

// kernel: kernel.18.cloned.1.call-start
scs
__scs_entry_jumppad:
0x0: {  	(pc) =	sbr.rel $0x88, $3  }
0x1: {  	(tag) =	ssettag $0x0;
	lr =	simm.s32 $0x1  }
0x2: {  	[smem:$0x3F93] =	sst lr;
	_ =	strace $0xD0000000  }
0x3: {  	_ = 	snop  }
0x4: {  	_ = 	snop  }
0x5: {  	_ = 	snop  }
0x6: {  	_ = 	snop  }
0x7: {  	_ = 	snop  }
__scs_overlays_trampoline_lowered:
0x8: {  	[smem:$0x3FA2] =	sst s0  }
0x9: {  	[smem:$0x3FA3] =	sst s1  }
0xa: {  	[smem:$0x3FA4] =	sst s2  }
0xb: {  	[smem:$0x3FA5] =	sst s3  }
0xc: {  	[smem:$0x3FA6] =	sst s4  }
0xd: {  	[smem:$0x3FA7] =	sst s5  }
0xe: {  	[smem:$0x3FA8] =	sst s6  }
0xf: {  	[smem:$0x3FA9] =	sst s7  }
0x10: {  	[smem:$0x3FAA] =	sst s8  }
0x11: {  	[smem:$0x3FAB] =	sst s9;
	s0 =	simm.s32 @!p0 $0x0  }
0x12: {  	s1 =	sld [smem:$0x3F91];
	s0 =	simm.s32 @p0 $0x1  }
0x13: {  	[smem:$0x3FAC] =	sst s0;
	s0 =	simm.s32 @!p1 $0x0  }
0x14: {  	s2 =	sld [smem:$0x3F90];
	s0 =	simm.s32 @p1 $0x1  }
0x15: {  	[smem:$0x3FAD] =	sst s0;
	s0 =	simm.s32 @!p2 $0x0  }
0x16: {  	s3 =	sld [smem:$0x3FDB];
	s0 =	simm.s32 @p2 $0x1  }
0x17: {  	s4 =	simm.s32 $0x1BF5;
	[smem:$0x3FAF] =	sst s0  }
0x18: {  	s0 =	sld [smem:$0x3F92];
	_ =	swait.ge [sflag:s4], $0x0  }
0x19: {  	s7 =	sld [smem:$0x3F93]  }
0x1a: {  	s8 =	sadd.s32 $0xFFFFE003, lr  }
0x1b: {  	s9 =	sadd.s32 $0xFFFFFEF7, lr;
	s5 =	simm.s32 $0xFFFFFFFF;
	p2 =	slt.u32 s8, $0xFFFFF086  }
0x1c: {  	p1 =	slt.u32 s9, $0xF7A;
	s5 =	simm.s32 @!p2 $0x0  }
0x1d: {  	s5 =	simm.s32 @p1 $0x1;
	p0 =	seq.s32 s7, s2  }
0x1e: {  	s7 =	smul.u32 @!p0 $0xF7A, s2;
	p2 =	seq.s32 @!p0 s5, $0x0  }
0x1f: {  	s9 =	smul.u32 $0xF7A, s1;
	s8 =	simm.s32 @!p0 $0x1BF5;
	p2 =	por !p2, p0  }
0x20: {  	[sflag:s8] =	ssyncset.s32 @!p0 $0xFFFFF086;
	s6 =	sadd.s32 @!p0 s3, s7;
	s7 =	simm.s32 @!p0 $0x108  }
0x21: {  	s3 =	sadd.s32 s3, s9;
	s6 =	sadd.s32 @!p0 $0x88, s6;
	s7 =	simm.s32 @p2 $0x1082  }
0x22: {  	[simem:s7], [sflag:s8] =	dma.local @!p0 [hbm:s6], $0xF7A  }
0x23: {  	s9 =	sor.u32 $0xD0000000, s2;
	s6 =	simm.s32 $0x108;
	_ =	swait.ge @!p0 [sflag:s8], $0x0  }
0x24: {  	s3 =	sadd.s32 $0x88, s3;
	s6 =	simm.s32 @!p1 $0x1082;
	[sflag:s4] =	ssyncset.s32 $0xFFFFF086  }
0x25: {  	[simem:s6], [sflag:s4] =	dma.local [hbm:s3], $0xF7A  }
0x26: {  	[smem:$0x3F93] =	sst s1;
	(tag) =	ssettag s2;
	_ =	strace s9  }
0x27: {  	s1 =	sld [smem:$0x3FA3]  }
0x28: {  	s2 =	sld [smem:$0x3FA4]  }
0x29: {  	s4 =	sld [smem:$0x3FA6]  }
0x2a: {  	p0 =	seq.s32 s5, $0x0;
	s5 =	sld [smem:$0x3FA7]  }
0x2b: {  	s6 =	sld [smem:$0x3FA8]  }
0x2c: {  	s7 =	sld [smem:$0x3FA9]  }
0x2d: {  	s3 =	simm.s32 $0x108;
	s8 =	sld [smem:$0x3FAA]  }
0x2e: {  	s3 =	simm.s32 @!p0 $0x1082;
	s9 =	sld [smem:$0x3FAB]  }
0x2f: {  	lr =	sadd.s32 s0, s3;
	s0 =	sld [smem:$0x3FA2]  }
0x30: {  	s3 =	sld [smem:$0x3FA5]  }
0x31: {  	[smem:$0x3FAE] =	sst s10  }
0x32: {  	s10 =	sld [smem:$0x3FAC];
	_ =	sdelay $0x3  }
0x33: {  	p0 =	seq.s32 s10, $0x1;
	s10 =	sld [smem:$0x3FAE];
	_ =	sdelay $0x3  }
0x34: {  	[smem:$0x3FAE] =	sst s10  }
0x35: {  	s10 =	sld [smem:$0x3FAD];
	_ =	sdelay $0x3  }
0x36: {  	p1 =	seq.s32 s10, $0x1;
	s10 =	sld [smem:$0x3FAE];
	_ =	sdelay $0x3  }
0x37: {  	[smem:$0x3FAE] =	sst s10  }
0x38: {  	s10 =	sld [smem:$0x3FAF]  }
0x39: {  	_ = 	snop;
	(pc) =	sbr.ind lr, $3  }
0x3a: {  	_ = 	snop  }
0x3b: {  	_ = 	snop  }
0x3c: {  	p2 =	seq.s32 s10, $0x1;
	s10 =	sld [smem:$0x3FAE]  }
0x3d: {  	_ =	shalt  }
0x3e: {  	_ =	shalt  }
0x3f: {  	_ =	shalt  }
0x40: {  	_ =	shalt  }
0x41: {  	_ =	shalt  }
0x42: {  	_ =	shalt  }
0x43: {  	_ =	shalt  }
0x44: {  	_ =	shalt  }
0x45: {  	_ =	shalt  }
0x46: {  	_ =	shalt  }
0x47: {  	_ =	shalt  }
0x48: {  	_ =	shalt  }
0x49: {  	_ =	shalt  }
0x4a: {  	_ =	shalt  }
0x4b: {  	_ =	shalt  }
0x4c: {  	_ =	shalt  }
0x4d: {  	_ =	shalt  }
0x4e: {  	_ =	shalt  }
0x4f: {  	_ =	shalt  }
0x50: {  	_ =	shalt  }
0x51: {  	_ =	shalt  }
0x52: {  	_ =	shalt  }
0x53: {  	_ =	shalt  }
0x54: {  	_ =	shalt  }
0x55: {  	_ =	shalt  }
0x56: {  	_ =	shalt  }
0x57: {  	_ =	shalt  }
0x58: {  	_ =	shalt  }
0x59: {  	_ =	shalt  }
0x5a: {  	_ =	shalt  }
0x5b: {  	_ =	shalt  }
0x5c: {  	_ =	shalt  }
0x5d: {  	_ =	shalt  }
0x5e: {  	_ =	shalt  }
0x5f: {  	_ =	shalt  }
0x60: {  	_ =	shalt  }
0x61: {  	_ =	shalt  }
0x62: {  	_ =	shalt  }
0x63: {  	_ =	shalt  }
0x64: {  	_ =	shalt  }
0x65: {  	_ =	shalt  }
0x66: {  	_ =	shalt  }
0x67: {  	_ =	shalt  }
0x68: {  	_ =	shalt  }
0x69: {  	_ =	shalt  }
0x6a: {  	_ =	shalt  }
0x6b: {  	_ =	shalt  }
0x6c: {  	_ =	shalt  }
0x6d: {  	_ =	shalt  }
0x6e: {  	_ =	shalt  }
0x6f: {  	_ =	shalt  }
0x70: {  	_ =	shalt  }
0x71: {  	_ =	shalt  }
0x72: {  	_ =	shalt  }
0x73: {  	_ =	shalt  }
0x74: {  	_ =	shalt  }
0x75: {  	_ =	shalt  }
0x76: {  	_ =	shalt  }
0x77: {  	_ =	shalt  }
0x78: {  	_ =	shalt  }
0x79: {  	_ =	shalt  }
0x7a: {  	_ =	shalt  }
0x7b: {  	_ =	shalt  }
0x7c: {  	_ =	shalt  }
0x7d: {  	_ =	shalt  }
0x7e: {  	_ =	shalt  }
0x7f: {  	_ =	shalt  }
0x80: {  	_ =	shalt  }
0x81: {  	_ =	shalt  }
0x82: {  	_ =	shalt  }
0x83: {  	_ =	shalt  }
0x84: {  	_ =	shalt  }
0x85: {  	_ =	shalt  }
0x86: {  	_ =	shalt  }
0x87: {  	_ =	shalt  }
.Lfunc_end0:
.L_simem_size_0:
called_computation.2_lowered:
.L_overlay_start_0:
0x88: {  	s2 =	sld [smem:$0x3FD9]  }
0x89: {  	s3 =	sld [smem:$0x3FFE];
	_ =	sdelay $0x1  }
0x8a: {  	s1 =	srdreg.scid  }
0x8b: {  	s0 =	sand.u32 $0x1, s1  }
0x8c: {  	s17 =	sshll.u32 s0, $0xA;
	s2 =	sadd.s32 s3, s2  }
0x8d: {  	s2 =	sadd.s32 s2, s17  }
0x8e: {  	[smem:$0x3FBA] =	sst s2  }
0x8f: {  	_ = 	snop  }
0x90: {  	s2 =	sld [smem:$0x3FD0];
	(tm) =	ssettm $0x1  }
0x91: {  	s18 =	sld [smem:$0x3FFB];
	_ =	sdelay $0x3  }
0x92: {  	_ =	strace s18  }
0x93: {  	s3 =	sld [smem:$0x3FFC];
	_ =	sdelay $0x3  }
0x94: {  	_ =	strace s3  }
0x95: {  	s3 =	sld [smem:$0x3FFD];
	_ =	sdelay $0x3  }
0x96: {  	_ =	strace s3  }
0x97: {  	_ =	strace $0x8FFFFFFF  }
0x98: {  	s19 =	sld [smem:$0x3FDB];
	_ =	sdelay $0x1  }
0x99: {  	s4 =	simm.s32 $_scs_section_size  }
0x9a: {  	s5 =	simm.s32 $_size__tile_overlayer_lowered;
	s6 =	simm.s32 $_tile_overlayer_lowered  }
0x9b: {  	s22 =	simm.s32 $0x1BFF;
	s21 =	sshll.u32 s6, $0x1;
	s3 =	sadd.s32 s4, s19  }
0x9c: {  	s7 =	simm.s32 $0x0;
	s20 =	sshll.u32 s5, $0x1;
	s5 =	sadd.s32 s21, s3  }
0x9d: {  	[timem:s7], [sflag:s22] =	dma.local [hbm:s5], s20  }
0x9e: {  	_ =	swait.ge [sflag:s22], s20  }
0x9f: {  	s4 =	ssub.s32 $0x0, s20;
	[sflag:s22] =	ssyncset.done $0x0  }
0xa0: {  	[sflag:s22] =	ssyncadd.s32 s4;
	_ =	sdelay $0x1  }
0xa1: {  	s23 =	simm.s32 $0x1B8B  }
0xa2: {  	_ =	swait.ge [sflag:s23], $0x1  }
0xa3: {  	[sflag:s23] =	ssyncset.done $0x0  }
0xa4: {  	s25 =	simm.s32 $0x1B8E;
	s24 =	sld [smem:$0x3FFE];
	[sflag:s23] =	ssyncadd.s32 $0xFFFFFFFF  }
0xa5: {  	s26 =	simm.s32 $execute0_lowered;
	[smem:$0x3FD2] =	sst s25  }
0xa6: {  	s5 =	sshll.u32 s26, $0x1;
	_ =	strace $0x8000004C;
	[dreg:$0x1] =	wrdreg $0xFFFFFFFF  }
0xa7: {  	s28 =	simm.s32 $_size_execute0_lowered;
	s3 =	sadd.s32 s3, s5;
	[dreg:$0x0] =	wrdreg $0x0  }
0xa8: {  	s5 =	sshll.u32 s28, $0x1;
	[dreg:$0x2] =	wrdreg s3  }
0xa9: {  	[dreg:$0x3] =	wrdreg s5  }
0xaa: {  	[dreg:$0x4] =	wrdreg $0xC0  }
0xab: {  	_ =	task [dreg:s7], $0x5FFFF  }
0xac: {  	[dreg:$0x1] =	wrdreg $0xFFFFFFFF  }
0xad: {  	[dreg:$0x0] =	wrdreg $0x60  }
0xae: {  	[dreg:$0x2] =	wrdreg s24  }
0xaf: {  	[dreg:$0x3] =	wrdreg s2  }
0xb0: {  	[dreg:$0x4] =	wrdreg $0x52000  }
0xb1: {  	[dreg:$0x5] =	wrdreg $0x9  }
0xb2: {  	_ =	task.clear_ibuf [dreg:s7], $0x6FFFF;
	_ =	strace $0x9000004C  }
0xb3: {  	s29 =	simm.s32 $0x9;
	_ =	strace $0x8000004E  }
0xb4: {  	_ =	swait.ge [sflag:s29], $0x1  }
0xb5: {  	[sflag:s29] =	ssyncadd.s32 $0xFFFFFFFF  }
0xb6: {  	_ =	strace $0x9000004E  }
0xb7: {  	_ =	sfence  }
0xb8: {  	s30 =	sld [smem:$0x0];
	_ =	sdelay $0x2  }
0xb9: {  	s31 =	sshll.u32 s1, $0xD;
	s1 =	sshrl.u32 s1, $0x2  }
0xba: {  	s3 =	sand.u32 $0x4000, s31;
	s1 =	sadd.s32 s1, s30  }
0xbb: {  	s0 =	sor.u32 s3, s0;
	s1 =	sshll.u32 s1, $0x11  }
0xbc: {  	s0 =	sor.u32 s1, s0  }
0xbd: {  	s0 =	sadd.s32 $0x8F2B, s0  }
0xbe: {  	[sflag:s0] =	ssyncadd.remote.s32 $0x1  }
0xbf: {  	_ =	sfence.sel $0xFFFF  }
0xc0: {  	[dreg:$0x0] =	wrdreg $0xFFFFFFFF;
	(pc) =	sbr.abs _section_cstart, $3  }
0xc1: {  	[dreg:$0x1] =	wrdreg $0xFFFFFFFF  }
0xc2: {  	_ =	task.clear_ibuf [dreg:s7], $0x2FFFF;
	_ =	strace $0x9FFFFFFF  }
0xc3: {  	(tm) =	ssettm $0x7FFFFFFF  }
tec
execute0_lowered:
.L_overlay_start_1:
0x0: {  	(tag) =	ssettag $0x1  }
0x1: {  	s5 =	rddreg [dreg:$0x0]  }
0x2: {  	s15 =	rddreg [dreg:$0x1]  }
0x3: {  	s2 =	rddreg [dreg:$0x2]  }
0x4: {  	s0 =	rddreg [dreg:$0x3]  }
0x5: {  	s1 =	stileid.u32;
	s4 =	srdreg.scid;
	s3 =	simm.s32 $0x0  }
0x6: {  	s19 =	simm.s32 $0x80;
	s20 =	simm.s32 $0x50;
	s21 =	simm.s32 $0x200  }
0x7: {  	s22 =	simm.s32 $0x100;
	s28 =	simm.s32 $0x0;
	s6 =	smul.u32 $0x14000, s1  }
0x8: {  	s7 =	sand.u32 $0x1, s4;
	[smem:$0x7FF] =	sst s3;
	s24 =	smul.u32 $0x50000, s1  }
0x9: {  	s4 =	sadd.s32 $0x36400, s5;
	s16 =	sadd.s32 $0x3800, s5;
	s14 =	smul.u32 $0x2800, s1  }
0xa: {  	s30 =	sshll.u32 s1, $0x6;
	s8 =	smul.u32 $0x140000, s7;
	_ =	strace $0x8000004D  }
0xb: {  	s25 =	ssub.s32 $0x2, s7;
	s26 =	sshll.u32 s7, $0x4;
	s13 =	smul.u32 $0x28000, s7  }
0xc: {  	s9 =	sshrl.u32 s6, $0x3;
	s10 =	sshrl.u32 s25, $0x1;
	s6 =	sadd.s32 s6, s8  }
0xd: {  	s23 =	sadd.s32 s9, s5;
	s9 =	sshrl.u32 s24, $0x2;
	s12 =	ssub.s32 s25, s10  }
0xe: {  	s13 =	sadd.s32 s14, s13;
	s24 =	simm.s32 $0x1;
	s25 =	simm.s32 $0x2A00  }
0xf: {  	s6 =	sshrl.u32 s6, $0x3;
	s17 =	sadd.s32 s9, s2;
	s14 =	sor.u32 $0xA0, s13  }
0x10: {  	s13 =	sor.u32 $0x50, s13;
	s12 =	smax.u32 s12, $0x1;
	s11 =	sadd.s32 s6, s5  }
0x11: {  	s6 =	sor.u32 s1, s26;
	s5 =	sadd.s32 $0xE400, s23;
	s14 =	sshrl.u32 s14, $0x3  }
0x12: {  	s18 =	sshrl.u32 s13, $0x3;
	s17 =	sshrl.u32 s17, $0x3;
	s29 =	smul.u32 $0x2800, s6  }
0x13: {  	s23 =	simm.s32 $0x180;
	s26 =	simm.s32 $0x2;
	s6 =	sor.u32 $0x1C03, s30  }
0x14: {  	s11 =	sadd.s32 $0x5E400, s11;
	s13 =	sadd.s32 s14, s15;
	s31 =	sshrl.u32 s29, $0x3  }
0x15: {  	s14 =	sadd.s32 s14, s16;
	s7 =	sadd.s32 s16, s31;
	s10 =	sadd.s32 $0x4F6, s31  }
0x16: {  	s8 =	sadd.s32 s15, s31;
	s9 =	sadd.s32 s16, s10;
	s10 =	sadd.s32 s15, s10  }
0x17: {  	s15 =	sadd.s32 s18, s15;
	s16 =	sadd.s32 s18, s16;
	s18 =	simm.s32 $0x3  }
.LBB2_1:
0x18: {  	[spmem:s17], [sflag:s6] =	dma.local [hbm:s5], $0x2800  }
0x19: {  	_ =	swait.ge [sflag:s18], $0x2800  }
0x1a: {  	[sflag:s18] =	ssyncset.done $0x0  }
0x1b: {  	[sflag:s18] =	ssyncadd.s32 $0xFFFFD800  }
0x1c: {  	[bflag:$0x0] =	sbarrier.arrive $0xFFFF  }
0x1d: {  	[tilespmem:s3], [sflag:$0x3] =	stream.linear.gather [hbm4b:s7+s3], $0x50, $0x38;
	[tilespmem:$0x19200] =	vst v63  }
0x1e: {  	_ =	swait.ge [sflag:s18], $0x50  }
0x1f: {  	[sflag:s18] =	ssyncset.done $0x0  }
0x20: {  	[sflag:s18] =	ssyncadd.s32 $0xFFFFFFB0  }
0x21: {  	[tilespmem:s19], [sflag:$0x3] =	stream.linear.gather [hbm4b:s8+s3], $0x50, $0x38;
	[tilespmem:$0x19200] =	vst v63  }
0x22: {  	_ =	swait.ge [sflag:s18], $0x50  }
0x23: {  	[sflag:s18] =	ssyncset.done $0x0  }
0x24: {  	[sflag:s18] =	ssyncadd.s32 $0xFFFFFFB0  }
0x25: {  	[tilespmem:s21], [sflag:$0x1] =	stream.indirect.gather [hbm4b:s4+s20], $0x80, s3, s20, $0xb8;
	[tilespmem:$0x19200] =	vst v63  }
0x26: {  	s29 =	sadd.s32 $0x0, s16  }
0x27: {  	[tilespmem:s22], [sflag:$0x3] =	stream.linear.gather [hbm4b:s29+s3], $0x50, $0x38;
	[tilespmem:$0x19200] =	vst v63  }
0x28: {  	_ =	swait.ge [sflag:s18], $0x50  }
0x29: {  	[sflag:s18] =	ssyncset.done $0x0  }
0x2a: {  	s29 =	sadd.s32 $0x0, s15;
	[sflag:s18] =	ssyncadd.s32 $0xFFFFFFB0  }
0x2b: {  	[tilespmem:s23], [sflag:$0x3] =	stream.linear.gather [hbm4b:s29+s3], $0x50, $0x38;
	[tilespmem:$0x19200] =	vst v63  }
0x2c: {  	_ =	swait.ge [sflag:s18], $0x50  }
0x2d: {  	[sflag:s18] =	ssyncset.done $0x0  }
0x2e: {  	[sflag:s18] =	ssyncadd.s32 $0xFFFFFFB0  }
0x2f: {  	_ =	swait.ge [sflag:s24], $0x2800  }
0x30: {  	[sflag:s24] =	ssyncset.done $0x0  }
0x31: {  	[sflag:s24] =	ssyncadd.s32 $0xFFFFD800  }
0x32: {  	[tilespmem:s25], [sflag:$0x2] =	stream.indirect.gather [hbm4b:s4+s20], $0x80, s22, s20, $0xb8;
	[tilespmem:$0x19200] =	vst v63  }
0x33: {  	_ = 	snop  }
0x34: {  	[spmem:s2] =	stream.indirect.scatter.add.f32 [tilespmem:s21], [sflag:$0x3], $0x80, s19, s20, $0xb8;
	[tilespmem:$0x19200] =	vst v63  }
0x35: {  	_ =	swait.ge [sflag:s18], $0x2800  }
0x36: {  	[sflag:s18] =	ssyncset.done $0x0  }
0x37: {  	s29 =	sadd.s32 $0x0, s14;
	[sflag:s18] =	ssyncadd.s32 $0xFFFFD800  }
0x38: {  	[tilespmem:s3], [sflag:$0x3] =	stream.linear.gather [hbm4b:s29+s3], $0x50, $0x38;
	[tilespmem:$0x19200] =	vst v63  }
0x39: {  	_ =	swait.ge [sflag:s18], $0x50  }
0x3a: {  	[sflag:s18] =	ssyncset.done $0x0  }
0x3b: {  	s29 =	sadd.s32 $0x0, s13;
	[sflag:s18] =	ssyncadd.s32 $0xFFFFFFB0  }
0x3c: {  	[tilespmem:s19], [sflag:$0x3] =	stream.linear.gather [hbm4b:s29+s3], $0x50, $0x38;
	[tilespmem:$0x19200] =	vst v63  }
0x3d: {  	_ =	swait.ge [sflag:s18], $0x50  }
0x3e: {  	[sflag:s18] =	ssyncset.done $0x0  }
0x3f: {  	[sflag:s18] =	ssyncadd.s32 $0xFFFFFFB0  }
0x40: {  	_ =	swait.ge [sflag:s26], $0x2800  }
0x41: {  	[sflag:s26] =	ssyncset.done $0x0  }
0x42: {  	[sflag:s26] =	ssyncadd.s32 $0xFFFFD800  }
0x43: {  	[tilespmem:s21], [sflag:$0x1] =	stream.indirect.gather [hbm4b:s4+s20], $0x80, s3, s20, $0xb8;
	[tilespmem:$0x19200] =	vst v63  }
0x44: {  	_ = 	snop  }
0x45: {  	[spmem:s2] =	stream.indirect.scatter.add.f32 [tilespmem:s25], [sflag:$0x3], $0x80, s23, s20, $0xb8;
	[tilespmem:$0x19200] =	vst v63  }
0x46: {  	_ =	swait.ge [sflag:s18], $0x2800  }
0x47: {  	s29 =	simm.s32 $0x14;
	[sflag:s18] =	ssyncset.done $0x0  }
.LBB2_2:
0x48: {  	p0 =	sne.s32 s29, $0x4D8  }
0x49: {  	[sflag:s18] =	ssyncadd.s32 $0xFFFFD800;
	s30 =	smov.u32 s29;
	s29 =	sadd.s32 $0x14, s29  }
0x4a: {  	s31 =	sadd.s32 s30, s16  }
0x4b: {  	[tilespmem:s22], [sflag:$0x3] =	stream.linear.gather [hbm4b:s31+s3], $0x50, $0x38;
	[tilespmem:$0x19200] =	vst v63  }
0x4c: {  	_ =	swait.ge [sflag:s18], $0x50  }
0x4d: {  	[sflag:s18] =	ssyncset.done $0x0  }
0x4e: {  	s31 =	sadd.s32 s30, s15;
	[sflag:s18] =	ssyncadd.s32 $0xFFFFFFB0  }
0x4f: {  	[tilespmem:s23], [sflag:$0x3] =	stream.linear.gather [hbm4b:s31+s3], $0x50, $0x38;
	[tilespmem:$0x19200] =	vst v63  }
0x50: {  	_ =	swait.ge [sflag:s18], $0x50  }
0x51: {  	[sflag:s18] =	ssyncset.done $0x0  }
0x52: {  	[sflag:s18] =	ssyncadd.s32 $0xFFFFFFB0  }
0x53: {  	_ =	swait.ge [sflag:s24], $0x2800  }
0x54: {  	[sflag:s24] =	ssyncset.done $0x0  }
0x55: {  	[sflag:s24] =	ssyncadd.s32 $0xFFFFD800  }
0x56: {  	[tilespmem:s25], [sflag:$0x2] =	stream.indirect.gather [hbm4b:s4+s20], $0x80, s22, s20, $0xb8;
	[tilespmem:$0x19200] =	vst v63  }
0x57: {  	_ = 	snop  }
0x58: {  	[spmem:s2] =	stream.indirect.scatter.add.f32 [tilespmem:s21], [sflag:$0x3], $0x80, s19, s20, $0xb8;
	[tilespmem:$0x19200] =	vst v63  }
0x59: {  	_ =	swait.ge [sflag:s18], $0x2800  }
0x5a: {  	[sflag:s18] =	ssyncset.done $0x0  }
0x5b: {  	s31 =	sadd.s32 s30, s14;
	[sflag:s18] =	ssyncadd.s32 $0xFFFFD800  }
0x5c: {  	[tilespmem:s3], [sflag:$0x3] =	stream.linear.gather [hbm4b:s31+s3], $0x50, $0x38;
	[tilespmem:$0x19200] =	vst v63  }
0x5d: {  	_ =	swait.ge [sflag:s18], $0x50  }
0x5e: {  	[sflag:s18] =	ssyncset.done $0x0  }
0x5f: {  	s30 =	sadd.s32 s30, s13;
	[sflag:s18] =	ssyncadd.s32 $0xFFFFFFB0  }
0x60: {  	[tilespmem:s19], [sflag:$0x3] =	stream.linear.gather [hbm4b:s30+s3], $0x50, $0x38;
	[tilespmem:$0x19200] =	vst v63  }
0x61: {  	_ =	swait.ge [sflag:s18], $0x50  }
0x62: {  	[sflag:s18] =	ssyncset.done $0x0  }
0x63: {  	[sflag:s18] =	ssyncadd.s32 $0xFFFFFFB0  }
0x64: {  	_ =	swait.ge [sflag:s26], $0x2800  }
0x65: {  	[sflag:s26] =	ssyncset.done $0x0  }
0x66: {  	[sflag:s26] =	ssyncadd.s32 $0xFFFFD800  }
0x67: {  	[tilespmem:s21], [sflag:$0x1] =	stream.indirect.gather [hbm4b:s4+s20], $0x80, s3, s20, $0xb8;
	[tilespmem:$0x19200] =	vst v63  }
.Ltmp0:
0x68: {  	_ = 	snop;
	(pc) =	sbr.rel @p0 .LBB2_2-.Ltmp0, $4  }
0x69: {  	_ = 	snop  }
0x6a: {  	[spmem:s2] =	stream.indirect.scatter.add.f32 [tilespmem:s25], [sflag:$0x3], $0x80, s23, s20, $0xb8;
	[tilespmem:$0x19200] =	vst v63  }
0x6b: {  	_ =	swait.ge [sflag:s18], $0x2800  }
0x6c: {  	[sflag:s18] =	ssyncset.done $0x0  }
0x6d: {  	[sflag:s18] =	ssyncadd.s32 $0xFFFFD800  }
0x6e: {  	[tilespmem:s22], [sflag:$0x3] =	stream.linear.gather [hbm4b:s9+s3], $0x50, $0x38;
	[tilespmem:$0x19200] =	vst v63  }
0x6f: {  	_ =	swait.ge [sflag:s18], $0x50  }
0x70: {  	[sflag:s18] =	ssyncset.done $0x0  }
0x71: {  	[sflag:s18] =	ssyncadd.s32 $0xFFFFFFB0  }
0x72: {  	[tilespmem:s23], [sflag:$0x3] =	stream.linear.gather [hbm4b:s10+s3], $0x50, $0x38;
	[tilespmem:$0x19200] =	vst v63  }
0x73: {  	_ =	swait.ge [sflag:s18], $0x50  }
0x74: {  	[sflag:s18] =	ssyncset.done $0x0  }
0x75: {  	[sflag:s18] =	ssyncadd.s32 $0xFFFFFFB0  }
0x76: {  	_ =	swait.ge [sflag:s24], $0x2800  }
0x77: {  	[sflag:s24] =	ssyncset.done $0x0  }
0x78: {  	[sflag:s24] =	ssyncadd.s32 $0xFFFFD800  }
0x79: {  	[tilespmem:s25], [sflag:$0x2] =	stream.indirect.gather [hbm4b:s4+s20], $0x80, s22, s20, $0xb8;
	[tilespmem:$0x19200] =	vst v63  }
0x7a: {  	_ = 	snop  }
0x7b: {  	[spmem:s2] =	stream.indirect.scatter.add.f32 [tilespmem:s21], [sflag:$0x3], $0x80, s19, s20, $0xb8;
	[tilespmem:$0x19200] =	vst v63  }
0x7c: {  	_ =	swait.ge [sflag:s18], $0x2800  }
0x7d: {  	[sflag:s18] =	ssyncset.done $0x0  }
0x7e: {  	[sflag:s18] =	ssyncadd.s32 $0xFFFFD800  }
0x7f: {  	_ =	swait.ge [sflag:s26], $0x2800  }
0x80: {  	[sflag:s26] =	ssyncset.done $0x0  }
0x81: {  	[sflag:s26] =	ssyncadd.s32 $0xFFFFD800  }
0x82: {  	[spmem:s2] =	stream.indirect.scatter.add.f32 [tilespmem:s25], [sflag:$0x3], $0x80, s23, s20, $0xb8;
	[tilespmem:$0x19200] =	vst v63  }
0x83: {  	_ =	swait.ge [sflag:s18], $0x2800  }
0x84: {  	s28 =	sadd.s32 $0x1, s28;
	[sflag:s18] =	ssyncset.done $0x0  }
0x85: {  	p0 =	sne.s32 s28, s12;
	[sflag:s18] =	ssyncadd.s32 $0xFFFFD800  }
.Ltmp1:
0x86: {  	[bflag:$0x0] =	sbarrier.arrive $0xFFFF;
	(pc) =	sbr.rel @p0 .LBB2_1-.Ltmp1, $4  }
0x87: {  	[hbm:s11], [sflag:s6] =	dma.local [spmem:s17], $0x2800  }
0x88: {  	_ =	swait.ge [sflag:s18], $0x2800  }
0x89: {  	[sflag:s18] =	ssyncset.done $0x0  }
0x8a: {  	[sflag:s18] =	ssyncadd.s32 $0xFFFFD800  }
0x8b: {  	_ =	sfence.sel $0x180000  }
0x8c: {  	[bflag:$0x0] =	sbarrier.arrive $0xFFFF  }
0x8d: {  	p0 =	sne.s32 s1, $0x0;
	_ =	strace $0x9000004D  }
0x8e: {  	s0 =	sadd.s32 @!p0 $0x100000, s0;
	[bflag:$0x2] =	sbarrier.arrive $0xFFFF  }
0x8f: {  	[sflag:s0] =	ssyncadd.tile.s32 @!p0 $0x1;
	_ =	shalt  }
.Lfunc_end2:
_tile_overlayer_lowered:
.L_overlay_start_2:
0x90: {  	(tag) =	ssettag $0x2  }
0x91: {  	s0 =	rddreg [dreg:$0x0];
	s2 =	stileid.u32  }
0x92: {  	s1 =	rddreg [dreg:$0x1];
	p0 =	sne.s32 s2, $0x0  }
0x93: {  	s3 =	rddreg [dreg:$0x2];
	[bflag:$0x3] =	sbarrier.arrive $0xFFFF;
	s2 =	simm.s32 @!p0 $0x1C03  }
0x94: {  	[timem:s3], [sflag:s2] =	dma.local @!p0 [hbm:s0], s1  }
0x95: {  	s0 =	simm.s32 @!p0 $0x3  }
0x96: {  	_ =	swait.ge @!p0 [sflag:s0], s1  }
0x97: {  	s1 =	ssub.s32 @!p0 $0x0, s1;
	[sflag:s0] =	ssyncset.done @!p0 $0x0  }
0x98: {  	[sflag:s0] =	ssyncadd.s32 @!p0 s1  }
0x99: {  	[bflag:$0x3] =	sbarrier.arrive $0xFFFF  }
0x9a: {  	_ =	shalt  }

// kernel: kernel.21.cloned.1.call-start
scs
__scs_entry_jumppad:
0x0: {  	(pc) =	sbr.rel $0x88, $3  }
0x1: {  	(tag) =	ssettag $0x0;
	lr =	simm.s32 $0x1  }
0x2: {  	[smem:$0x3F93] =	sst lr;
	_ =	strace $0xD0000000  }
0x3: {  	_ = 	snop  }
0x4: {  	_ = 	snop  }
0x5: {  	_ = 	snop  }
0x6: {  	_ = 	snop  }
0x7: {  	_ = 	snop  }
__scs_overlays_trampoline_lowered:
0x8: {  	[smem:$0x3FA2] =	sst s0  }
0x9: {  	[smem:$0x3FA3] =	sst s1  }
0xa: {  	[smem:$0x3FA4] =	sst s2  }
0xb: {  	[smem:$0x3FA5] =	sst s3  }
0xc: {  	[smem:$0x3FA6] =	sst s4  }
0xd: {  	[smem:$0x3FA7] =	sst s5  }
0xe: {  	[smem:$0x3FA8] =	sst s6  }
0xf: {  	[smem:$0x3FA9] =	sst s7  }
0x10: {  	[smem:$0x3FAA] =	sst s8  }
0x11: {  	[smem:$0x3FAB] =	sst s9;
	s0 =	simm.s32 @!p0 $0x0  }
0x12: {  	s1 =	sld [smem:$0x3F91];
	s0 =	simm.s32 @p0 $0x1  }
0x13: {  	[smem:$0x3FAC] =	sst s0;
	s0 =	simm.s32 @!p1 $0x0  }
0x14: {  	s2 =	sld [smem:$0x3F90];
	s0 =	simm.s32 @p1 $0x1  }
0x15: {  	[smem:$0x3FAD] =	sst s0;
	s0 =	simm.s32 @!p2 $0x0  }
0x16: {  	s3 =	sld [smem:$0x3FDB];
	s0 =	simm.s32 @p2 $0x1  }
0x17: {  	s4 =	simm.s32 $0x1BF5;
	[smem:$0x3FAF] =	sst s0  }
0x18: {  	s0 =	sld [smem:$0x3F92];
	_ =	swait.ge [sflag:s4], $0x0  }
0x19: {  	s7 =	sld [smem:$0x3F93]  }
0x1a: {  	s8 =	sadd.s32 $0xFFFFE003, lr  }
0x1b: {  	s9 =	sadd.s32 $0xFFFFFEF7, lr;
	s5 =	simm.s32 $0xFFFFFFFF;
	p2 =	slt.u32 s8, $0xFFFFF086  }
0x1c: {  	p1 =	slt.u32 s9, $0xF7A;
	s5 =	simm.s32 @!p2 $0x0  }
0x1d: {  	s5 =	simm.s32 @p1 $0x1;
	p0 =	seq.s32 s7, s2  }
0x1e: {  	s7 =	smul.u32 @!p0 $0xF7A, s2;
	p2 =	seq.s32 @!p0 s5, $0x0  }
0x1f: {  	s9 =	smul.u32 $0xF7A, s1;
	s8 =	simm.s32 @!p0 $0x1BF5;
	p2 =	por !p2, p0  }
0x20: {  	[sflag:s8] =	ssyncset.s32 @!p0 $0xFFFFF086;
	s6 =	sadd.s32 @!p0 s3, s7;
	s7 =	simm.s32 @!p0 $0x108  }
0x21: {  	s3 =	sadd.s32 s3, s9;
	s6 =	sadd.s32 @!p0 $0x88, s6;
	s7 =	simm.s32 @p2 $0x1082  }
0x22: {  	[simem:s7], [sflag:s8] =	dma.local @!p0 [hbm:s6], $0xF7A  }
0x23: {  	s9 =	sor.u32 $0xD0000000, s2;
	s6 =	simm.s32 $0x108;
	_ =	swait.ge @!p0 [sflag:s8], $0x0  }
0x24: {  	s3 =	sadd.s32 $0x88, s3;
	s6 =	simm.s32 @!p1 $0x1082;
	[sflag:s4] =	ssyncset.s32 $0xFFFFF086  }
0x25: {  	[simem:s6], [sflag:s4] =	dma.local [hbm:s3], $0xF7A  }
0x26: {  	[smem:$0x3F93] =	sst s1;
	(tag) =	ssettag s2;
	_ =	strace s9  }
0x27: {  	s1 =	sld [smem:$0x3FA3]  }
0x28: {  	s2 =	sld [smem:$0x3FA4]  }
0x29: {  	s4 =	sld [smem:$0x3FA6]  }
0x2a: {  	p0 =	seq.s32 s5, $0x0;
	s5 =	sld [smem:$0x3FA7]  }
0x2b: {  	s6 =	sld [smem:$0x3FA8]  }
0x2c: {  	s7 =	sld [smem:$0x3FA9]  }
0x2d: {  	s3 =	simm.s32 $0x108;
	s8 =	sld [smem:$0x3FAA]  }
0x2e: {  	s3 =	simm.s32 @!p0 $0x1082;
	s9 =	sld [smem:$0x3FAB]  }
0x2f: {  	lr =	sadd.s32 s0, s3;
	s0 =	sld [smem:$0x3FA2]  }
0x30: {  	s3 =	sld [smem:$0x3FA5]  }
0x31: {  	[smem:$0x3FAE] =	sst s10  }
0x32: {  	s10 =	sld [smem:$0x3FAC];
	_ =	sdelay $0x3  }
0x33: {  	p0 =	seq.s32 s10, $0x1;
	s10 =	sld [smem:$0x3FAE];
	_ =	sdelay $0x3  }
0x34: {  	[smem:$0x3FAE] =	sst s10  }
0x35: {  	s10 =	sld [smem:$0x3FAD];
	_ =	sdelay $0x3  }
0x36: {  	p1 =	seq.s32 s10, $0x1;
	s10 =	sld [smem:$0x3FAE];
	_ =	sdelay $0x3  }
0x37: {  	[smem:$0x3FAE] =	sst s10  }
0x38: {  	s10 =	sld [smem:$0x3FAF]  }
0x39: {  	_ = 	snop;
	(pc) =	sbr.ind lr, $3  }
0x3a: {  	_ = 	snop  }
0x3b: {  	_ = 	snop  }
0x3c: {  	p2 =	seq.s32 s10, $0x1;
	s10 =	sld [smem:$0x3FAE]  }
0x3d: {  	_ =	shalt  }
0x3e: {  	_ =	shalt  }
0x3f: {  	_ =	shalt  }
0x40: {  	_ =	shalt  }
0x41: {  	_ =	shalt  }
0x42: {  	_ =	shalt  }
0x43: {  	_ =	shalt  }
0x44: {  	_ =	shalt  }
0x45: {  	_ =	shalt  }
0x46: {  	_ =	shalt  }
0x47: {  	_ =	shalt  }
0x48: {  	_ =	shalt  }
0x49: {  	_ =	shalt  }
0x4a: {  	_ =	shalt  }
0x4b: {  	_ =	shalt  }
0x4c: {  	_ =	shalt  }
0x4d: {  	_ =	shalt  }
0x4e: {  	_ =	shalt  }
0x4f: {  	_ =	shalt  }
0x50: {  	_ =	shalt  }
0x51: {  	_ =	shalt  }
0x52: {  	_ =	shalt  }
0x53: {  	_ =	shalt  }
0x54: {  	_ =	shalt  }
0x55: {  	_ =	shalt  }
0x56: {  	_ =	shalt  }
0x57: {  	_ =	shalt  }
0x58: {  	_ =	shalt  }
0x59: {  	_ =	shalt  }
0x5a: {  	_ =	shalt  }
0x5b: {  	_ =	shalt  }
0x5c: {  	_ =	shalt  }
0x5d: {  	_ =	shalt  }
0x5e: {  	_ =	shalt  }
0x5f: {  	_ =	shalt  }
0x60: {  	_ =	shalt  }
0x61: {  	_ =	shalt  }
0x62: {  	_ =	shalt  }
0x63: {  	_ =	shalt  }
0x64: {  	_ =	shalt  }
0x65: {  	_ =	shalt  }
0x66: {  	_ =	shalt  }
0x67: {  	_ =	shalt  }
0x68: {  	_ =	shalt  }
0x69: {  	_ =	shalt  }
0x6a: {  	_ =	shalt  }
0x6b: {  	_ =	shalt  }
0x6c: {  	_ =	shalt  }
0x6d: {  	_ =	shalt  }
0x6e: {  	_ =	shalt  }
0x6f: {  	_ =	shalt  }
0x70: {  	_ =	shalt  }
0x71: {  	_ =	shalt  }
0x72: {  	_ =	shalt  }
0x73: {  	_ =	shalt  }
0x74: {  	_ =	shalt  }
0x75: {  	_ =	shalt  }
0x76: {  	_ =	shalt  }
0x77: {  	_ =	shalt  }
0x78: {  	_ =	shalt  }
0x79: {  	_ =	shalt  }
0x7a: {  	_ =	shalt  }
0x7b: {  	_ =	shalt  }
0x7c: {  	_ =	shalt  }
0x7d: {  	_ =	shalt  }
0x7e: {  	_ =	shalt  }
0x7f: {  	_ =	shalt  }
0x80: {  	_ =	shalt  }
0x81: {  	_ =	shalt  }
0x82: {  	_ =	shalt  }
0x83: {  	_ =	shalt  }
0x84: {  	_ =	shalt  }
0x85: {  	_ =	shalt  }
0x86: {  	_ =	shalt  }
0x87: {  	_ =	shalt  }
.Lfunc_end0:
.L_simem_size_0:
called_computation.3_lowered:
.L_overlay_start_0:
0x88: {  	s2 =	sld [smem:$0x3FD9]  }
0x89: {  	s3 =	sld [smem:$0x3FFE];
	_ =	sdelay $0x1  }
0x8a: {  	s1 =	srdreg.scid  }
0x8b: {  	s0 =	sand.u32 $0x1, s1  }
0x8c: {  	s17 =	sshll.u32 s0, $0xA;
	s2 =	sadd.s32 s3, s2  }
0x8d: {  	s2 =	sadd.s32 s2, s17  }
0x8e: {  	[smem:$0x3FBA] =	sst s2  }
0x8f: {  	_ = 	snop  }
0x90: {  	s2 =	sld [smem:$0x3FD0];
	(tm) =	ssettm $0x1  }
0x91: {  	s18 =	sld [smem:$0x3FFB];
	_ =	sdelay $0x3  }
0x92: {  	_ =	strace s18  }
0x93: {  	s3 =	sld [smem:$0x3FFC];
	_ =	sdelay $0x3  }
0x94: {  	_ =	strace s3  }
0x95: {  	s3 =	sld [smem:$0x3FFD];
	_ =	sdelay $0x3  }
0x96: {  	_ =	strace s3  }
0x97: {  	_ =	strace $0x8FFFFFFF  }
0x98: {  	s19 =	sld [smem:$0x3FDB];
	_ =	sdelay $0x1  }
0x99: {  	s4 =	simm.s32 $_scs_section_size  }
0x9a: {  	s5 =	simm.s32 $_size__tile_overlayer_lowered;
	s6 =	simm.s32 $_tile_overlayer_lowered  }
0x9b: {  	s22 =	simm.s32 $0x1BFF;
	s21 =	sshll.u32 s6, $0x1;
	s3 =	sadd.s32 s4, s19  }
0x9c: {  	s7 =	simm.s32 $0x0;
	s20 =	sshll.u32 s5, $0x1;
	s5 =	sadd.s32 s21, s3  }
0x9d: {  	[timem:s7], [sflag:s22] =	dma.local [hbm:s5], s20  }
0x9e: {  	_ =	swait.ge [sflag:s22], s20  }
0x9f: {  	s4 =	ssub.s32 $0x0, s20;
	[sflag:s22] =	ssyncset.done $0x0  }
0xa0: {  	[sflag:s22] =	ssyncadd.s32 s4;
	_ =	sdelay $0x1  }
0xa1: {  	s23 =	simm.s32 $0x1B8B  }
0xa2: {  	_ =	swait.ge [sflag:s23], $0x1  }
0xa3: {  	[sflag:s23] =	ssyncset.done $0x0  }
0xa4: {  	s25 =	simm.s32 $0x1B8E;
	s24 =	sld [smem:$0x3FFE];
	[sflag:s23] =	ssyncadd.s32 $0xFFFFFFFF  }
0xa5: {  	s26 =	simm.s32 $execute0_lowered;
	[smem:$0x3FD2] =	sst s25  }
0xa6: {  	s5 =	sshll.u32 s26, $0x1;
	_ =	strace $0x8000004F;
	[dreg:$0x1] =	wrdreg $0xFFFFFFFF  }
0xa7: {  	s28 =	simm.s32 $_size_execute0_lowered;
	s3 =	sadd.s32 s3, s5;
	[dreg:$0x0] =	wrdreg $0x0  }
0xa8: {  	s5 =	sshll.u32 s28, $0x1;
	[dreg:$0x2] =	wrdreg s3  }
0xa9: {  	[dreg:$0x3] =	wrdreg s5  }
0xaa: {  	[dreg:$0x4] =	wrdreg $0xC0  }
0xab: {  	_ =	task [dreg:s7], $0x5FFFF  }
0xac: {  	[dreg:$0x1] =	wrdreg $0xFFFFFFFF  }
0xad: {  	[dreg:$0x0] =	wrdreg $0x60  }
0xae: {  	[dreg:$0x2] =	wrdreg s24  }
0xaf: {  	[dreg:$0x3] =	wrdreg s2  }
0xb0: {  	[dreg:$0x4] =	wrdreg $0x52000  }
0xb1: {  	[dreg:$0x5] =	wrdreg $0x9  }
0xb2: {  	_ =	task.clear_ibuf [dreg:s7], $0x6FFFF;
	_ =	strace $0x9000004F  }
0xb3: {  	s29 =	simm.s32 $0x9;
	_ =	strace $0x80000051  }
0xb4: {  	_ =	swait.ge [sflag:s29], $0x1  }
0xb5: {  	[sflag:s29] =	ssyncadd.s32 $0xFFFFFFFF  }
0xb6: {  	_ =	strace $0x90000051  }
0xb7: {  	_ =	sfence  }
0xb8: {  	s30 =	sld [smem:$0x0];
	_ =	sdelay $0x2  }
0xb9: {  	s31 =	sshll.u32 s1, $0xD;
	s1 =	sshrl.u32 s1, $0x2  }
0xba: {  	s3 =	sand.u32 $0x4000, s31;
	s1 =	sadd.s32 s1, s30  }
0xbb: {  	s0 =	sor.u32 s3, s0;
	s1 =	sshll.u32 s1, $0x11  }
0xbc: {  	s0 =	sor.u32 s1, s0  }
0xbd: {  	s0 =	sadd.s32 $0x8F2B, s0  }
0xbe: {  	[sflag:s0] =	ssyncadd.remote.s32 $0x1  }
0xbf: {  	_ =	sfence.sel $0xFFFF  }
0xc0: {  	[dreg:$0x0] =	wrdreg $0xFFFFFFFF;
	(pc) =	sbr.abs _section_cstart, $3  }
0xc1: {  	[dreg:$0x1] =	wrdreg $0xFFFFFFFF  }
0xc2: {  	_ =	task.clear_ibuf [dreg:s7], $0x2FFFF;
	_ =	strace $0x9FFFFFFF  }
0xc3: {  	(tm) =	ssettm $0x7FFFFFFF  }
tec
execute0_lowered:
.L_overlay_start_1:
0x0: {  	(tag) =	ssettag $0x1  }
0x1: {  	s5 =	rddreg [dreg:$0x0]  }
0x2: {  	s15 =	rddreg [dreg:$0x1]  }
0x3: {  	s2 =	rddreg [dreg:$0x2]  }
0x4: {  	s0 =	rddreg [dreg:$0x3]  }
0x5: {  	s1 =	stileid.u32;
	s4 =	srdreg.scid;
	s3 =	simm.s32 $0x0  }
0x6: {  	s19 =	simm.s32 $0x80;
	s20 =	simm.s32 $0x50;
	s21 =	simm.s32 $0x200  }
0x7: {  	s22 =	simm.s32 $0x100;
	s28 =	simm.s32 $0x0;
	s6 =	smul.u32 $0x14000, s1  }
0x8: {  	s7 =	sand.u32 $0x1, s4;
	[smem:$0x7FF] =	sst s3;
	s24 =	smul.u32 $0x50000, s1  }
0x9: {  	s4 =	sadd.s32 $0x36400, s5;
	s16 =	sadd.s32 $0x3800, s5;
	s14 =	smul.u32 $0x2800, s1  }
0xa: {  	s30 =	sshll.u32 s1, $0x6;
	s8 =	smul.u32 $0x140000, s7;
	_ =	strace $0x80000050  }
0xb: {  	s25 =	ssub.s32 $0x2, s7;
	s26 =	sshll.u32 s7, $0x4;
	s13 =	smul.u32 $0x28000, s7  }
0xc: {  	s9 =	sshrl.u32 s6, $0x3;
	s10 =	sshrl.u32 s25, $0x1;
	s6 =	sadd.s32 s6, s8  }
0xd: {  	s23 =	sadd.s32 s9, s5;
	s9 =	sshrl.u32 s24, $0x2;
	s12 =	ssub.s32 s25, s10  }
0xe: {  	s13 =	sadd.s32 s14, s13;
	s24 =	simm.s32 $0x1;
	s25 =	simm.s32 $0x2A00  }
0xf: {  	s6 =	sshrl.u32 s6, $0x3;
	s17 =	sadd.s32 s9, s2;
	s14 =	sor.u32 $0xA0, s13  }
0x10: {  	s13 =	sor.u32 $0x50, s13;
	s12 =	smax.u32 s12, $0x1;
	s11 =	sadd.s32 s6, s5  }
0x11: {  	s6 =	sor.u32 s1, s26;
	s5 =	sadd.s32 $0xE400, s23;
	s14 =	sshrl.u32 s14, $0x3  }
0x12: {  	s18 =	sshrl.u32 s13, $0x3;
	s17 =	sshrl.u32 s17, $0x3;
	s29 =	smul.u32 $0x2800, s6  }
0x13: {  	s23 =	simm.s32 $0x180;
	s26 =	simm.s32 $0x2;
	s6 =	sor.u32 $0x1C03, s30  }
0x14: {  	s11 =	sadd.s32 $0x5E400, s11;
	s13 =	sadd.s32 s14, s15;
	s31 =	sshrl.u32 s29, $0x3  }
0x15: {  	s14 =	sadd.s32 s14, s16;
	s7 =	sadd.s32 s16, s31;
	s10 =	sadd.s32 $0x4F6, s31  }
0x16: {  	s8 =	sadd.s32 s15, s31;
	s9 =	sadd.s32 s16, s10;
	s10 =	sadd.s32 s15, s10  }
0x17: {  	s15 =	sadd.s32 s18, s15;
	s16 =	sadd.s32 s18, s16;
	s18 =	simm.s32 $0x3  }
.LBB2_1:
0x18: {  	[spmem:s17], [sflag:s6] =	dma.local [hbm:s5], $0x2800  }
0x19: {  	_ =	swait.ge [sflag:s18], $0x2800  }
0x1a: {  	[sflag:s18] =	ssyncset.done $0x0  }
0x1b: {  	[sflag:s18] =	ssyncadd.s32 $0xFFFFD800  }
0x1c: {  	[bflag:$0x0] =	sbarrier.arrive $0xFFFF  }
0x1d: {  	[tilespmem:s3], [sflag:$0x3] =	stream.linear.gather [hbm4b:s7+s3], $0x50, $0x38;
	[tilespmem:$0x19200] =	vst v63  }
0x1e: {  	_ =	swait.ge [sflag:s18], $0x50  }
0x1f: {  	[sflag:s18] =	ssyncset.done $0x0  }
0x20: {  	[sflag:s18] =	ssyncadd.s32 $0xFFFFFFB0  }
0x21: {  	[tilespmem:s19], [sflag:$0x3] =	stream.linear.gather [hbm4b:s8+s3], $0x50, $0x38;
	[tilespmem:$0x19200] =	vst v63  }
0x22: {  	_ =	swait.ge [sflag:s18], $0x50  }
0x23: {  	[sflag:s18] =	ssyncset.done $0x0  }
0x24: {  	[sflag:s18] =	ssyncadd.s32 $0xFFFFFFB0  }
0x25: {  	[tilespmem:s21], [sflag:$0x1] =	stream.indirect.gather [hbm4b:s4+s20], $0x80, s3, s20, $0xb8;
	[tilespmem:$0x19200] =	vst v63  }
0x26: {  	s29 =	sadd.s32 $0x0, s16  }
0x27: {  	[tilespmem:s22], [sflag:$0x3] =	stream.linear.gather [hbm4b:s29+s3], $0x50, $0x38;
	[tilespmem:$0x19200] =	vst v63  }
0x28: {  	_ =	swait.ge [sflag:s18], $0x50  }
0x29: {  	[sflag:s18] =	ssyncset.done $0x0  }
0x2a: {  	s29 =	sadd.s32 $0x0, s15;
	[sflag:s18] =	ssyncadd.s32 $0xFFFFFFB0  }
0x2b: {  	[tilespmem:s23], [sflag:$0x3] =	stream.linear.gather [hbm4b:s29+s3], $0x50, $0x38;
	[tilespmem:$0x19200] =	vst v63  }
0x2c: {  	_ =	swait.ge [sflag:s18], $0x50  }
0x2d: {  	[sflag:s18] =	ssyncset.done $0x0  }
0x2e: {  	[sflag:s18] =	ssyncadd.s32 $0xFFFFFFB0  }
0x2f: {  	_ =	swait.ge [sflag:s24], $0x2800  }
0x30: {  	[sflag:s24] =	ssyncset.done $0x0  }
0x31: {  	[sflag:s24] =	ssyncadd.s32 $0xFFFFD800  }
0x32: {  	[tilespmem:s25], [sflag:$0x2] =	stream.indirect.gather [hbm4b:s4+s20], $0x80, s22, s20, $0xb8;
	[tilespmem:$0x19200] =	vst v63  }
0x33: {  	_ = 	snop  }
0x34: {  	[spmem:s2] =	stream.indirect.scatter.add.f32 [tilespmem:s21], [sflag:$0x3], $0x80, s19, s20, $0xb8;
	[tilespmem:$0x19200] =	vst v63  }
0x35: {  	_ =	swait.ge [sflag:s18], $0x2800  }
0x36: {  	[sflag:s18] =	ssyncset.done $0x0  }
0x37: {  	s29 =	sadd.s32 $0x0, s14;
	[sflag:s18] =	ssyncadd.s32 $0xFFFFD800  }
0x38: {  	[tilespmem:s3], [sflag:$0x3] =	stream.linear.gather [hbm4b:s29+s3], $0x50, $0x38;
	[tilespmem:$0x19200] =	vst v63  }
0x39: {  	_ =	swait.ge [sflag:s18], $0x50  }
0x3a: {  	[sflag:s18] =	ssyncset.done $0x0  }
0x3b: {  	s29 =	sadd.s32 $0x0, s13;
	[sflag:s18] =	ssyncadd.s32 $0xFFFFFFB0  }
0x3c: {  	[tilespmem:s19], [sflag:$0x3] =	stream.linear.gather [hbm4b:s29+s3], $0x50, $0x38;
	[tilespmem:$0x19200] =	vst v63  }
0x3d: {  	_ =	swait.ge [sflag:s18], $0x50  }
0x3e: {  	[sflag:s18] =	ssyncset.done $0x0  }
0x3f: {  	[sflag:s18] =	ssyncadd.s32 $0xFFFFFFB0  }
0x40: {  	_ =	swait.ge [sflag:s26], $0x2800  }
0x41: {  	[sflag:s26] =	ssyncset.done $0x0  }
0x42: {  	[sflag:s26] =	ssyncadd.s32 $0xFFFFD800  }
0x43: {  	[tilespmem:s21], [sflag:$0x1] =	stream.indirect.gather [hbm4b:s4+s20], $0x80, s3, s20, $0xb8;
	[tilespmem:$0x19200] =	vst v63  }
0x44: {  	_ = 	snop  }
0x45: {  	[spmem:s2] =	stream.indirect.scatter.add.f32 [tilespmem:s25], [sflag:$0x3], $0x80, s23, s20, $0xb8;
	[tilespmem:$0x19200] =	vst v63  }
0x46: {  	_ =	swait.ge [sflag:s18], $0x2800  }
0x47: {  	s29 =	simm.s32 $0x14;
	[sflag:s18] =	ssyncset.done $0x0  }
.LBB2_2:
0x48: {  	p0 =	sne.s32 s29, $0x4D8  }
0x49: {  	[sflag:s18] =	ssyncadd.s32 $0xFFFFD800;
	s30 =	smov.u32 s29;
	s29 =	sadd.s32 $0x14, s29  }
0x4a: {  	s31 =	sadd.s32 s30, s16  }
0x4b: {  	[tilespmem:s22], [sflag:$0x3] =	stream.linear.gather [hbm4b:s31+s3], $0x50, $0x38;
	[tilespmem:$0x19200] =	vst v63  }
0x4c: {  	_ =	swait.ge [sflag:s18], $0x50  }
0x4d: {  	[sflag:s18] =	ssyncset.done $0x0  }
0x4e: {  	s31 =	sadd.s32 s30, s15;
	[sflag:s18] =	ssyncadd.s32 $0xFFFFFFB0  }
0x4f: {  	[tilespmem:s23], [sflag:$0x3] =	stream.linear.gather [hbm4b:s31+s3], $0x50, $0x38;
	[tilespmem:$0x19200] =	vst v63  }
0x50: {  	_ =	swait.ge [sflag:s18], $0x50  }
0x51: {  	[sflag:s18] =	ssyncset.done $0x0  }
0x52: {  	[sflag:s18] =	ssyncadd.s32 $0xFFFFFFB0  }
0x53: {  	_ =	swait.ge [sflag:s24], $0x2800  }
0x54: {  	[sflag:s24] =	ssyncset.done $0x0  }
0x55: {  	[sflag:s24] =	ssyncadd.s32 $0xFFFFD800  }
0x56: {  	[tilespmem:s25], [sflag:$0x2] =	stream.indirect.gather [hbm4b:s4+s20], $0x80, s22, s20, $0xb8;
	[tilespmem:$0x19200] =	vst v63  }
0x57: {  	_ = 	snop  }
0x58: {  	[spmem:s2] =	stream.indirect.scatter.add.f32 [tilespmem:s21], [sflag:$0x3], $0x80, s19, s20, $0xb8;
	[tilespmem:$0x19200] =	vst v63  }
0x59: {  	_ =	swait.ge [sflag:s18], $0x2800  }
0x5a: {  	[sflag:s18] =	ssyncset.done $0x0  }
0x5b: {  	s31 =	sadd.s32 s30, s14;
	[sflag:s18] =	ssyncadd.s32 $0xFFFFD800  }
0x5c: {  	[tilespmem:s3], [sflag:$0x3] =	stream.linear.gather [hbm4b:s31+s3], $0x50, $0x38;
	[tilespmem:$0x19200] =	vst v63  }
0x5d: {  	_ =	swait.ge [sflag:s18], $0x50  }
0x5e: {  	[sflag:s18] =	ssyncset.done $0x0  }
0x5f: {  	s30 =	sadd.s32 s30, s13;
	[sflag:s18] =	ssyncadd.s32 $0xFFFFFFB0  }
0x60: {  	[tilespmem:s19], [sflag:$0x3] =	stream.linear.gather [hbm4b:s30+s3], $0x50, $0x38;
	[tilespmem:$0x19200] =	vst v63  }
0x61: {  	_ =	swait.ge [sflag:s18], $0x50  }
0x62: {  	[sflag:s18] =	ssyncset.done $0x0  }
0x63: {  	[sflag:s18] =	ssyncadd.s32 $0xFFFFFFB0  }
0x64: {  	_ =	swait.ge [sflag:s26], $0x2800  }
0x65: {  	[sflag:s26] =	ssyncset.done $0x0  }
0x66: {  	[sflag:s26] =	ssyncadd.s32 $0xFFFFD800  }
0x67: {  	[tilespmem:s21], [sflag:$0x1] =	stream.indirect.gather [hbm4b:s4+s20], $0x80, s3, s20, $0xb8;
	[tilespmem:$0x19200] =	vst v63  }
.Ltmp0:
0x68: {  	_ = 	snop;
	(pc) =	sbr.rel @p0 .LBB2_2-.Ltmp0, $4  }
0x69: {  	_ = 	snop  }
0x6a: {  	[spmem:s2] =	stream.indirect.scatter.add.f32 [tilespmem:s25], [sflag:$0x3], $0x80, s23, s20, $0xb8;
	[tilespmem:$0x19200] =	vst v63  }
0x6b: {  	_ =	swait.ge [sflag:s18], $0x2800  }
0x6c: {  	[sflag:s18] =	ssyncset.done $0x0  }
0x6d: {  	[sflag:s18] =	ssyncadd.s32 $0xFFFFD800  }
0x6e: {  	[tilespmem:s22], [sflag:$0x3] =	stream.linear.gather [hbm4b:s9+s3], $0x50, $0x38;
	[tilespmem:$0x19200] =	vst v63  }
0x6f: {  	_ =	swait.ge [sflag:s18], $0x50  }
0x70: {  	[sflag:s18] =	ssyncset.done $0x0  }
0x71: {  	[sflag:s18] =	ssyncadd.s32 $0xFFFFFFB0  }
0x72: {  	[tilespmem:s23], [sflag:$0x3] =	stream.linear.gather [hbm4b:s10+s3], $0x50, $0x38;
	[tilespmem:$0x19200] =	vst v63  }
0x73: {  	_ =	swait.ge [sflag:s18], $0x50  }
0x74: {  	[sflag:s18] =	ssyncset.done $0x0  }
0x75: {  	[sflag:s18] =	ssyncadd.s32 $0xFFFFFFB0  }
0x76: {  	_ =	swait.ge [sflag:s24], $0x2800  }
0x77: {  	[sflag:s24] =	ssyncset.done $0x0  }
0x78: {  	[sflag:s24] =	ssyncadd.s32 $0xFFFFD800  }
0x79: {  	[tilespmem:s25], [sflag:$0x2] =	stream.indirect.gather [hbm4b:s4+s20], $0x80, s22, s20, $0xb8;
	[tilespmem:$0x19200] =	vst v63  }
0x7a: {  	_ = 	snop  }
0x7b: {  	[spmem:s2] =	stream.indirect.scatter.add.f32 [tilespmem:s21], [sflag:$0x3], $0x80, s19, s20, $0xb8;
	[tilespmem:$0x19200] =	vst v63  }
0x7c: {  	_ =	swait.ge [sflag:s18], $0x2800  }
0x7d: {  	[sflag:s18] =	ssyncset.done $0x0  }
0x7e: {  	[sflag:s18] =	ssyncadd.s32 $0xFFFFD800  }
0x7f: {  	_ =	swait.ge [sflag:s26], $0x2800  }
0x80: {  	[sflag:s26] =	ssyncset.done $0x0  }
0x81: {  	[sflag:s26] =	ssyncadd.s32 $0xFFFFD800  }
0x82: {  	[spmem:s2] =	stream.indirect.scatter.add.f32 [tilespmem:s25], [sflag:$0x3], $0x80, s23, s20, $0xb8;
	[tilespmem:$0x19200] =	vst v63  }
0x83: {  	_ =	swait.ge [sflag:s18], $0x2800  }
0x84: {  	s28 =	sadd.s32 $0x1, s28;
	[sflag:s18] =	ssyncset.done $0x0  }
0x85: {  	p0 =	sne.s32 s28, s12;
	[sflag:s18] =	ssyncadd.s32 $0xFFFFD800  }
.Ltmp1:
0x86: {  	[bflag:$0x0] =	sbarrier.arrive $0xFFFF;
	(pc) =	sbr.rel @p0 .LBB2_1-.Ltmp1, $4  }
0x87: {  	[hbm:s11], [sflag:s6] =	dma.local [spmem:s17], $0x2800  }
0x88: {  	_ =	swait.ge [sflag:s18], $0x2800  }
0x89: {  	[sflag:s18] =	ssyncset.done $0x0  }
0x8a: {  	[sflag:s18] =	ssyncadd.s32 $0xFFFFD800  }
0x8b: {  	_ =	sfence.sel $0x180000  }
0x8c: {  	[bflag:$0x0] =	sbarrier.arrive $0xFFFF  }
0x8d: {  	p0 =	sne.s32 s1, $0x0;
	_ =	strace $0x90000050  }
0x8e: {  	s0 =	sadd.s32 @!p0 $0x100000, s0;
	[bflag:$0x2] =	sbarrier.arrive $0xFFFF  }
0x8f: {  	[sflag:s0] =	ssyncadd.tile.s32 @!p0 $0x1;
	_ =	shalt  }
.Lfunc_end2:
_tile_overlayer_lowered:
.L_overlay_start_2:
0x90: {  	(tag) =	ssettag $0x2  }
0x91: {  	s0 =	rddreg [dreg:$0x0];
	s2 =	stileid.u32  }
0x92: {  	s1 =	rddreg [dreg:$0x1];
	p0 =	sne.s32 s2, $0x0  }
0x93: {  	s3 =	rddreg [dreg:$0x2];
	[bflag:$0x3] =	sbarrier.arrive $0xFFFF;
	s2 =	simm.s32 @!p0 $0x1C03  }
0x94: {  	[timem:s3], [sflag:s2] =	dma.local @!p0 [hbm:s0], s1  }
0x95: {  	s0 =	simm.s32 @!p0 $0x3  }
0x96: {  	_ =	swait.ge @!p0 [sflag:s0], s1  }
0x97: {  	s1 =	ssub.s32 @!p0 $0x0, s1;
	[sflag:s0] =	ssyncset.done @!p0 $0x0  }
0x98: {  	[sflag:s0] =	ssyncadd.s32 @!p0 s1  }
0x99: {  	[bflag:$0x3] =	sbarrier.arrive $0xFFFF  }
0x9a: {  	_ =	shalt  }

// kernel: kernel.24.cloned.1.call-start
scs
__scs_entry_jumppad:
0x0: {  	(pc) =	sbr.rel $0x88, $3  }
0x1: {  	(tag) =	ssettag $0x0;
	lr =	simm.s32 $0x1  }
0x2: {  	[smem:$0x3F93] =	sst lr;
	_ =	strace $0xD0000000  }
0x3: {  	_ = 	snop  }
0x4: {  	_ = 	snop  }
0x5: {  	_ = 	snop  }
0x6: {  	_ = 	snop  }
0x7: {  	_ = 	snop  }
__scs_overlays_trampoline_lowered:
0x8: {  	[smem:$0x3FA2] =	sst s0  }
0x9: {  	[smem:$0x3FA3] =	sst s1  }
0xa: {  	[smem:$0x3FA4] =	sst s2  }
0xb: {  	[smem:$0x3FA5] =	sst s3  }
0xc: {  	[smem:$0x3FA6] =	sst s4  }
0xd: {  	[smem:$0x3FA7] =	sst s5  }
0xe: {  	[smem:$0x3FA8] =	sst s6  }
0xf: {  	[smem:$0x3FA9] =	sst s7  }
0x10: {  	[smem:$0x3FAA] =	sst s8  }
0x11: {  	[smem:$0x3FAB] =	sst s9;
	s0 =	simm.s32 @!p0 $0x0  }
0x12: {  	s1 =	sld [smem:$0x3F91];
	s0 =	simm.s32 @p0 $0x1  }
0x13: {  	[smem:$0x3FAC] =	sst s0;
	s0 =	simm.s32 @!p1 $0x0  }
0x14: {  	s2 =	sld [smem:$0x3F90];
	s0 =	simm.s32 @p1 $0x1  }
0x15: {  	[smem:$0x3FAD] =	sst s0;
	s0 =	simm.s32 @!p2 $0x0  }
0x16: {  	s3 =	sld [smem:$0x3FDB];
	s0 =	simm.s32 @p2 $0x1  }
0x17: {  	s4 =	simm.s32 $0x1BF5;
	[smem:$0x3FAF] =	sst s0  }
0x18: {  	s0 =	sld [smem:$0x3F92];
	_ =	swait.ge [sflag:s4], $0x0  }
0x19: {  	s7 =	sld [smem:$0x3F93]  }
0x1a: {  	s8 =	sadd.s32 $0xFFFFE003, lr  }
0x1b: {  	s9 =	sadd.s32 $0xFFFFFEF7, lr;
	s5 =	simm.s32 $0xFFFFFFFF;
	p2 =	slt.u32 s8, $0xFFFFF086  }
0x1c: {  	p1 =	slt.u32 s9, $0xF7A;
	s5 =	simm.s32 @!p2 $0x0  }
0x1d: {  	s5 =	simm.s32 @p1 $0x1;
	p0 =	seq.s32 s7, s2  }
0x1e: {  	s7 =	smul.u32 @!p0 $0xF7A, s2;
	p2 =	seq.s32 @!p0 s5, $0x0  }
0x1f: {  	s9 =	smul.u32 $0xF7A, s1;
	s8 =	simm.s32 @!p0 $0x1BF5;
	p2 =	por !p2, p0  }
0x20: {  	[sflag:s8] =	ssyncset.s32 @!p0 $0xFFFFF086;
	s6 =	sadd.s32 @!p0 s3, s7;
	s7 =	simm.s32 @!p0 $0x108  }
0x21: {  	s3 =	sadd.s32 s3, s9;
	s6 =	sadd.s32 @!p0 $0x88, s6;
	s7 =	simm.s32 @p2 $0x1082  }
0x22: {  	[simem:s7], [sflag:s8] =	dma.local @!p0 [hbm:s6], $0xF7A  }
0x23: {  	s9 =	sor.u32 $0xD0000000, s2;
	s6 =	simm.s32 $0x108;
	_ =	swait.ge @!p0 [sflag:s8], $0x0  }
0x24: {  	s3 =	sadd.s32 $0x88, s3;
	s6 =	simm.s32 @!p1 $0x1082;
	[sflag:s4] =	ssyncset.s32 $0xFFFFF086  }
0x25: {  	[simem:s6], [sflag:s4] =	dma.local [hbm:s3], $0xF7A  }
0x26: {  	[smem:$0x3F93] =	sst s1;
	(tag) =	ssettag s2;
	_ =	strace s9  }
0x27: {  	s1 =	sld [smem:$0x3FA3]  }
0x28: {  	s2 =	sld [smem:$0x3FA4]  }
0x29: {  	s4 =	sld [smem:$0x3FA6]  }
0x2a: {  	p0 =	seq.s32 s5, $0x0;
	s5 =	sld [smem:$0x3FA7]  }
0x2b: {  	s6 =	sld [smem:$0x3FA8]  }
0x2c: {  	s7 =	sld [smem:$0x3FA9]  }
0x2d: {  	s3 =	simm.s32 $0x108;
	s8 =	sld [smem:$0x3FAA]  }
0x2e: {  	s3 =	simm.s32 @!p0 $0x1082;
	s9 =	sld [smem:$0x3FAB]  }
0x2f: {  	lr =	sadd.s32 s0, s3;
	s0 =	sld [smem:$0x3FA2]  }
0x30: {  	s3 =	sld [smem:$0x3FA5]  }
0x31: {  	[smem:$0x3FAE] =	sst s10  }
0x32: {  	s10 =	sld [smem:$0x3FAC];
	_ =	sdelay $0x3  }
0x33: {  	p0 =	seq.s32 s10, $0x1;
	s10 =	sld [smem:$0x3FAE];
	_ =	sdelay $0x3  }
0x34: {  	[smem:$0x3FAE] =	sst s10  }
0x35: {  	s10 =	sld [smem:$0x3FAD];
	_ =	sdelay $0x3  }
0x36: {  	p1 =	seq.s32 s10, $0x1;
	s10 =	sld [smem:$0x3FAE];
	_ =	sdelay $0x3  }
0x37: {  	[smem:$0x3FAE] =	sst s10  }
0x38: {  	s10 =	sld [smem:$0x3FAF]  }
0x39: {  	_ = 	snop;
	(pc) =	sbr.ind lr, $3  }
0x3a: {  	_ = 	snop  }
0x3b: {  	_ = 	snop  }
0x3c: {  	p2 =	seq.s32 s10, $0x1;
	s10 =	sld [smem:$0x3FAE]  }
0x3d: {  	_ =	shalt  }
0x3e: {  	_ =	shalt  }
0x3f: {  	_ =	shalt  }
0x40: {  	_ =	shalt  }
0x41: {  	_ =	shalt  }
0x42: {  	_ =	shalt  }
0x43: {  	_ =	shalt  }
0x44: {  	_ =	shalt  }
0x45: {  	_ =	shalt  }
0x46: {  	_ =	shalt  }
0x47: {  	_ =	shalt  }
0x48: {  	_ =	shalt  }
0x49: {  	_ =	shalt  }
0x4a: {  	_ =	shalt  }
0x4b: {  	_ =	shalt  }
0x4c: {  	_ =	shalt  }
0x4d: {  	_ =	shalt  }
0x4e: {  	_ =	shalt  }
0x4f: {  	_ =	shalt  }
0x50: {  	_ =	shalt  }
0x51: {  	_ =	shalt  }
0x52: {  	_ =	shalt  }
0x53: {  	_ =	shalt  }
0x54: {  	_ =	shalt  }
0x55: {  	_ =	shalt  }
0x56: {  	_ =	shalt  }
0x57: {  	_ =	shalt  }
0x58: {  	_ =	shalt  }
0x59: {  	_ =	shalt  }
0x5a: {  	_ =	shalt  }
0x5b: {  	_ =	shalt  }
0x5c: {  	_ =	shalt  }
0x5d: {  	_ =	shalt  }
0x5e: {  	_ =	shalt  }
0x5f: {  	_ =	shalt  }
0x60: {  	_ =	shalt  }
0x61: {  	_ =	shalt  }
0x62: {  	_ =	shalt  }
0x63: {  	_ =	shalt  }
0x64: {  	_ =	shalt  }
0x65: {  	_ =	shalt  }
0x66: {  	_ =	shalt  }
0x67: {  	_ =	shalt  }
0x68: {  	_ =	shalt  }
0x69: {  	_ =	shalt  }
0x6a: {  	_ =	shalt  }
0x6b: {  	_ =	shalt  }
0x6c: {  	_ =	shalt  }
0x6d: {  	_ =	shalt  }
0x6e: {  	_ =	shalt  }
0x6f: {  	_ =	shalt  }
0x70: {  	_ =	shalt  }
0x71: {  	_ =	shalt  }
0x72: {  	_ =	shalt  }
0x73: {  	_ =	shalt  }
0x74: {  	_ =	shalt  }
0x75: {  	_ =	shalt  }
0x76: {  	_ =	shalt  }
0x77: {  	_ =	shalt  }
0x78: {  	_ =	shalt  }
0x79: {  	_ =	shalt  }
0x7a: {  	_ =	shalt  }
0x7b: {  	_ =	shalt  }
0x7c: {  	_ =	shalt  }
0x7d: {  	_ =	shalt  }
0x7e: {  	_ =	shalt  }
0x7f: {  	_ =	shalt  }
0x80: {  	_ =	shalt  }
0x81: {  	_ =	shalt  }
0x82: {  	_ =	shalt  }
0x83: {  	_ =	shalt  }
0x84: {  	_ =	shalt  }
0x85: {  	_ =	shalt  }
0x86: {  	_ =	shalt  }
0x87: {  	_ =	shalt  }
.Lfunc_end0:
.L_simem_size_0:
called_computation.4_lowered:
.L_overlay_start_0:
0x88: {  	s2 =	sld [smem:$0x3FD9]  }
0x89: {  	s3 =	sld [smem:$0x3FFE];
	_ =	sdelay $0x1  }
0x8a: {  	s1 =	srdreg.scid  }
0x8b: {  	s0 =	sand.u32 $0x1, s1  }
0x8c: {  	s17 =	sshll.u32 s0, $0xA;
	s2 =	sadd.s32 s3, s2  }
0x8d: {  	s2 =	sadd.s32 s2, s17  }
0x8e: {  	[smem:$0x3FBA] =	sst s2  }
0x8f: {  	_ = 	snop  }
0x90: {  	s2 =	sld [smem:$0x3FD0];
	(tm) =	ssettm $0x1  }
0x91: {  	s18 =	sld [smem:$0x3FFB];
	_ =	sdelay $0x3  }
0x92: {  	_ =	strace s18  }
0x93: {  	s3 =	sld [smem:$0x3FFC];
	_ =	sdelay $0x3  }
0x94: {  	_ =	strace s3  }
0x95: {  	s3 =	sld [smem:$0x3FFD];
	_ =	sdelay $0x3  }
0x96: {  	_ =	strace s3  }
0x97: {  	_ =	strace $0x8FFFFFFF  }
0x98: {  	s19 =	sld [smem:$0x3FDB];
	_ =	sdelay $0x1  }
0x99: {  	s4 =	simm.s32 $_scs_section_size  }
0x9a: {  	s5 =	simm.s32 $_size__tile_overlayer_lowered;
	s6 =	simm.s32 $_tile_overlayer_lowered  }
0x9b: {  	s22 =	simm.s32 $0x1BFF;
	s21 =	sshll.u32 s6, $0x1;
	s3 =	sadd.s32 s4, s19  }
0x9c: {  	s7 =	simm.s32 $0x0;
	s20 =	sshll.u32 s5, $0x1;
	s5 =	sadd.s32 s21, s3  }
0x9d: {  	[timem:s7], [sflag:s22] =	dma.local [hbm:s5], s20  }
0x9e: {  	_ =	swait.ge [sflag:s22], s20  }
0x9f: {  	s4 =	ssub.s32 $0x0, s20;
	[sflag:s22] =	ssyncset.done $0x0  }
0xa0: {  	[sflag:s22] =	ssyncadd.s32 s4;
	_ =	sdelay $0x1  }
0xa1: {  	s23 =	simm.s32 $0x1B8B  }
0xa2: {  	_ =	swait.ge [sflag:s23], $0x1  }
0xa3: {  	[sflag:s23] =	ssyncset.done $0x0  }
0xa4: {  	s25 =	simm.s32 $0x1B8E;
	s24 =	sld [smem:$0x3FFE];
	[sflag:s23] =	ssyncadd.s32 $0xFFFFFFFF  }
0xa5: {  	s26 =	simm.s32 $execute0_lowered;
	[smem:$0x3FD2] =	sst s25  }
0xa6: {  	s5 =	sshll.u32 s26, $0x1;
	_ =	strace $0x80000052;
	[dreg:$0x1] =	wrdreg $0xFFFFFFFF  }
0xa7: {  	s28 =	simm.s32 $_size_execute0_lowered;
	s3 =	sadd.s32 s3, s5;
	[dreg:$0x0] =	wrdreg $0x0  }
0xa8: {  	s5 =	sshll.u32 s28, $0x1;
	[dreg:$0x2] =	wrdreg s3  }
0xa9: {  	[dreg:$0x3] =	wrdreg s5  }
0xaa: {  	[dreg:$0x4] =	wrdreg $0xC0  }
0xab: {  	_ =	task [dreg:s7], $0x5FFFF  }
0xac: {  	[dreg:$0x1] =	wrdreg $0xFFFFFFFF  }
0xad: {  	[dreg:$0x0] =	wrdreg $0x60  }
0xae: {  	[dreg:$0x2] =	wrdreg s24  }
0xaf: {  	[dreg:$0x3] =	wrdreg s2  }
0xb0: {  	[dreg:$0x4] =	wrdreg $0x52000  }
0xb1: {  	[dreg:$0x5] =	wrdreg $0x9  }
0xb2: {  	_ =	task.clear_ibuf [dreg:s7], $0x6FFFF;
	_ =	strace $0x90000052  }
0xb3: {  	s29 =	simm.s32 $0x9;
	_ =	strace $0x80000054  }
0xb4: {  	_ =	swait.ge [sflag:s29], $0x1  }
0xb5: {  	[sflag:s29] =	ssyncadd.s32 $0xFFFFFFFF  }
0xb6: {  	_ =	strace $0x90000054  }
0xb7: {  	_ =	sfence  }
0xb8: {  	s30 =	sld [smem:$0x0];
	_ =	sdelay $0x2  }
0xb9: {  	s31 =	sshll.u32 s1, $0xD;
	s1 =	sshrl.u32 s1, $0x2  }
0xba: {  	s3 =	sand.u32 $0x4000, s31;
	s1 =	sadd.s32 s1, s30  }
0xbb: {  	s0 =	sor.u32 s3, s0;
	s1 =	sshll.u32 s1, $0x11  }
0xbc: {  	s0 =	sor.u32 s1, s0  }
0xbd: {  	s0 =	sadd.s32 $0x8F2B, s0  }
0xbe: {  	[sflag:s0] =	ssyncadd.remote.s32 $0x1  }
0xbf: {  	_ =	sfence.sel $0xFFFF  }
0xc0: {  	[dreg:$0x0] =	wrdreg $0xFFFFFFFF;
	(pc) =	sbr.abs _section_cstart, $3  }
0xc1: {  	[dreg:$0x1] =	wrdreg $0xFFFFFFFF  }
0xc2: {  	_ =	task.clear_ibuf [dreg:s7], $0x2FFFF;
	_ =	strace $0x9FFFFFFF  }
0xc3: {  	(tm) =	ssettm $0x7FFFFFFF  }
tec
execute0_lowered:
.L_overlay_start_1:
0x0: {  	(tag) =	ssettag $0x1  }
0x1: {  	s5 =	rddreg [dreg:$0x0]  }
0x2: {  	s15 =	rddreg [dreg:$0x1]  }
0x3: {  	s2 =	rddreg [dreg:$0x2]  }
0x4: {  	s0 =	rddreg [dreg:$0x3]  }
0x5: {  	s1 =	stileid.u32;
	s4 =	srdreg.scid;
	s3 =	simm.s32 $0x0  }
0x6: {  	s19 =	simm.s32 $0x80;
	s20 =	simm.s32 $0x50;
	s21 =	simm.s32 $0x200  }
0x7: {  	s22 =	simm.s32 $0x100;
	s28 =	simm.s32 $0x0;
	s6 =	smul.u32 $0x14000, s1  }
0x8: {  	s7 =	sand.u32 $0x1, s4;
	[smem:$0x7FF] =	sst s3;
	s24 =	smul.u32 $0x50000, s1  }
0x9: {  	s4 =	sadd.s32 $0x36400, s5;
	s16 =	sadd.s32 $0x3800, s5;
	s14 =	smul.u32 $0x2800, s1  }
0xa: {  	s30 =	sshll.u32 s1, $0x6;
	s8 =	smul.u32 $0x140000, s7;
	_ =	strace $0x80000053  }
0xb: {  	s25 =	ssub.s32 $0x2, s7;
	s26 =	sshll.u32 s7, $0x4;
	s13 =	smul.u32 $0x28000, s7  }
0xc: {  	s9 =	sshrl.u32 s6, $0x3;
	s10 =	sshrl.u32 s25, $0x1;
	s6 =	sadd.s32 s6, s8  }
0xd: {  	s23 =	sadd.s32 s9, s5;
	s9 =	sshrl.u32 s24, $0x2;
	s12 =	ssub.s32 s25, s10  }
0xe: {  	s13 =	sadd.s32 s14, s13;
	s24 =	simm.s32 $0x1;
	s25 =	simm.s32 $0x2A00  }
0xf: {  	s6 =	sshrl.u32 s6, $0x3;
	s17 =	sadd.s32 s9, s2;
	s14 =	sor.u32 $0xA0, s13  }
0x10: {  	s13 =	sor.u32 $0x50, s13;
	s12 =	smax.u32 s12, $0x1;
	s11 =	sadd.s32 s6, s5  }
0x11: {  	s6 =	sor.u32 s1, s26;
	s5 =	sadd.s32 $0xE400, s23;
	s14 =	sshrl.u32 s14, $0x3  }
0x12: {  	s18 =	sshrl.u32 s13, $0x3;
	s17 =	sshrl.u32 s17, $0x3;
	s29 =	smul.u32 $0x2800, s6  }
0x13: {  	s23 =	simm.s32 $0x180;
	s26 =	simm.s32 $0x2;
	s6 =	sor.u32 $0x1C03, s30  }
0x14: {  	s11 =	sadd.s32 $0x5E400, s11;
	s13 =	sadd.s32 s14, s15;
	s31 =	sshrl.u32 s29, $0x3  }
0x15: {  	s14 =	sadd.s32 s14, s16;
	s7 =	sadd.s32 s16, s31;
	s10 =	sadd.s32 $0x4F6, s31  }
0x16: {  	s8 =	sadd.s32 s15, s31;
	s9 =	sadd.s32 s16, s10;
	s10 =	sadd.s32 s15, s10  }
0x17: {  	s15 =	sadd.s32 s18, s15;
	s16 =	sadd.s32 s18, s16;
	s18 =	simm.s32 $0x3  }
.LBB2_1:
0x18: {  	[spmem:s17], [sflag:s6] =	dma.local [hbm:s5], $0x2800  }
0x19: {  	_ =	swait.ge [sflag:s18], $0x2800  }
0x1a: {  	[sflag:s18] =	ssyncset.done $0x0  }
0x1b: {  	[sflag:s18] =	ssyncadd.s32 $0xFFFFD800  }
0x1c: {  	[bflag:$0x0] =	sbarrier.arrive $0xFFFF  }
0x1d: {  	[tilespmem:s3], [sflag:$0x3] =	stream.linear.gather [hbm4b:s7+s3], $0x50, $0x38;
	[tilespmem:$0x19200] =	vst v63  }
0x1e: {  	_ =	swait.ge [sflag:s18], $0x50  }
0x1f: {  	[sflag:s18] =	ssyncset.done $0x0  }
0x20: {  	[sflag:s18] =	ssyncadd.s32 $0xFFFFFFB0  }
0x21: {  	[tilespmem:s19], [sflag:$0x3] =	stream.linear.gather [hbm4b:s8+s3], $0x50, $0x38;
	[tilespmem:$0x19200] =	vst v63  }
0x22: {  	_ =	swait.ge [sflag:s18], $0x50  }
0x23: {  	[sflag:s18] =	ssyncset.done $0x0  }
0x24: {  	[sflag:s18] =	ssyncadd.s32 $0xFFFFFFB0  }
0x25: {  	[tilespmem:s21], [sflag:$0x1] =	stream.indirect.gather [hbm4b:s4+s20], $0x80, s3, s20, $0xb8;
	[tilespmem:$0x19200] =	vst v63  }
0x26: {  	s29 =	sadd.s32 $0x0, s16  }
0x27: {  	[tilespmem:s22], [sflag:$0x3] =	stream.linear.gather [hbm4b:s29+s3], $0x50, $0x38;
	[tilespmem:$0x19200] =	vst v63  }
0x28: {  	_ =	swait.ge [sflag:s18], $0x50  }
0x29: {  	[sflag:s18] =	ssyncset.done $0x0  }
0x2a: {  	s29 =	sadd.s32 $0x0, s15;
	[sflag:s18] =	ssyncadd.s32 $0xFFFFFFB0  }
0x2b: {  	[tilespmem:s23], [sflag:$0x3] =	stream.linear.gather [hbm4b:s29+s3], $0x50, $0x38;
	[tilespmem:$0x19200] =	vst v63  }
0x2c: {  	_ =	swait.ge [sflag:s18], $0x50  }
0x2d: {  	[sflag:s18] =	ssyncset.done $0x0  }
0x2e: {  	[sflag:s18] =	ssyncadd.s32 $0xFFFFFFB0  }
0x2f: {  	_ =	swait.ge [sflag:s24], $0x2800  }
0x30: {  	[sflag:s24] =	ssyncset.done $0x0  }
0x31: {  	[sflag:s24] =	ssyncadd.s32 $0xFFFFD800  }
0x32: {  	[tilespmem:s25], [sflag:$0x2] =	stream.indirect.gather [hbm4b:s4+s20], $0x80, s22, s20, $0xb8;
	[tilespmem:$0x19200] =	vst v63  }
0x33: {  	_ = 	snop  }
0x34: {  	[spmem:s2] =	stream.indirect.scatter.add.f32 [tilespmem:s21], [sflag:$0x3], $0x80, s19, s20, $0xb8;
	[tilespmem:$0x19200] =	vst v63  }
0x35: {  	_ =	swait.ge [sflag:s18], $0x2800  }
0x36: {  	[sflag:s18] =	ssyncset.done $0x0  }
0x37: {  	s29 =	sadd.s32 $0x0, s14;
	[sflag:s18] =	ssyncadd.s32 $0xFFFFD800  }
0x38: {  	[tilespmem:s3], [sflag:$0x3] =	stream.linear.gather [hbm4b:s29+s3], $0x50, $0x38;
	[tilespmem:$0x19200] =	vst v63  }
0x39: {  	_ =	swait.ge [sflag:s18], $0x50  }
0x3a: {  	[sflag:s18] =	ssyncset.done $0x0  }
0x3b: {  	s29 =	sadd.s32 $0x0, s13;
	[sflag:s18] =	ssyncadd.s32 $0xFFFFFFB0  }
0x3c: {  	[tilespmem:s19], [sflag:$0x3] =	stream.linear.gather [hbm4b:s29+s3], $0x50, $0x38;
	[tilespmem:$0x19200] =	vst v63  }
0x3d: {  	_ =	swait.ge [sflag:s18], $0x50  }
0x3e: {  	[sflag:s18] =	ssyncset.done $0x0  }
0x3f: {  	[sflag:s18] =	ssyncadd.s32 $0xFFFFFFB0  }
0x40: {  	_ =	swait.ge [sflag:s26], $0x2800  }
0x41: {  	[sflag:s26] =	ssyncset.done $0x0  }
0x42: {  	[sflag:s26] =	ssyncadd.s32 $0xFFFFD800  }
0x43: {  	[tilespmem:s21], [sflag:$0x1] =	stream.indirect.gather [hbm4b:s4+s20], $0x80, s3, s20, $0xb8;
	[tilespmem:$0x19200] =	vst v63  }
0x44: {  	_ = 	snop  }
0x45: {  	[spmem:s2] =	stream.indirect.scatter.add.f32 [tilespmem:s25], [sflag:$0x3], $0x80, s23, s20, $0xb8;
	[tilespmem:$0x19200] =	vst v63  }
0x46: {  	_ =	swait.ge [sflag:s18], $0x2800  }
0x47: {  	s29 =	simm.s32 $0x14;
	[sflag:s18] =	ssyncset.done $0x0  }
.LBB2_2:
0x48: {  	p0 =	sne.s32 s29, $0x4D8  }
0x49: {  	[sflag:s18] =	ssyncadd.s32 $0xFFFFD800;
	s30 =	smov.u32 s29;
	s29 =	sadd.s32 $0x14, s29  }
0x4a: {  	s31 =	sadd.s32 s30, s16  }
0x4b: {  	[tilespmem:s22], [sflag:$0x3] =	stream.linear.gather [hbm4b:s31+s3], $0x50, $0x38;
	[tilespmem:$0x19200] =	vst v63  }
0x4c: {  	_ =	swait.ge [sflag:s18], $0x50  }
0x4d: {  	[sflag:s18] =	ssyncset.done $0x0  }
0x4e: {  	s31 =	sadd.s32 s30, s15;
	[sflag:s18] =	ssyncadd.s32 $0xFFFFFFB0  }
0x4f: {  	[tilespmem:s23], [sflag:$0x3] =	stream.linear.gather [hbm4b:s31+s3], $0x50, $0x38;
	[tilespmem:$0x19200] =	vst v63  }
0x50: {  	_ =	swait.ge [sflag:s18], $0x50  }
0x51: {  	[sflag:s18] =	ssyncset.done $0x0  }
0x52: {  	[sflag:s18] =	ssyncadd.s32 $0xFFFFFFB0  }
0x53: {  	_ =	swait.ge [sflag:s24], $0x2800  }
0x54: {  	[sflag:s24] =	ssyncset.done $0x0  }
0x55: {  	[sflag:s24] =	ssyncadd.s32 $0xFFFFD800  }
0x56: {  	[tilespmem:s25], [sflag:$0x2] =	stream.indirect.gather [hbm4b:s4+s20], $0x80, s22, s20, $0xb8;
	[tilespmem:$0x19200] =	vst v63  }
0x57: {  	_ = 	snop  }
0x58: {  	[spmem:s2] =	stream.indirect.scatter.add.f32 [tilespmem:s21], [sflag:$0x3], $0x80, s19, s20, $0xb8;
	[tilespmem:$0x19200] =	vst v63  }
0x59: {  	_ =	swait.ge [sflag:s18], $0x2800  }
0x5a: {  	[sflag:s18] =	ssyncset.done $0x0  }
0x5b: {  	s31 =	sadd.s32 s30, s14;
	[sflag:s18] =	ssyncadd.s32 $0xFFFFD800  }
0x5c: {  	[tilespmem:s3], [sflag:$0x3] =	stream.linear.gather [hbm4b:s31+s3], $0x50, $0x38;
	[tilespmem:$0x19200] =	vst v63  }
0x5d: {  	_ =	swait.ge [sflag:s18], $0x50  }
0x5e: {  	[sflag:s18] =	ssyncset.done $0x0  }
0x5f: {  	s30 =	sadd.s32 s30, s13;
	[sflag:s18] =	ssyncadd.s32 $0xFFFFFFB0  }
0x60: {  	[tilespmem:s19], [sflag:$0x3] =	stream.linear.gather [hbm4b:s30+s3], $0x50, $0x38;
	[tilespmem:$0x19200] =	vst v63  }
0x61: {  	_ =	swait.ge [sflag:s18], $0x50  }
0x62: {  	[sflag:s18] =	ssyncset.done $0x0  }
0x63: {  	[sflag:s18] =	ssyncadd.s32 $0xFFFFFFB0  }
0x64: {  	_ =	swait.ge [sflag:s26], $0x2800  }
0x65: {  	[sflag:s26] =	ssyncset.done $0x0  }
0x66: {  	[sflag:s26] =	ssyncadd.s32 $0xFFFFD800  }
0x67: {  	[tilespmem:s21], [sflag:$0x1] =	stream.indirect.gather [hbm4b:s4+s20], $0x80, s3, s20, $0xb8;
	[tilespmem:$0x19200] =	vst v63  }
.Ltmp0:
0x68: {  	_ = 	snop;
	(pc) =	sbr.rel @p0 .LBB2_2-.Ltmp0, $4  }
0x69: {  	_ = 	snop  }
0x6a: {  	[spmem:s2] =	stream.indirect.scatter.add.f32 [tilespmem:s25], [sflag:$0x3], $0x80, s23, s20, $0xb8;
	[tilespmem:$0x19200] =	vst v63  }
0x6b: {  	_ =	swait.ge [sflag:s18], $0x2800  }
0x6c: {  	[sflag:s18] =	ssyncset.done $0x0  }
0x6d: {  	[sflag:s18] =	ssyncadd.s32 $0xFFFFD800  }
0x6e: {  	[tilespmem:s22], [sflag:$0x3] =	stream.linear.gather [hbm4b:s9+s3], $0x50, $0x38;
	[tilespmem:$0x19200] =	vst v63  }
0x6f: {  	_ =	swait.ge [sflag:s18], $0x50  }
0x70: {  	[sflag:s18] =	ssyncset.done $0x0  }
0x71: {  	[sflag:s18] =	ssyncadd.s32 $0xFFFFFFB0  }
0x72: {  	[tilespmem:s23], [sflag:$0x3] =	stream.linear.gather [hbm4b:s10+s3], $0x50, $0x38;
	[tilespmem:$0x19200] =	vst v63  }
0x73: {  	_ =	swait.ge [sflag:s18], $0x50  }
0x74: {  	[sflag:s18] =	ssyncset.done $0x0  }
0x75: {  	[sflag:s18] =	ssyncadd.s32 $0xFFFFFFB0  }
0x76: {  	_ =	swait.ge [sflag:s24], $0x2800  }
0x77: {  	[sflag:s24] =	ssyncset.done $0x0  }
0x78: {  	[sflag:s24] =	ssyncadd.s32 $0xFFFFD800  }
0x79: {  	[tilespmem:s25], [sflag:$0x2] =	stream.indirect.gather [hbm4b:s4+s20], $0x80, s22, s20, $0xb8;
	[tilespmem:$0x19200] =	vst v63  }
0x7a: {  	_ = 	snop  }
0x7b: {  	[spmem:s2] =	stream.indirect.scatter.add.f32 [tilespmem:s21], [sflag:$0x3], $0x80, s19, s20, $0xb8;
	[tilespmem:$0x19200] =	vst v63  }
0x7c: {  	_ =	swait.ge [sflag:s18], $0x2800  }
0x7d: {  	[sflag:s18] =	ssyncset.done $0x0  }
0x7e: {  	[sflag:s18] =	ssyncadd.s32 $0xFFFFD800  }
0x7f: {  	_ =	swait.ge [sflag:s26], $0x2800  }
0x80: {  	[sflag:s26] =	ssyncset.done $0x0  }
0x81: {  	[sflag:s26] =	ssyncadd.s32 $0xFFFFD800  }
0x82: {  	[spmem:s2] =	stream.indirect.scatter.add.f32 [tilespmem:s25], [sflag:$0x3], $0x80, s23, s20, $0xb8;
	[tilespmem:$0x19200] =	vst v63  }
0x83: {  	_ =	swait.ge [sflag:s18], $0x2800  }
0x84: {  	s28 =	sadd.s32 $0x1, s28;
	[sflag:s18] =	ssyncset.done $0x0  }
0x85: {  	p0 =	sne.s32 s28, s12;
	[sflag:s18] =	ssyncadd.s32 $0xFFFFD800  }
.Ltmp1:
0x86: {  	[bflag:$0x0] =	sbarrier.arrive $0xFFFF;
	(pc) =	sbr.rel @p0 .LBB2_1-.Ltmp1, $4  }
0x87: {  	[hbm:s11], [sflag:s6] =	dma.local [spmem:s17], $0x2800  }
0x88: {  	_ =	swait.ge [sflag:s18], $0x2800  }
0x89: {  	[sflag:s18] =	ssyncset.done $0x0  }
0x8a: {  	[sflag:s18] =	ssyncadd.s32 $0xFFFFD800  }
0x8b: {  	_ =	sfence.sel $0x180000  }
0x8c: {  	[bflag:$0x0] =	sbarrier.arrive $0xFFFF  }
0x8d: {  	p0 =	sne.s32 s1, $0x0;
	_ =	strace $0x90000053  }
0x8e: {  	s0 =	sadd.s32 @!p0 $0x100000, s0;
	[bflag:$0x2] =	sbarrier.arrive $0xFFFF  }
0x8f: {  	[sflag:s0] =	ssyncadd.tile.s32 @!p0 $0x1;
	_ =	shalt  }
.Lfunc_end2:
_tile_overlayer_lowered:
.L_overlay_start_2:
0x90: {  	(tag) =	ssettag $0x2  }
0x91: {  	s0 =	rddreg [dreg:$0x0];
	s2 =	stileid.u32  }
0x92: {  	s1 =	rddreg [dreg:$0x1];
	p0 =	sne.s32 s2, $0x0  }
0x93: {  	s3 =	rddreg [dreg:$0x2];
	[bflag:$0x3] =	sbarrier.arrive $0xFFFF;
	s2 =	simm.s32 @!p0 $0x1C03  }
0x94: {  	[timem:s3], [sflag:s2] =	dma.local @!p0 [hbm:s0], s1  }
0x95: {  	s0 =	simm.s32 @!p0 $0x3  }
0x96: {  	_ =	swait.ge @!p0 [sflag:s0], s1  }
0x97: {  	s1 =	ssub.s32 @!p0 $0x0, s1;
	[sflag:s0] =	ssyncset.done @!p0 $0x0  }
0x98: {  	[sflag:s0] =	ssyncadd.s32 @!p0 s1  }
0x99: {  	[bflag:$0x3] =	sbarrier.arrive $0xFFFF  }
0x9a: {  	_ =	shalt  }

</sc_bundles>
